<compile_context>
chip_gen: v7x
topology: tpu7x:2x2x1
jax: 0.10.2.dev20260603
libtpu: 0.0.44.dev20260713+nightly
codegen_flags: <defaults>
</compile_context>

<pallas_src>
import functools

import jax
import jax.numpy as jnp
from jax import lax
from jax.experimental import pallas as pl
from jax.experimental.pallas import tpu as pltpu
from jax.experimental.pallas import tpu_sc as plsc

_BASE = 10
_D = 6
_LANES = 16

_NC, _NS = 2, 16
_NW = _NC * _NS

_BB = 128
_LC = 20
_CC = _LC * _D


def _digit_kernel_body(B, L, x_hbm, out_hbm, in_v, xt_v, out_c, sems, in_sem):
    nblk = B // _BB
    blk_per_w = nblk // _NW
    nchunk = L // _LC

    wid = lax.axis_index("s") * _NC + lax.axis_index("c")

    iota = lax.iota(jnp.int32, _LANES)
    tstarts = list(range(0, L - _LANES + 1, _LANES))
    if tstarts[-1] != L - _LANES:
        tstarts.append(L - _LANES)
    tr_idx = {s: (iota + s) * _BB for s in tstarts}
    recips = [jnp.full((_LANES,), 1.0 / (_BASE ** j), dtype=jnp.float32)
              for j in range(1, _D)]
    ten = jnp.full((_LANES,), _BASE, dtype=jnp.int32)

    def in_slab(bi):
        b0 = (wid * blk_per_w + bi) * _BB
        return x_hbm.at[pl.ds(b0, _BB), :]

    pltpu.async_copy(in_slab(0), in_v, in_sem)

    def blk_body(bi, carry):
        blk = wid * blk_per_w + bi
        b0 = blk * _BB
        pltpu.make_async_copy(in_slab(bi), in_v, in_sem).wait()

        @plsc.parallel_loop(0, _BB, unroll=8)
        def tr_body(r):
            rsplat = jnp.full((_LANES,), r, dtype=jnp.int32)
            for s in tstarts:
                xv = in_v[r, pl.ds(s, _LANES)]
                plsc.store_scatter(xt_v, [tr_idx[s] + rsplat], xv)

        @pl.when(bi + 1 < blk_per_w)
        def _():
            pltpu.async_copy(in_slab(bi + 1), in_v, in_sem)

        def chunk_body(cc, carry2):
            gi = bi * nchunk + cc
            buf = lax.rem(gi, 3)
            l0 = cc * _LC
            row0 = pl.multiple_of(cc * _CC, _CC)
            dst = out_hbm.at[pl.ds(row0, _CC), pl.ds(b0, _BB)]
            src = out_c.at[buf]
            @pl.when(gi >= 3)
            def _():
                pltpu.make_async_copy(src, dst, sems.at[buf]).wait()

            @plsc.parallel_loop(0, _LC, unroll=2)
            def l_body(li):
                for g in range(_BB // _LANES):
                    xv = xt_v[pl.ds((l0 + li) * _BB + g * _LANES, _LANES)]
                    xf = xv.astype(jnp.float32)
                    p = [xv]
                    for rc in recips:
                        p.append((xf * rc).astype(jnp.int32))
                    for j in range(_D):
                        if j < _D - 1:
                            dig = p[j] - ten * p[j + 1]
                        else:
                            dig = p[j]
                        out_c[buf, _D * li + (_D - 1 - j),
                              pl.ds(g * _LANES, _LANES)] = dig

            pltpu.async_copy(src, dst, sems.at[buf])
            return carry2

        lax.fori_loop(0, nchunk, chunk_body, 0)
        return carry

    lax.fori_loop(0, blk_per_w, blk_body, 0)

    tail = out_hbm.at[pl.ds(0, _CC), pl.ds(wid * blk_per_w * _BB, _BB)]
    for b in range(3):
        pltpu.make_async_copy(out_c.at[b], tail, sems.at[b]).wait()


@functools.partial(jax.jit, static_argnums=(1, 2))
def _digits_t(x, B, L):
    mesh = plsc.VectorSubcoreMesh(core_axis_name="c", subcore_axis_name="s")
    kern = pl.kernel(
        functools.partial(_digit_kernel_body, B, L),
        out_type=jax.ShapeDtypeStruct((L * _D, B), jnp.int32),
        mesh=mesh,
        scratch_types=[
            pltpu.VMEM((_BB, L), jnp.int32),
            pltpu.VMEM((L * _BB,), jnp.int32),
            pltpu.VMEM((3, _CC, _BB), jnp.int32),
            pltpu.SemaphoreType.DMA((3,)),
            pltpu.SemaphoreType.DMA,
        ],
        compiler_params=pltpu.CompilerParams(needs_layout_passes=False),
    )
    return kern(x)


def kernel(x, lookup_table):
    B, L = x.shape
    del lookup_table
    return _digits_t(x, B, L).T

# --- scband reference (transcript-rebuilt; emitter-appended) ---
"""Pipeline reference for scband-baseb-layer-55078660604428 (READ-ONLY COPY).

The authoritative reference and input builder live on the scoring server;
editing this copy changes nothing except your own understanding.
"""

import jax, jax.numpy as jnp
import numpy as np

BASE = 10
TARGET_LENGTH = 6
B = 16384
L = 200


def setup_inputs(seed: int = 0) -> dict:
    key = jax.random.key(seed)
    max_value = BASE ** TARGET_LENGTH
    # buffers built exactly as in BasebLayer.__init__
    mask = BASE ** jnp.arange(TARGET_LENGTH - 1, -1, -1)
    values = jnp.arange(max_value)
    lookup_table = ((values[:, None] // mask) % BASE).astype(jnp.int32)
    x = jax.random.randint(key, (B, L), 0, max_value, dtype=jnp.int32)
    return {"x": x, "lookup_table": lookup_table}


def reference(x, lookup_table):
    # faithful translation of BasebLayer.forward (target_length != 1 path)
    Bx, Lx = x.shape
    flat_x = x.reshape(Bx * Lx)
    y_code = jnp.take(lookup_table, flat_x, axis=0)
    y = y_code.reshape(Bx, -1)
    return y

if __name__ == "__main__":
    import jax
    _d = setup_inputs()
    print(jax.jit(kernel)(*tuple(_d.values())))

</pallas_src>

<mosaic_0001>
#map = affine_map<(d0, d1) -> (0, 0)>
module attributes {stable_mosaic.version = 14 : i64} {
  func.func @_digit_kernel_body(%arg0: i32, %arg1: i32, %arg2: memref<16384x200xi32, #tpu.memory_space<hbm>>, %arg3: memref<1200x16384xi32, #tpu.memory_space<hbm>>, %arg4: memref<128x200xi32, #tpu.memory_space<vmem>>, %arg5: memref<25600xi32, #tpu.memory_space<vmem>>, %arg6: memref<3x120x128xi32, #tpu.memory_space<vmem>>, %arg7: memref<3x!tpu.dma_semaphore, #tpu.memory_space<semaphore_mem>>, %arg8: memref<!tpu.dma_semaphore, #tpu.memory_space<semaphore_mem>>) attributes {dimension_semantics = [#tpu.dimension_semantics<core_parallel>, #tpu.dimension_semantics<subcore_parallel>], iteration_bounds = array<i64: 2, 16>, scalar_prefetch = 0 : i64, scratch_operands = 5 : i64, tpu.core_type = #tpu.core_type<sc_vector_subcore>, window_params = [{transform_indices = #map}, {transform_indices = #map}]} {
    %mul3A = arith.constant 2 : i32
    %mul3A_0 = arith.muli %arg1, %mul3A : i32
    %add3A = arith.addi %mul3A_0, %arg0 : i32
    %iota3A = tpu.iota {dimensions = array<i32: 0>} : vector<16xi32>
    %add3A_1 = arith.constant 0 : i32
    %add3A_2 = vector.broadcast %add3A_1 : i32 to vector<16xi32>
    %add3A_3 = arith.addi %iota3A, %add3A_2 : vector<16xi32>
    %mul3A_4 = arith.constant 128 : i32
    %mul3A_5 = vector.broadcast %mul3A_4 : i32 to vector<16xi32>
    %mul3A_6 = arith.muli %add3A_3, %mul3A_5 : vector<16xi32>
    %add3A_7 = arith.constant 16 : i32
    %add3A_8 = vector.broadcast %add3A_7 : i32 to vector<16xi32>
    %add3A_9 = arith.addi %iota3A, %add3A_8 : vector<16xi32>
    %mul3A_10 = arith.constant 128 : i32
    %mul3A_11 = vector.broadcast %mul3A_10 : i32 to vector<16xi32>
    %mul3A_12 = arith.muli %add3A_9, %mul3A_11 : vector<16xi32>
    %add3A_13 = arith.constant 32 : i32
    %add3A_14 = vector.broadcast %add3A_13 : i32 to vector<16xi32>
    %add3A_15 = arith.addi %iota3A, %add3A_14 : vector<16xi32>
    %mul3A_16 = arith.constant 128 : i32
    %mul3A_17 = vector.broadcast %mul3A_16 : i32 to vector<16xi32>
    %mul3A_18 = arith.muli %add3A_15, %mul3A_17 : vector<16xi32>
    %add3A_19 = arith.constant 48 : i32
    %add3A_20 = vector.broadcast %add3A_19 : i32 to vector<16xi32>
    %add3A_21 = arith.addi %iota3A, %add3A_20 : vector<16xi32>
    %mul3A_22 = arith.constant 128 : i32
    %mul3A_23 = vector.broadcast %mul3A_22 : i32 to vector<16xi32>
    %mul3A_24 = arith.muli %add3A_21, %mul3A_23 : vector<16xi32>
    %add3A_25 = arith.constant 64 : i32
    %add3A_26 = vector.broadcast %add3A_25 : i32 to vector<16xi32>
    %add3A_27 = arith.addi %iota3A, %add3A_26 : vector<16xi32>
    %mul3A_28 = arith.constant 128 : i32
    %mul3A_29 = vector.broadcast %mul3A_28 : i32 to vector<16xi32>
    %mul3A_30 = arith.muli %add3A_27, %mul3A_29 : vector<16xi32>
    %add3A_31 = arith.constant 80 : i32
    %add3A_32 = vector.broadcast %add3A_31 : i32 to vector<16xi32>
    %add3A_33 = arith.addi %iota3A, %add3A_32 : vector<16xi32>
    %mul3A_34 = arith.constant 128 : i32
    %mul3A_35 = vector.broadcast %mul3A_34 : i32 to vector<16xi32>
    %mul3A_36 = arith.muli %add3A_33, %mul3A_35 : vector<16xi32>
    %add3A_37 = arith.constant 96 : i32
    %add3A_38 = vector.broadcast %add3A_37 : i32 to vector<16xi32>
    %add3A_39 = arith.addi %iota3A, %add3A_38 : vector<16xi32>
    %mul3A_40 = arith.constant 128 : i32
    %mul3A_41 = vector.broadcast %mul3A_40 : i32 to vector<16xi32>
    %mul3A_42 = arith.muli %add3A_39, %mul3A_41 : vector<16xi32>
    %add3A_43 = arith.constant 112 : i32
    %add3A_44 = vector.broadcast %add3A_43 : i32 to vector<16xi32>
    %add3A_45 = arith.addi %iota3A, %add3A_44 : vector<16xi32>
    %mul3A_46 = arith.constant 128 : i32
    %mul3A_47 = vector.broadcast %mul3A_46 : i32 to vector<16xi32>
    %mul3A_48 = arith.muli %add3A_45, %mul3A_47 : vector<16xi32>
    %add3A_49 = arith.constant 128 : i32
    %add3A_50 = vector.broadcast %add3A_49 : i32 to vector<16xi32>
    %add3A_51 = arith.addi %iota3A, %add3A_50 : vector<16xi32>
    %mul3A_52 = arith.constant 128 : i32
    %mul3A_53 = vector.broadcast %mul3A_52 : i32 to vector<16xi32>
    %mul3A_54 = arith.muli %add3A_51, %mul3A_53 : vector<16xi32>
    %add3A_55 = arith.constant 144 : i32
    %add3A_56 = vector.broadcast %add3A_55 : i32 to vector<16xi32>
    %add3A_57 = arith.addi %iota3A, %add3A_56 : vector<16xi32>
    %mul3A_58 = arith.constant 128 : i32
    %mul3A_59 = vector.broadcast %mul3A_58 : i32 to vector<16xi32>
    %mul3A_60 = arith.muli %add3A_57, %mul3A_59 : vector<16xi32>
    %add3A_61 = arith.constant 160 : i32
    %add3A_62 = vector.broadcast %add3A_61 : i32 to vector<16xi32>
    %add3A_63 = arith.addi %iota3A, %add3A_62 : vector<16xi32>
    %mul3A_64 = arith.constant 128 : i32
    %mul3A_65 = vector.broadcast %mul3A_64 : i32 to vector<16xi32>
    %mul3A_66 = arith.muli %add3A_63, %mul3A_65 : vector<16xi32>
    %add3A_67 = arith.constant 176 : i32
    %add3A_68 = vector.broadcast %add3A_67 : i32 to vector<16xi32>
    %add3A_69 = arith.addi %iota3A, %add3A_68 : vector<16xi32>
    %mul3A_70 = arith.constant 128 : i32
    %mul3A_71 = vector.broadcast %mul3A_70 : i32 to vector<16xi32>
    %mul3A_72 = arith.muli %add3A_69, %mul3A_71 : vector<16xi32>
    %add3A_73 = arith.constant 184 : i32
    %add3A_74 = vector.broadcast %add3A_73 : i32 to vector<16xi32>
    %add3A_75 = arith.addi %iota3A, %add3A_74 : vector<16xi32>
    %mul3A_76 = arith.constant 128 : i32
    %mul3A_77 = vector.broadcast %mul3A_76 : i32 to vector<16xi32>
    %mul3A_78 = arith.muli %add3A_75, %mul3A_77 : vector<16xi32>
    %broadcast_in_dim3A = arith.constant 1.000000e-01 : f32
    %broadcast_in_dim3A_79 = vector.broadcast %broadcast_in_dim3A : f32 to vector<16xf32>
    %broadcast_in_dim3A_80 = arith.constant 0.00999999977 : f32
    %broadcast_in_dim3A_81 = vector.broadcast %broadcast_in_dim3A_80 : f32 to vector<16xf32>
    %broadcast_in_dim3A_82 = arith.constant 1.000000e-03 : f32
    %broadcast_in_dim3A_83 = vector.broadcast %broadcast_in_dim3A_82 : f32 to vector<16xf32>
    %broadcast_in_dim3A_84 = arith.constant 9.99999974E-5 : f32
    %broadcast_in_dim3A_85 = vector.broadcast %broadcast_in_dim3A_84 : f32 to vector<16xf32>
    %broadcast_in_dim3A_86 = arith.constant 9.99999974E-6 : f32
    %broadcast_in_dim3A_87 = vector.broadcast %broadcast_in_dim3A_86 : f32 to vector<16xf32>
    %broadcast_in_dim3A_88 = arith.constant 10 : i32
    %broadcast_in_dim3A_89 = vector.broadcast %broadcast_in_dim3A_88 : i32 to vector<16xi32>
    %mul3A_90 = arith.constant 4 : i32
    %mul3A_91 = arith.muli %add3A, %mul3A_90 : i32
    %add3A_92 = arith.constant 0 : i32
    %add3A_93 = arith.addi %mul3A_91, %add3A_92 : i32
    %mul3A_94 = arith.constant 128 : i32
    %mul3A_95 = arith.muli %add3A_93, %mul3A_94 : i32
    %dma_start3A = arith.constant 0 : i32
    %dma_start3A_96 = tpu.memref_slice %arg2[%mul3A_95, %dma_start3A] : memref<16384x200xi32, #tpu.memory_space<hbm>> -> memref<128x200xi32, #tpu.memory_space<hbm>>
    %dma_start3A_97 = arith.constant 0 : i32
    %dma_start3A_98 = tpu.memref_slice %arg2[%mul3A_95, %dma_start3A_97] : memref<16384x200xi32, #tpu.memory_space<hbm>> -> memref<128x200xi32, #tpu.memory_space<hbm>>
    tpu.enqueue_dma source(%dma_start3A_98 : memref<128x200xi32, #tpu.memory_space<hbm>>) target(%arg4 : memref<128x200xi32, #tpu.memory_space<vmem>>) target_semaphore(%arg8 : memref<!tpu.dma_semaphore, #tpu.memory_space<semaphore_mem>>)
    %scan3A = arith.constant 0 : i32
    %scan3A_99 = arith.constant 0 : i32
    %scan3A_100 = arith.constant 4 : i32
    %scan3A_101 = arith.addi %scan3A_99, %scan3A_100 : i32
    %scan3A_102 = arith.constant 1 : i32
    scf.for %scan3A_155 = %scan3A_99 to %scan3A_101 step %scan3A_102  : i32 {
      %mul3A_156 = arith.constant 4 : i32
      %mul3A_157 = arith.muli %add3A, %mul3A_156 : i32
      %add3A_158 = arith.addi %mul3A_157, %scan3A_155 : i32
      %mul3A_159 = arith.constant 128 : i32
      %mul3A_160 = arith.muli %add3A_158, %mul3A_159 : i32
      %mul3A_161 = arith.constant 4 : i32
      %mul3A_162 = arith.muli %add3A, %mul3A_161 : i32
      %add3A_163 = arith.addi %mul3A_162, %scan3A_155 : i32
      %mul3A_164 = arith.constant 128 : i32
      %mul3A_165 = arith.muli %add3A_163, %mul3A_164 : i32
      %dma_wait3A_166 = arith.constant 0 : i32
      %dma_wait3A_167 = tpu.memref_slice %arg2[%mul3A_165, %dma_wait3A_166] : memref<16384x200xi32, #tpu.memory_space<hbm>> -> memref<128x200xi32, #tpu.memory_space<hbm>>
      %dma_wait3A_168 = arith.constant 0 : i32
      %dma_wait3A_169 = tpu.memref_slice %arg2[%mul3A_165, %dma_wait3A_168] : memref<16384x200xi32, #tpu.memory_space<hbm>> -> memref<128x200xi32, #tpu.memory_space<hbm>>
      tpu.wait_dma2 semaphore(%arg8 : memref<!tpu.dma_semaphore, #tpu.memory_space<semaphore_mem>>) src(%dma_wait3A_169 : memref<128x200xi32, #tpu.memory_space<hbm>>) dst(%arg4 : memref<128x200xi32, #tpu.memory_space<vmem>>)
      %parallel_loop3A = arith.constant 0 : i32
      %parallel_loop3A_170 = arith.constant 128 : i32
      %parallel_loop3A_171 = arith.constant 1 : i32
      scf.for %parallel_loop3A_182 = %parallel_loop3A to %parallel_loop3A_170 step %parallel_loop3A_171  : i32 {
        %parallel_loop3A_183 = vector.broadcast %parallel_loop3A_182 : i32 to vector<16xi32>
        %parallel_loop3A_184 = arith.index_cast %parallel_loop3A_182 : i32 to index
        %parallel_loop3A_185 = arith.constant 0 : index
        %parallel_loop3A_186 = tpu.vector_load %arg4[%parallel_loop3A_184, %parallel_loop3A_185] {strides = array<i32>} : memref<128x200xi32, #tpu.memory_space<vmem>>, vector<16xi32>,
        %parallel_loop3A_187 = arith.addi %mul3A_6, %parallel_loop3A_183 : vector<16xi32>
        tpu.vector_store_idx %arg5[%parallel_loop3A_187], %parallel_loop3A_186 : memref<25600xi32, #tpu.memory_space<vmem>>[vector<16xi32>], vector<16xi32>,
        %parallel_loop3A_188 = arith.index_cast %parallel_loop3A_182 : i32 to index
        %parallel_loop3A_189 = arith.constant 16 : index
        %parallel_loop3A_190 = tpu.vector_load %arg4[%parallel_loop3A_188, %parallel_loop3A_189] {strides = array<i32>} : memref<128x200xi32, #tpu.memory_space<vmem>>, vector<16xi32>,
        %parallel_loop3A_191 = arith.addi %mul3A_12, %parallel_loop3A_183 : vector<16xi32>
        tpu.vector_store_idx %arg5[%parallel_loop3A_191], %parallel_loop3A_190 : memref<25600xi32, #tpu.memory_space<vmem>>[vector<16xi32>], vector<16xi32>,
        %parallel_loop3A_192 = arith.index_cast %parallel_loop3A_182 : i32 to index
        %parallel_loop3A_193 = arith.constant 32 : index
        %parallel_loop3A_194 = tpu.vector_load %arg4[%parallel_loop3A_192, %parallel_loop3A_193] {strides = array<i32>} : memref<128x200xi32, #tpu.memory_space<vmem>>, vector<16xi32>,
        %parallel_loop3A_195 = arith.addi %mul3A_18, %parallel_loop3A_183 : vector<16xi32>
        tpu.vector_store_idx %arg5[%parallel_loop3A_195], %parallel_loop3A_194 : memref<25600xi32, #tpu.memory_space<vmem>>[vector<16xi32>], vector<16xi32>,
        %parallel_loop3A_196 = arith.index_cast %parallel_loop3A_182 : i32 to index
        %parallel_loop3A_197 = arith.constant 48 : index
        %parallel_loop3A_198 = tpu.vector_load %arg4[%parallel_loop3A_196, %parallel_loop3A_197] {strides = array<i32>} : memref<128x200xi32, #tpu.memory_space<vmem>>, vector<16xi32>,
        %parallel_loop3A_199 = arith.addi %mul3A_24, %parallel_loop3A_183 : vector<16xi32>
        tpu.vector_store_idx %arg5[%parallel_loop3A_199], %parallel_loop3A_198 : memref<25600xi32, #tpu.memory_space<vmem>>[vector<16xi32>], vector<16xi32>,
        %parallel_loop3A_200 = arith.index_cast %parallel_loop3A_182 : i32 to index
        %parallel_loop3A_201 = arith.constant 64 : index
        %parallel_loop3A_202 = tpu.vector_load %arg4[%parallel_loop3A_200, %parallel_loop3A_201] {strides = array<i32>} : memref<128x200xi32, #tpu.memory_space<vmem>>, vector<16xi32>,
        %parallel_loop3A_203 = arith.addi %mul3A_30, %parallel_loop3A_183 : vector<16xi32>
        tpu.vector_store_idx %arg5[%parallel_loop3A_203], %parallel_loop3A_202 : memref<25600xi32, #tpu.memory_space<vmem>>[vector<16xi32>], vector<16xi32>,
        %parallel_loop3A_204 = arith.index_cast %parallel_loop3A_182 : i32 to index
        %parallel_loop3A_205 = arith.constant 80 : index
        %parallel_loop3A_206 = tpu.vector_load %arg4[%parallel_loop3A_204, %parallel_loop3A_205] {strides = array<i32>} : memref<128x200xi32, #tpu.memory_space<vmem>>, vector<16xi32>,
        %parallel_loop3A_207 = arith.addi %mul3A_36, %parallel_loop3A_183 : vector<16xi32>
        tpu.vector_store_idx %arg5[%parallel_loop3A_207], %parallel_loop3A_206 : memref<25600xi32, #tpu.memory_space<vmem>>[vector<16xi32>], vector<16xi32>,
        %parallel_loop3A_208 = arith.index_cast %parallel_loop3A_182 : i32 to index
        %parallel_loop3A_209 = arith.constant 96 : index
        %parallel_loop3A_210 = tpu.vector_load %arg4[%parallel_loop3A_208, %parallel_loop3A_209] {strides = array<i32>} : memref<128x200xi32, #tpu.memory_space<vmem>>, vector<16xi32>,
        %parallel_loop3A_211 = arith.addi %mul3A_42, %parallel_loop3A_183 : vector<16xi32>
        tpu.vector_store_idx %arg5[%parallel_loop3A_211], %parallel_loop3A_210 : memref<25600xi32, #tpu.memory_space<vmem>>[vector<16xi32>], vector<16xi32>,
        %parallel_loop3A_212 = arith.index_cast %parallel_loop3A_182 : i32 to index
        %parallel_loop3A_213 = arith.constant 112 : index
        %parallel_loop3A_214 = tpu.vector_load %arg4[%parallel_loop3A_212, %parallel_loop3A_213] {strides = array<i32>} : memref<128x200xi32, #tpu.memory_space<vmem>>, vector<16xi32>,
        %parallel_loop3A_215 = arith.addi %mul3A_48, %parallel_loop3A_183 : vector<16xi32>
        tpu.vector_store_idx %arg5[%parallel_loop3A_215], %parallel_loop3A_214 : memref<25600xi32, #tpu.memory_space<vmem>>[vector<16xi32>], vector<16xi32>,
        %parallel_loop3A_216 = arith.index_cast %parallel_loop3A_182 : i32 to index
        %parallel_loop3A_217 = arith.constant 128 : index
        %parallel_loop3A_218 = tpu.vector_load %arg4[%parallel_loop3A_216, %parallel_loop3A_217] {strides = array<i32>} : memref<128x200xi32, #tpu.memory_space<vmem>>, vector<16xi32>,
        %parallel_loop3A_219 = arith.addi %mul3A_54, %parallel_loop3A_183 : vector<16xi32>
        tpu.vector_store_idx %arg5[%parallel_loop3A_219], %parallel_loop3A_218 : memref<25600xi32, #tpu.memory_space<vmem>>[vector<16xi32>], vector<16xi32>,
        %parallel_loop3A_220 = arith.index_cast %parallel_loop3A_182 : i32 to index
        %parallel_loop3A_221 = arith.constant 144 : index
        %parallel_loop3A_222 = tpu.vector_load %arg4[%parallel_loop3A_220, %parallel_loop3A_221] {strides = array<i32>} : memref<128x200xi32, #tpu.memory_space<vmem>>, vector<16xi32>,
        %parallel_loop3A_223 = arith.addi %mul3A_60, %parallel_loop3A_183 : vector<16xi32>
        tpu.vector_store_idx %arg5[%parallel_loop3A_223], %parallel_loop3A_222 : memref<25600xi32, #tpu.memory_space<vmem>>[vector<16xi32>], vector<16xi32>,
        %parallel_loop3A_224 = arith.index_cast %parallel_loop3A_182 : i32 to index
        %parallel_loop3A_225 = arith.constant 160 : index
        %parallel_loop3A_226 = tpu.vector_load %arg4[%parallel_loop3A_224, %parallel_loop3A_225] {strides = array<i32>} : memref<128x200xi32, #tpu.memory_space<vmem>>, vector<16xi32>,
        %parallel_loop3A_227 = arith.addi %mul3A_66, %parallel_loop3A_183 : vector<16xi32>
        tpu.vector_store_idx %arg5[%parallel_loop3A_227], %parallel_loop3A_226 : memref<25600xi32, #tpu.memory_space<vmem>>[vector<16xi32>], vector<16xi32>,
        %parallel_loop3A_228 = arith.index_cast %parallel_loop3A_182 : i32 to index
        %parallel_loop3A_229 = arith.constant 176 : index
        %parallel_loop3A_230 = tpu.vector_load %arg4[%parallel_loop3A_228, %parallel_loop3A_229] {strides = array<i32>} : memref<128x200xi32, #tpu.memory_space<vmem>>, vector<16xi32>,
        %parallel_loop3A_231 = arith.addi %mul3A_72, %parallel_loop3A_183 : vector<16xi32>
        tpu.vector_store_idx %arg5[%parallel_loop3A_231], %parallel_loop3A_230 : memref<25600xi32, #tpu.memory_space<vmem>>[vector<16xi32>], vector<16xi32>,
        %parallel_loop3A_232 = arith.index_cast %parallel_loop3A_182 : i32 to index
        %parallel_loop3A_233 = arith.constant 184 : index
        %parallel_loop3A_234 = tpu.vector_load %arg4[%parallel_loop3A_232, %parallel_loop3A_233] {strides = array<i32>} : memref<128x200xi32, #tpu.memory_space<vmem>>, vector<16xi32>,
        %parallel_loop3A_235 = arith.addi %mul3A_78, %parallel_loop3A_183 : vector<16xi32>
        tpu.vector_store_idx %arg5[%parallel_loop3A_235], %parallel_loop3A_234 : memref<25600xi32, #tpu.memory_space<vmem>>[vector<16xi32>], vector<16xi32>,
      } {sc.loop_unroll_factor = 8 : i64, sc.parallel_access}
      %add3A_172 = arith.constant 1 : i32
      %add3A_173 = arith.addi %scan3A_155, %add3A_172 : i32
      %lt3A = arith.constant 4 : i32
      %lt3A_174 = arith.cmpi slt, %add3A_173, %lt3A : i32
      %convert_element_type3A = arith.extui %lt3A_174 : i1 to i32
      %cond3A = arith.constant 0 : i32
      %cond3A_175 = arith.cmpi ne, %convert_element_type3A, %cond3A : i32
      scf.if %cond3A_175 {
        %add3A_182 = arith.constant 1 : i32
        %add3A_183 = arith.addi %scan3A_155, %add3A_182 : i32
        %mul3A_184 = arith.constant 4 : i32
        %mul3A_185 = arith.muli %add3A, %mul3A_184 : i32
        %add3A_186 = arith.addi %mul3A_185, %add3A_183 : i32
        %mul3A_187 = arith.constant 128 : i32
        %mul3A_188 = arith.muli %add3A_186, %mul3A_187 : i32
        %dma_start3A_189 = arith.constant 0 : i32
        %dma_start3A_190 = tpu.memref_slice %arg2[%mul3A_188, %dma_start3A_189] : memref<16384x200xi32, #tpu.memory_space<hbm>> -> memref<128x200xi32, #tpu.memory_space<hbm>>
        %dma_start3A_191 = arith.constant 0 : i32
        %dma_start3A_192 = tpu.memref_slice %arg2[%mul3A_188, %dma_start3A_191] : memref<16384x200xi32, #tpu.memory_space<hbm>> -> memref<128x200xi32, #tpu.memory_space<hbm>>
        tpu.enqueue_dma source(%dma_start3A_192 : memref<128x200xi32, #tpu.memory_space<hbm>>) target(%arg4 : memref<128x200xi32, #tpu.memory_space<vmem>>) target_semaphore(%arg8 : memref<!tpu.dma_semaphore, #tpu.memory_space<semaphore_mem>>)
      } else {
      }
      %scan3A_176 = arith.constant 0 : i32
      %scan3A_177 = arith.constant 0 : i32
      %scan3A_178 = arith.constant 10 : i32
      %scan3A_179 = arith.addi %scan3A_177, %scan3A_178 : i32
      %scan3A_180 = arith.constant 1 : i32
      scf.for %scan3A_182 = %scan3A_177 to %scan3A_179 step %scan3A_180  : i32 {
        %mul3A_183 = arith.constant 10 : i32
        %mul3A_184 = arith.muli %scan3A_155, %mul3A_183 : i32
        %add3A_185 = arith.addi %mul3A_184, %scan3A_182 : i32
        %rem3A = arith.constant 3 : i32
        %rem3A_186 = arith.remsi %add3A_185, %rem3A : i32
        %mul3A_187 = arith.constant 20 : i32
        %mul3A_188 = arith.muli %scan3A_182, %mul3A_187 : i32
        %mul3A_189 = arith.constant 120 : i32
        %mul3A_190 = arith.muli %scan3A_182, %mul3A_189 : i32
        %multiple_of3A = tpu.assume_multiple %mul3A_190, 120 : i32
        %ge3A = arith.constant 3 : i32
        %ge3A_191 = arith.cmpi sge, %add3A_185, %ge3A : i32
        %convert_element_type3A_192 = arith.extui %ge3A_191 : i1 to i32
        %cond3A_193 = arith.constant 0 : i32
        %cond3A_194 = arith.cmpi ne, %convert_element_type3A_192, %cond3A_193 : i32
        scf.if %cond3A_194 {
          %dma_wait3A_210 = arith.constant 0 : i32
          %dma_wait3A_211 = arith.constant 0 : i32
          %dma_wait3A_212 = tpu.memref_slice %arg6[%rem3A_186, %dma_wait3A_210, %dma_wait3A_211] : memref<3x120x128xi32, #tpu.memory_space<vmem>> -> memref<1x120x128xi32, #tpu.memory_space<vmem>>
          %dma_wait3A_213 = tpu.memref_squeeze %dma_wait3A_212 : memref<1x120x128xi32, #tpu.memory_space<vmem>> -> memref<120x128xi32, #tpu.memory_space<vmem>>
          %dma_wait3A_214 = tpu.memref_slice %arg3[%multiple_of3A, %mul3A_160] : memref<1200x16384xi32, #tpu.memory_space<hbm>> -> memref<120x128xi32, #tpu.memory_space<hbm>>
          %dma_wait3A_215 = tpu.memref_slice %arg7[%rem3A_186] : memref<3x!tpu.dma_semaphore, #tpu.memory_space<semaphore_mem>> -> memref<1x!tpu.dma_semaphore, #tpu.memory_space<semaphore_mem>>
          %dma_wait3A_216 = tpu.memref_squeeze %dma_wait3A_215 : memref<1x!tpu.dma_semaphore, #tpu.memory_space<semaphore_mem>> -> memref<!tpu.dma_semaphore, #tpu.memory_space<semaphore_mem>>
          %dma_wait3A_217 = tpu.memref_slice %arg3[%multiple_of3A, %mul3A_160] : memref<1200x16384xi32, #tpu.memory_space<hbm>> -> memref<120x128xi32, #tpu.memory_space<hbm>>
          %dma_wait3A_218 = arith.constant 0 : i32
          %dma_wait3A_219 = arith.constant 0 : i32
          %dma_wait3A_220 = tpu.memref_slice %arg6[%rem3A_186, %dma_wait3A_218, %dma_wait3A_219] : memref<3x120x128xi32, #tpu.memory_space<vmem>> -> memref<1x120x128xi32, #tpu.memory_space<vmem>>
          %dma_wait3A_221 = tpu.memref_squeeze %dma_wait3A_220 : memref<1x120x128xi32, #tpu.memory_space<vmem>> -> memref<120x128xi32, #tpu.memory_space<vmem>>
          tpu.wait_dma2 semaphore(%dma_wait3A_216 : memref<!tpu.dma_semaphore, #tpu.memory_space<semaphore_mem>>) src(%dma_wait3A_221 : memref<120x128xi32, #tpu.memory_space<vmem>>) dst(%dma_wait3A_217 : memref<120x128xi32, #tpu.memory_space<hbm>>)
        } else {
        }
        %parallel_loop3A_195 = arith.constant 0 : i32
        %parallel_loop3A_196 = arith.constant 20 : i32
        %parallel_loop3A_197 = arith.constant 1 : i32
        scf.for %parallel_loop3A_210 = %parallel_loop3A_195 to %parallel_loop3A_196 step %parallel_loop3A_197  : i32 {
          %parallel_loop3A_211 = arith.addi %mul3A_188, %parallel_loop3A_210 : i32
          %parallel_loop3A_212 = arith.constant 128 : i32
          %parallel_loop3A_213 = arith.muli %parallel_loop3A_211, %parallel_loop3A_212 : i32
          %parallel_loop3A_214 = arith.constant 0 : i32
          %parallel_loop3A_215 = arith.addi %parallel_loop3A_213, %parallel_loop3A_214 : i32
          %parallel_loop3A_216 = arith.index_cast %parallel_loop3A_215 : i32 to index
          %parallel_loop3A_217 = tpu.vector_load %arg5[%parallel_loop3A_216] {strides = array<i32>} : memref<25600xi32, #tpu.memory_space<vmem>>, vector<16xi32>,
          %parallel_loop3A_218 = arith.sitofp %parallel_loop3A_217 : vector<16xi32> to vector<16xf32>
          %parallel_loop3A_219 = arith.mulf %parallel_loop3A_218, %broadcast_in_dim3A_79 : vector<16xf32>
          %parallel_loop3A_220 = arith.fptosi %parallel_loop3A_219 : vector<16xf32> to vector<16xi32>
          %parallel_loop3A_221 = arith.mulf %parallel_loop3A_218, %broadcast_in_dim3A_81 : vector<16xf32>
          %parallel_loop3A_222 = arith.fptosi %parallel_loop3A_221 : vector<16xf32> to vector<16xi32>
          %parallel_loop3A_223 = arith.mulf %parallel_loop3A_218, %broadcast_in_dim3A_83 : vector<16xf32>
          %parallel_loop3A_224 = arith.fptosi %parallel_loop3A_223 : vector<16xf32> to vector<16xi32>
          %parallel_loop3A_225 = arith.mulf %parallel_loop3A_218, %broadcast_in_dim3A_85 : vector<16xf32>
          %parallel_loop3A_226 = arith.fptosi %parallel_loop3A_225 : vector<16xf32> to vector<16xi32>
          %parallel_loop3A_227 = arith.mulf %parallel_loop3A_218, %broadcast_in_dim3A_87 : vector<16xf32>
          %parallel_loop3A_228 = arith.fptosi %parallel_loop3A_227 : vector<16xf32> to vector<16xi32>
          %parallel_loop3A_229 = arith.muli %broadcast_in_dim3A_89, %parallel_loop3A_220 : vector<16xi32>
          %parallel_loop3A_230 = arith.subi %parallel_loop3A_217, %parallel_loop3A_229 : vector<16xi32>
          %parallel_loop3A_231 = arith.constant 6 : i32
          %parallel_loop3A_232 = arith.muli %parallel_loop3A_231, %parallel_loop3A_210 : i32
          %parallel_loop3A_233 = arith.constant 5 : i32
          %parallel_loop3A_234 = arith.addi %parallel_loop3A_232, %parallel_loop3A_233 : i32
          %parallel_loop3A_235 = arith.index_cast %rem3A_186 : i32 to index
          %parallel_loop3A_236 = arith.index_cast %parallel_loop3A_234 : i32 to index
          %parallel_loop3A_237 = arith.constant 0 : index
          %parallel_loop3A_238 = tpu.vector_load %arg6[%parallel_loop3A_235, %parallel_loop3A_236, %parallel_loop3A_237] {strides = array<i32>} : memref<3x120x128xi32, #tpu.memory_space<vmem>>, vector<16xi32>,
          tpu.vector_store %arg6[%parallel_loop3A_235, %parallel_loop3A_236, %parallel_loop3A_237], %parallel_loop3A_230 {strides = array<i32>} : memref<3x120x128xi32, #tpu.memory_space<vmem>>, vector<16xi32>,
          %parallel_loop3A_239 = arith.muli %broadcast_in_dim3A_89, %parallel_loop3A_222 : vector<16xi32>
          %parallel_loop3A_240 = arith.subi %parallel_loop3A_220, %parallel_loop3A_239 : vector<16xi32>
          %parallel_loop3A_241 = arith.constant 6 : i32
          %parallel_loop3A_242 = arith.muli %parallel_loop3A_241, %parallel_loop3A_210 : i32
          %parallel_loop3A_243 = arith.constant 4 : i32
          %parallel_loop3A_244 = arith.addi %parallel_loop3A_242, %parallel_loop3A_243 : i32
          %parallel_loop3A_245 = arith.index_cast %rem3A_186 : i32 to index
          %parallel_loop3A_246 = arith.index_cast %parallel_loop3A_244 : i32 to index
          %parallel_loop3A_247 = arith.constant 0 : index
          %parallel_loop3A_248 = tpu.vector_load %arg6[%parallel_loop3A_245, %parallel_loop3A_246, %parallel_loop3A_247] {strides = array<i32>} : memref<3x120x128xi32, #tpu.memory_space<vmem>>, vector<16xi32>,
          tpu.vector_store %arg6[%parallel_loop3A_245, %parallel_loop3A_246, %parallel_loop3A_247], %parallel_loop3A_240 {strides = array<i32>} : memref<3x120x128xi32, #tpu.memory_space<vmem>>, vector<16xi32>,
          %parallel_loop3A_249 = arith.muli %broadcast_in_dim3A_89, %parallel_loop3A_224 : vector<16xi32>
          %parallel_loop3A_250 = arith.subi %parallel_loop3A_222, %parallel_loop3A_249 : vector<16xi32>
          %parallel_loop3A_251 = arith.constant 6 : i32
          %parallel_loop3A_252 = arith.muli %parallel_loop3A_251, %parallel_loop3A_210 : i32
          %parallel_loop3A_253 = arith.constant 3 : i32
          %parallel_loop3A_254 = arith.addi %parallel_loop3A_252, %parallel_loop3A_253 : i32
          %parallel_loop3A_255 = arith.index_cast %rem3A_186 : i32 to index
          %parallel_loop3A_256 = arith.index_cast %parallel_loop3A_254 : i32 to index
          %parallel_loop3A_257 = arith.constant 0 : index
          %parallel_loop3A_258 = tpu.vector_load %arg6[%parallel_loop3A_255, %parallel_loop3A_256, %parallel_loop3A_257] {strides = array<i32>} : memref<3x120x128xi32, #tpu.memory_space<vmem>>, vector<16xi32>,
          tpu.vector_store %arg6[%parallel_loop3A_255, %parallel_loop3A_256, %parallel_loop3A_257], %parallel_loop3A_250 {strides = array<i32>} : memref<3x120x128xi32, #tpu.memory_space<vmem>>, vector<16xi32>,
          %parallel_loop3A_259 = arith.muli %broadcast_in_dim3A_89, %parallel_loop3A_226 : vector<16xi32>
          %parallel_loop3A_260 = arith.subi %parallel_loop3A_224, %parallel_loop3A_259 : vector<16xi32>
          %parallel_loop3A_261 = arith.constant 6 : i32
          %parallel_loop3A_262 = arith.muli %parallel_loop3A_261, %parallel_loop3A_210 : i32
          %parallel_loop3A_263 = arith.constant 2 : i32
          %parallel_loop3A_264 = arith.addi %parallel_loop3A_262, %parallel_loop3A_263 : i32
          %parallel_loop3A_265 = arith.index_cast %rem3A_186 : i32 to index
          %parallel_loop3A_266 = arith.index_cast %parallel_loop3A_264 : i32 to index
          %parallel_loop3A_267 = arith.constant 0 : index
          %parallel_loop3A_268 = tpu.vector_load %arg6[%parallel_loop3A_265, %parallel_loop3A_266, %parallel_loop3A_267] {strides = array<i32>} : memref<3x120x128xi32, #tpu.memory_space<vmem>>, vector<16xi32>,
          tpu.vector_store %arg6[%parallel_loop3A_265, %parallel_loop3A_266, %parallel_loop3A_267], %parallel_loop3A_260 {strides = array<i32>} : memref<3x120x128xi32, #tpu.memory_space<vmem>>, vector<16xi32>,
          %parallel_loop3A_269 = arith.muli %broadcast_in_dim3A_89, %parallel_loop3A_228 : vector<16xi32>
          %parallel_loop3A_270 = arith.subi %parallel_loop3A_226, %parallel_loop3A_269 : vector<16xi32>
          %parallel_loop3A_271 = arith.constant 6 : i32
          %parallel_loop3A_272 = arith.muli %parallel_loop3A_271, %parallel_loop3A_210 : i32
          %parallel_loop3A_273 = arith.constant 1 : i32
          %parallel_loop3A_274 = arith.addi %parallel_loop3A_272, %parallel_loop3A_273 : i32
          %parallel_loop3A_275 = arith.index_cast %rem3A_186 : i32 to index
          %parallel_loop3A_276 = arith.index_cast %parallel_loop3A_274 : i32 to index
          %parallel_loop3A_277 = arith.constant 0 : index
          %parallel_loop3A_278 = tpu.vector_load %arg6[%parallel_loop3A_275, %parallel_loop3A_276, %parallel_loop3A_277] {strides = array<i32>} : memref<3x120x128xi32, #tpu.memory_space<vmem>>, vector<16xi32>,
          tpu.vector_store %arg6[%parallel_loop3A_275, %parallel_loop3A_276, %parallel_loop3A_277], %parallel_loop3A_270 {strides = array<i32>} : memref<3x120x128xi32, #tpu.memory_space<vmem>>, vector<16xi32>,
          %parallel_loop3A_279 = arith.constant 6 : i32
          %parallel_loop3A_280 = arith.muli %parallel_loop3A_279, %parallel_loop3A_210 : i32
          %parallel_loop3A_281 = arith.constant 0 : i32
          %parallel_loop3A_282 = arith.addi %parallel_loop3A_280, %parallel_loop3A_281 : i32
          %parallel_loop3A_283 = arith.index_cast %rem3A_186 : i32 to index
          %parallel_loop3A_284 = arith.index_cast %parallel_loop3A_282 : i32 to index
          %parallel_loop3A_285 = arith.constant 0 : index
          %parallel_loop3A_286 = tpu.vector_load %arg6[%parallel_loop3A_283, %parallel_loop3A_284, %parallel_loop3A_285] {strides = array<i32>} : memref<3x120x128xi32, #tpu.memory_space<vmem>>, vector<16xi32>,
          tpu.vector_store %arg6[%parallel_loop3A_283, %parallel_loop3A_284, %parallel_loop3A_285], %parallel_loop3A_228 {strides = array<i32>} : memref<3x120x128xi32, #tpu.memory_space<vmem>>, vector<16xi32>,
          %parallel_loop3A_287 = arith.addi %mul3A_188, %parallel_loop3A_210 : i32
          %parallel_loop3A_288 = arith.constant 128 : i32
          %parallel_loop3A_289 = arith.muli %parallel_loop3A_287, %parallel_loop3A_288 : i32
          %parallel_loop3A_290 = arith.constant 16 : i32
          %parallel_loop3A_291 = arith.addi %parallel_loop3A_289, %parallel_loop3A_290 : i32
          %parallel_loop3A_292 = arith.index_cast %parallel_loop3A_291 : i32 to index
          %parallel_loop3A_293 = tpu.vector_load %arg5[%parallel_loop3A_292] {strides = array<i32>} : memref<25600xi32, #tpu.memory_space<vmem>>, vector<16xi32>,
          %parallel_loop3A_294 = arith.sitofp %parallel_loop3A_293 : vector<16xi32> to vector<16xf32>
          %parallel_loop3A_295 = arith.mulf %parallel_loop3A_294, %broadcast_in_dim3A_79 : vector<16xf32>
          %parallel_loop3A_296 = arith.fptosi %parallel_loop3A_295 : vector<16xf32> to vector<16xi32>
          %parallel_loop3A_297 = arith.mulf %parallel_loop3A_294, %broadcast_in_dim3A_81 : vector<16xf32>
          %parallel_loop3A_298 = arith.fptosi %parallel_loop3A_297 : vector<16xf32> to vector<16xi32>
          %parallel_loop3A_299 = arith.mulf %parallel_loop3A_294, %broadcast_in_dim3A_83 : vector<16xf32>
          %parallel_loop3A_300 = arith.fptosi %parallel_loop3A_299 : vector<16xf32> to vector<16xi32>
          %parallel_loop3A_301 = arith.mulf %parallel_loop3A_294, %broadcast_in_dim3A_85 : vector<16xf32>
          %parallel_loop3A_302 = arith.fptosi %parallel_loop3A_301 : vector<16xf32> to vector<16xi32>
          %parallel_loop3A_303 = arith.mulf %parallel_loop3A_294, %broadcast_in_dim3A_87 : vector<16xf32>
          %parallel_loop3A_304 = arith.fptosi %parallel_loop3A_303 : vector<16xf32> to vector<16xi32>
          %parallel_loop3A_305 = arith.muli %broadcast_in_dim3A_89, %parallel_loop3A_296 : vector<16xi32>
          %parallel_loop3A_306 = arith.subi %parallel_loop3A_293, %parallel_loop3A_305 : vector<16xi32>
          %parallel_loop3A_307 = arith.constant 6 : i32
          %parallel_loop3A_308 = arith.muli %parallel_loop3A_307, %parallel_loop3A_210 : i32
          %parallel_loop3A_309 = arith.constant 5 : i32
          %parallel_loop3A_310 = arith.addi %parallel_loop3A_308, %parallel_loop3A_309 : i32
          %parallel_loop3A_311 = arith.index_cast %rem3A_186 : i32 to index
          %parallel_loop3A_312 = arith.index_cast %parallel_loop3A_310 : i32 to index
          %parallel_loop3A_313 = arith.constant 16 : index
          %parallel_loop3A_314 = tpu.vector_load %arg6[%parallel_loop3A_311, %parallel_loop3A_312, %parallel_loop3A_313] {strides = array<i32>} : memref<3x120x128xi32, #tpu.memory_space<vmem>>, vector<16xi32>,
          tpu.vector_store %arg6[%parallel_loop3A_311, %parallel_loop3A_312, %parallel_loop3A_313], %parallel_loop3A_306 {strides = array<i32>} : memref<3x120x128xi32, #tpu.memory_space<vmem>>, vector<16xi32>,
          %parallel_loop3A_315 = arith.muli %broadcast_in_dim3A_89, %parallel_loop3A_298 : vector<16xi32>
          %parallel_loop3A_316 = arith.subi %parallel_loop3A_296, %parallel_loop3A_315 : vector<16xi32>
          %parallel_loop3A_317 = arith.constant 6 : i32
          %parallel_loop3A_318 = arith.muli %parallel_loop3A_317, %parallel_loop3A_210 : i32
          %parallel_loop3A_319 = arith.constant 4 : i32
          %parallel_loop3A_320 = arith.addi %parallel_loop3A_318, %parallel_loop3A_319 : i32
          %parallel_loop3A_321 = arith.index_cast %rem3A_186 : i32 to index
          %parallel_loop3A_322 = arith.index_cast %parallel_loop3A_320 : i32 to index
          %parallel_loop3A_323 = arith.constant 16 : index
          %parallel_loop3A_324 = tpu.vector_load %arg6[%parallel_loop3A_321, %parallel_loop3A_322, %parallel_loop3A_323] {strides = array<i32>} : memref<3x120x128xi32, #tpu.memory_space<vmem>>, vector<16xi32>,
          tpu.vector_store %arg6[%parallel_loop3A_321, %parallel_loop3A_322, %parallel_loop3A_323], %parallel_loop3A_316 {strides = array<i32>} : memref<3x120x128xi32, #tpu.memory_space<vmem>>, vector<16xi32>,
          %parallel_loop3A_325 = arith.muli %broadcast_in_dim3A_89, %parallel_loop3A_300 : vector<16xi32>
          %parallel_loop3A_326 = arith.subi %parallel_loop3A_298, %parallel_loop3A_325 : vector<16xi32>
          %parallel_loop3A_327 = arith.constant 6 : i32
          %parallel_loop3A_328 = arith.muli %parallel_loop3A_327, %parallel_loop3A_210 : i32
          %parallel_loop3A_329 = arith.constant 3 : i32
          %parallel_loop3A_330 = arith.addi %parallel_loop3A_328, %parallel_loop3A_329 : i32
          %parallel_loop3A_331 = arith.index_cast %rem3A_186 : i32 to index
          %parallel_loop3A_332 = arith.index_cast %parallel_loop3A_330 : i32 to index
          %parallel_loop3A_333 = arith.constant 16 : index
          %parallel_loop3A_334 = tpu.vector_load %arg6[%parallel_loop3A_331, %parallel_loop3A_332, %parallel_loop3A_333] {strides = array<i32>} : memref<3x120x128xi32, #tpu.memory_space<vmem>>, vector<16xi32>,
          tpu.vector_store %arg6[%parallel_loop3A_331, %parallel_loop3A_332, %parallel_loop3A_333], %parallel_loop3A_326 {strides = array<i32>} : memref<3x120x128xi32, #tpu.memory_space<vmem>>, vector<16xi32>,
          %parallel_loop3A_335 = arith.muli %broadcast_in_dim3A_89, %parallel_loop3A_302 : vector<16xi32>
          %parallel_loop3A_336 = arith.subi %parallel_loop3A_300, %parallel_loop3A_335 : vector<16xi32>
          %parallel_loop3A_337 = arith.constant 6 : i32
          %parallel_loop3A_338 = arith.muli %parallel_loop3A_337, %parallel_loop3A_210 : i32
          %parallel_loop3A_339 = arith.constant 2 : i32
          %parallel_loop3A_340 = arith.addi %parallel_loop3A_338, %parallel_loop3A_339 : i32
          %parallel_loop3A_341 = arith.index_cast %rem3A_186 : i32 to index
          %parallel_loop3A_342 = arith.index_cast %parallel_loop3A_340 : i32 to index
          %parallel_loop3A_343 = arith.constant 16 : index
          %parallel_loop3A_344 = tpu.vector_load %arg6[%parallel_loop3A_341, %parallel_loop3A_342, %parallel_loop3A_343] {strides = array<i32>} : memref<3x120x128xi32, #tpu.memory_space<vmem>>, vector<16xi32>,
          tpu.vector_store %arg6[%parallel_loop3A_341, %parallel_loop3A_342, %parallel_loop3A_343], %parallel_loop3A_336 {strides = array<i32>} : memref<3x120x128xi32, #tpu.memory_space<vmem>>, vector<16xi32>,
          %parallel_loop3A_345 = arith.muli %broadcast_in_dim3A_89, %parallel_loop3A_304 : vector<16xi32>
          %parallel_loop3A_346 = arith.subi %parallel_loop3A_302, %parallel_loop3A_345 : vector<16xi32>
          %parallel_loop3A_347 = arith.constant 6 : i32
          %parallel_loop3A_348 = arith.muli %parallel_loop3A_347, %parallel_loop3A_210 : i32
          %parallel_loop3A_349 = arith.constant 1 : i32
          %parallel_loop3A_350 = arith.addi %parallel_loop3A_348, %parallel_loop3A_349 : i32
          %parallel_loop3A_351 = arith.index_cast %rem3A_186 : i32 to index
          %parallel_loop3A_352 = arith.index_cast %parallel_loop3A_350 : i32 to index
          %parallel_loop3A_353 = arith.constant 16 : index
          %parallel_loop3A_354 = tpu.vector_load %arg6[%parallel_loop3A_351, %parallel_loop3A_352, %parallel_loop3A_353] {strides = array<i32>} : memref<3x120x128xi32, #tpu.memory_space<vmem>>, vector<16xi32>,
          tpu.vector_store %arg6[%parallel_loop3A_351, %parallel_loop3A_352, %parallel_loop3A_353], %parallel_loop3A_346 {strides = array<i32>} : memref<3x120x128xi32, #tpu.memory_space<vmem>>, vector<16xi32>,
          %parallel_loop3A_355 = arith.constant 6 : i32
          %parallel_loop3A_356 = arith.muli %parallel_loop3A_355, %parallel_loop3A_210 : i32
          %parallel_loop3A_357 = arith.constant 0 : i32
          %parallel_loop3A_358 = arith.addi %parallel_loop3A_356, %parallel_loop3A_357 : i32
          %parallel_loop3A_359 = arith.index_cast %rem3A_186 : i32 to index
          %parallel_loop3A_360 = arith.index_cast %parallel_loop3A_358 : i32 to index
          %parallel_loop3A_361 = arith.constant 16 : index
          %parallel_loop3A_362 = tpu.vector_load %arg6[%parallel_loop3A_359, %parallel_loop3A_360, %parallel_loop3A_361] {strides = array<i32>} : memref<3x120x128xi32, #tpu.memory_space<vmem>>, vector<16xi32>,
          tpu.vector_store %arg6[%parallel_loop3A_359, %parallel_loop3A_360, %parallel_loop3A_361], %parallel_loop3A_304 {strides = array<i32>} : memref<3x120x128xi32, #tpu.memory_space<vmem>>, vector<16xi32>,
          %parallel_loop3A_363 = arith.addi %mul3A_188, %parallel_loop3A_210 : i32
          %parallel_loop3A_364 = arith.constant 128 : i32
          %parallel_loop3A_365 = arith.muli %parallel_loop3A_363, %parallel_loop3A_364 : i32
          %parallel_loop3A_366 = arith.constant 32 : i32
          %parallel_loop3A_367 = arith.addi %parallel_loop3A_365, %parallel_loop3A_366 : i32
          %parallel_loop3A_368 = arith.index_cast %parallel_loop3A_367 : i32 to index
          %parallel_loop3A_369 = tpu.vector_load %arg5[%parallel_loop3A_368] {strides = array<i32>} : memref<25600xi32, #tpu.memory_space<vmem>>, vector<16xi32>,
          %parallel_loop3A_370 = arith.sitofp %parallel_loop3A_369 : vector<16xi32> to vector<16xf32>
          %parallel_loop3A_371 = arith.mulf %parallel_loop3A_370, %broadcast_in_dim3A_79 : vector<16xf32>
          %parallel_loop3A_372 = arith.fptosi %parallel_loop3A_371 : vector<16xf32> to vector<16xi32>
          %parallel_loop3A_373 = arith.mulf %parallel_loop3A_370, %broadcast_in_dim3A_81 : vector<16xf32>
          %parallel_loop3A_374 = arith.fptosi %parallel_loop3A_373 : vector<16xf32> to vector<16xi32>
          %parallel_loop3A_375 = arith.mulf %parallel_loop3A_370, %broadcast_in_dim3A_83 : vector<16xf32>
          %parallel_loop3A_376 = arith.fptosi %parallel_loop3A_375 : vector<16xf32> to vector<16xi32>
          %parallel_loop3A_377 = arith.mulf %parallel_loop3A_370, %broadcast_in_dim3A_85 : vector<16xf32>
          %parallel_loop3A_378 = arith.fptosi %parallel_loop3A_377 : vector<16xf32> to vector<16xi32>
          %parallel_loop3A_379 = arith.mulf %parallel_loop3A_370, %broadcast_in_dim3A_87 : vector<16xf32>
          %parallel_loop3A_380 = arith.fptosi %parallel_loop3A_379 : vector<16xf32> to vector<16xi32>
          %parallel_loop3A_381 = arith.muli %broadcast_in_dim3A_89, %parallel_loop3A_372 : vector<16xi32>
          %parallel_loop3A_382 = arith.subi %parallel_loop3A_369, %parallel_loop3A_381 : vector<16xi32>
          %parallel_loop3A_383 = arith.constant 6 : i32
          %parallel_loop3A_384 = arith.muli %parallel_loop3A_383, %parallel_loop3A_210 : i32
          %parallel_loop3A_385 = arith.constant 5 : i32
          %parallel_loop3A_386 = arith.addi %parallel_loop3A_384, %parallel_loop3A_385 : i32
          %parallel_loop3A_387 = arith.index_cast %rem3A_186 : i32 to index
          %parallel_loop3A_388 = arith.index_cast %parallel_loop3A_386 : i32 to index
          %parallel_loop3A_389 = arith.constant 32 : index
          %parallel_loop3A_390 = tpu.vector_load %arg6[%parallel_loop3A_387, %parallel_loop3A_388, %parallel_loop3A_389] {strides = array<i32>} : memref<3x120x128xi32, #tpu.memory_space<vmem>>, vector<16xi32>,
          tpu.vector_store %arg6[%parallel_loop3A_387, %parallel_loop3A_388, %parallel_loop3A_389], %parallel_loop3A_382 {strides = array<i32>} : memref<3x120x128xi32, #tpu.memory_space<vmem>>, vector<16xi32>,
          %parallel_loop3A_391 = arith.muli %broadcast_in_dim3A_89, %parallel_loop3A_374 : vector<16xi32>
          %parallel_loop3A_392 = arith.subi %parallel_loop3A_372, %parallel_loop3A_391 : vector<16xi32>
          %parallel_loop3A_393 = arith.constant 6 : i32
          %parallel_loop3A_394 = arith.muli %parallel_loop3A_393, %parallel_loop3A_210 : i32
          %parallel_loop3A_395 = arith.constant 4 : i32
          %parallel_loop3A_396 = arith.addi %parallel_loop3A_394, %parallel_loop3A_395 : i32
          %parallel_loop3A_397 = arith.index_cast %rem3A_186 : i32 to index
          %parallel_loop3A_398 = arith.index_cast %parallel_loop3A_396 : i32 to index
          %parallel_loop3A_399 = arith.constant 32 : index
          %parallel_loop3A_400 = tpu.vector_load %arg6[%parallel_loop3A_397, %parallel_loop3A_398, %parallel_loop3A_399] {strides = array<i32>} : memref<3x120x128xi32, #tpu.memory_space<vmem>>, vector<16xi32>,
          tpu.vector_store %arg6[%parallel_loop3A_397, %parallel_loop3A_398, %parallel_loop3A_399], %parallel_loop3A_392 {strides = array<i32>} : memref<3x120x128xi32, #tpu.memory_space<vmem>>, vector<16xi32>,
          %parallel_loop3A_401 = arith.muli %broadcast_in_dim3A_89, %parallel_loop3A_376 : vector<16xi32>
          %parallel_loop3A_402 = arith.subi %parallel_loop3A_374, %parallel_loop3A_401 : vector<16xi32>
          %parallel_loop3A_403 = arith.constant 6 : i32
          %parallel_loop3A_404 = arith.muli %parallel_loop3A_403, %parallel_loop3A_210 : i32
          %parallel_loop3A_405 = arith.constant 3 : i32
          %parallel_loop3A_406 = arith.addi %parallel_loop3A_404, %parallel_loop3A_405 : i32
          %parallel_loop3A_407 = arith.index_cast %rem3A_186 : i32 to index
          %parallel_loop3A_408 = arith.index_cast %parallel_loop3A_406 : i32 to index
          %parallel_loop3A_409 = arith.constant 32 : index
          %parallel_loop3A_410 = tpu.vector_load %arg6[%parallel_loop3A_407, %parallel_loop3A_408, %parallel_loop3A_409] {strides = array<i32>} : memref<3x120x128xi32, #tpu.memory_space<vmem>>, vector<16xi32>,
          tpu.vector_store %arg6[%parallel_loop3A_407, %parallel_loop3A_408, %parallel_loop3A_409], %parallel_loop3A_402 {strides = array<i32>} : memref<3x120x128xi32, #tpu.memory_space<vmem>>, vector<16xi32>,
          %parallel_loop3A_411 = arith.muli %broadcast_in_dim3A_89, %parallel_loop3A_378 : vector<16xi32>
          %parallel_loop3A_412 = arith.subi %parallel_loop3A_376, %parallel_loop3A_411 : vector<16xi32>
          %parallel_loop3A_413 = arith.constant 6 : i32
          %parallel_loop3A_414 = arith.muli %parallel_loop3A_413, %parallel_loop3A_210 : i32
          %parallel_loop3A_415 = arith.constant 2 : i32
          %parallel_loop3A_416 = arith.addi %parallel_loop3A_414, %parallel_loop3A_415 : i32
          %parallel_loop3A_417 = arith.index_cast %rem3A_186 : i32 to index
          %parallel_loop3A_418 = arith.index_cast %parallel_loop3A_416 : i32 to index
          %parallel_loop3A_419 = arith.constant 32 : index
          %parallel_loop3A_420 = tpu.vector_load %arg6[%parallel_loop3A_417, %parallel_loop3A_418, %parallel_loop3A_419] {strides = array<i32>} : memref<3x120x128xi32, #tpu.memory_space<vmem>>, vector<16xi32>,
          tpu.vector_store %arg6[%parallel_loop3A_417, %parallel_loop3A_418, %parallel_loop3A_419], %parallel_loop3A_412 {strides = array<i32>} : memref<3x120x128xi32, #tpu.memory_space<vmem>>, vector<16xi32>,
          %parallel_loop3A_421 = arith.muli %broadcast_in_dim3A_89, %parallel_loop3A_380 : vector<16xi32>
          %parallel_loop3A_422 = arith.subi %parallel_loop3A_378, %parallel_loop3A_421 : vector<16xi32>
          %parallel_loop3A_423 = arith.constant 6 : i32
          %parallel_loop3A_424 = arith.muli %parallel_loop3A_423, %parallel_loop3A_210 : i32
          %parallel_loop3A_425 = arith.constant 1 : i32
          %parallel_loop3A_426 = arith.addi %parallel_loop3A_424, %parallel_loop3A_425 : i32
          %parallel_loop3A_427 = arith.index_cast %rem3A_186 : i32 to index
          %parallel_loop3A_428 = arith.index_cast %parallel_loop3A_426 : i32 to index
          %parallel_loop3A_429 = arith.constant 32 : index
          %parallel_loop3A_430 = tpu.vector_load %arg6[%parallel_loop3A_427, %parallel_loop3A_428, %parallel_loop3A_429] {strides = array<i32>} : memref<3x120x128xi32, #tpu.memory_space<vmem>>, vector<16xi32>,
          tpu.vector_store %arg6[%parallel_loop3A_427, %parallel_loop3A_428, %parallel_loop3A_429], %parallel_loop3A_422 {strides = array<i32>} : memref<3x120x128xi32, #tpu.memory_space<vmem>>, vector<16xi32>,
          %parallel_loop3A_431 = arith.constant 6 : i32
          %parallel_loop3A_432 = arith.muli %parallel_loop3A_431, %parallel_loop3A_210 : i32
          %parallel_loop3A_433 = arith.constant 0 : i32
          %parallel_loop3A_434 = arith.addi %parallel_loop3A_432, %parallel_loop3A_433 : i32
          %parallel_loop3A_435 = arith.index_cast %rem3A_186 : i32 to index
          %parallel_loop3A_436 = arith.index_cast %parallel_loop3A_434 : i32 to index
          %parallel_loop3A_437 = arith.constant 32 : index
          %parallel_loop3A_438 = tpu.vector_load %arg6[%parallel_loop3A_435, %parallel_loop3A_436, %parallel_loop3A_437] {strides = array<i32>} : memref<3x120x128xi32, #tpu.memory_space<vmem>>, vector<16xi32>,
          tpu.vector_store %arg6[%parallel_loop3A_435, %parallel_loop3A_436, %parallel_loop3A_437], %parallel_loop3A_380 {strides = array<i32>} : memref<3x120x128xi32, #tpu.memory_space<vmem>>, vector<16xi32>,
          %parallel_loop3A_439 = arith.addi %mul3A_188, %parallel_loop3A_210 : i32
          %parallel_loop3A_440 = arith.constant 128 : i32
          %parallel_loop3A_441 = arith.muli %parallel_loop3A_439, %parallel_loop3A_440 : i32
          %parallel_loop3A_442 = arith.constant 48 : i32
          %parallel_loop3A_443 = arith.addi %parallel_loop3A_441, %parallel_loop3A_442 : i32
          %parallel_loop3A_444 = arith.index_cast %parallel_loop3A_443 : i32 to index
          %parallel_loop3A_445 = tpu.vector_load %arg5[%parallel_loop3A_444] {strides = array<i32>} : memref<25600xi32, #tpu.memory_space<vmem>>, vector<16xi32>,
          %parallel_loop3A_446 = arith.sitofp %parallel_loop3A_445 : vector<16xi32> to vector<16xf32>
          %parallel_loop3A_447 = arith.mulf %parallel_loop3A_446, %broadcast_in_dim3A_79 : vector<16xf32>
          %parallel_loop3A_448 = arith.fptosi %parallel_loop3A_447 : vector<16xf32> to vector<16xi32>
          %parallel_loop3A_449 = arith.mulf %parallel_loop3A_446, %broadcast_in_dim3A_81 : vector<16xf32>
          %parallel_loop3A_450 = arith.fptosi %parallel_loop3A_449 : vector<16xf32> to vector<16xi32>
          %parallel_loop3A_451 = arith.mulf %parallel_loop3A_446, %broadcast_in_dim3A_83 : vector<16xf32>
          %parallel_loop3A_452 = arith.fptosi %parallel_loop3A_451 : vector<16xf32> to vector<16xi32>
          %parallel_loop3A_453 = arith.mulf %parallel_loop3A_446, %broadcast_in_dim3A_85 : vector<16xf32>
          %parallel_loop3A_454 = arith.fptosi %parallel_loop3A_453 : vector<16xf32> to vector<16xi32>
          %parallel_loop3A_455 = arith.mulf %parallel_loop3A_446, %broadcast_in_dim3A_87 : vector<16xf32>
          %parallel_loop3A_456 = arith.fptosi %parallel_loop3A_455 : vector<16xf32> to vector<16xi32>
          %parallel_loop3A_457 = arith.muli %broadcast_in_dim3A_89, %parallel_loop3A_448 : vector<16xi32>
          %parallel_loop3A_458 = arith.subi %parallel_loop3A_445, %parallel_loop3A_457 : vector<16xi32>
          %parallel_loop3A_459 = arith.constant 6 : i32
          %parallel_loop3A_460 = arith.muli %parallel_loop3A_459, %parallel_loop3A_210 : i32
          %parallel_loop3A_461 = arith.constant 5 : i32
          %parallel_loop3A_462 = arith.addi %parallel_loop3A_460, %parallel_loop3A_461 : i32
          %parallel_loop3A_463 = arith.index_cast %rem3A_186 : i32 to index
          %parallel_loop3A_464 = arith.index_cast %parallel_loop3A_462 : i32 to index
          %parallel_loop3A_465 = arith.constant 48 : index
          %parallel_loop3A_466 = tpu.vector_load %arg6[%parallel_loop3A_463, %parallel_loop3A_464, %parallel_loop3A_465] {strides = array<i32>} : memref<3x120x128xi32, #tpu.memory_space<vmem>>, vector<16xi32>,
          tpu.vector_store %arg6[%parallel_loop3A_463, %parallel_loop3A_464, %parallel_loop3A_465], %parallel_loop3A_458 {strides = array<i32>} : memref<3x120x128xi32, #tpu.memory_space<vmem>>, vector<16xi32>,
          %parallel_loop3A_467 = arith.muli %broadcast_in_dim3A_89, %parallel_loop3A_450 : vector<16xi32>
          %parallel_loop3A_468 = arith.subi %parallel_loop3A_448, %parallel_loop3A_467 : vector<16xi32>
          %parallel_loop3A_469 = arith.constant 6 : i32
          %parallel_loop3A_470 = arith.muli %parallel_loop3A_469, %parallel_loop3A_210 : i32
          %parallel_loop3A_471 = arith.constant 4 : i32
          %parallel_loop3A_472 = arith.addi %parallel_loop3A_470, %parallel_loop3A_471 : i32
          %parallel_loop3A_473 = arith.index_cast %rem3A_186 : i32 to index
          %parallel_loop3A_474 = arith.index_cast %parallel_loop3A_472 : i32 to index
          %parallel_loop3A_475 = arith.constant 48 : index
          %parallel_loop3A_476 = tpu.vector_load %arg6[%parallel_loop3A_473, %parallel_loop3A_474, %parallel_loop3A_475] {strides = array<i32>} : memref<3x120x128xi32, #tpu.memory_space<vmem>>, vector<16xi32>,
          tpu.vector_store %arg6[%parallel_loop3A_473, %parallel_loop3A_474, %parallel_loop3A_475], %parallel_loop3A_468 {strides = array<i32>} : memref<3x120x128xi32, #tpu.memory_space<vmem>>, vector<16xi32>,
          %parallel_loop3A_477 = arith.muli %broadcast_in_dim3A_89, %parallel_loop3A_452 : vector<16xi32>
          %parallel_loop3A_478 = arith.subi %parallel_loop3A_450, %parallel_loop3A_477 : vector<16xi32>
          %parallel_loop3A_479 = arith.constant 6 : i32
          %parallel_loop3A_480 = arith.muli %parallel_loop3A_479, %parallel_loop3A_210 : i32
          %parallel_loop3A_481 = arith.constant 3 : i32
          %parallel_loop3A_482 = arith.addi %parallel_loop3A_480, %parallel_loop3A_481 : i32
          %parallel_loop3A_483 = arith.index_cast %rem3A_186 : i32 to index
          %parallel_loop3A_484 = arith.index_cast %parallel_loop3A_482 : i32 to index
          %parallel_loop3A_485 = arith.constant 48 : index
          %parallel_loop3A_486 = tpu.vector_load %arg6[%parallel_loop3A_483, %parallel_loop3A_484, %parallel_loop3A_485] {strides = array<i32>} : memref<3x120x128xi32, #tpu.memory_space<vmem>>, vector<16xi32>,
          tpu.vector_store %arg6[%parallel_loop3A_483, %parallel_loop3A_484, %parallel_loop3A_485], %parallel_loop3A_478 {strides = array<i32>} : memref<3x120x128xi32, #tpu.memory_space<vmem>>, vector<16xi32>,
          %parallel_loop3A_487 = arith.muli %broadcast_in_dim3A_89, %parallel_loop3A_454 : vector<16xi32>
          %parallel_loop3A_488 = arith.subi %parallel_loop3A_452, %parallel_loop3A_487 : vector<16xi32>
          %parallel_loop3A_489 = arith.constant 6 : i32
          %parallel_loop3A_490 = arith.muli %parallel_loop3A_489, %parallel_loop3A_210 : i32
          %parallel_loop3A_491 = arith.constant 2 : i32
          %parallel_loop3A_492 = arith.addi %parallel_loop3A_490, %parallel_loop3A_491 : i32
          %parallel_loop3A_493 = arith.index_cast %rem3A_186 : i32 to index
          %parallel_loop3A_494 = arith.index_cast %parallel_loop3A_492 : i32 to index
          %parallel_loop3A_495 = arith.constant 48 : index
          %parallel_loop3A_496 = tpu.vector_load %arg6[%parallel_loop3A_493, %parallel_loop3A_494, %parallel_loop3A_495] {strides = array<i32>} : memref<3x120x128xi32, #tpu.memory_space<vmem>>, vector<16xi32>,
          tpu.vector_store %arg6[%parallel_loop3A_493, %parallel_loop3A_494, %parallel_loop3A_495], %parallel_loop3A_488 {strides = array<i32>} : memref<3x120x128xi32, #tpu.memory_space<vmem>>, vector<16xi32>,
          %parallel_loop3A_497 = arith.muli %broadcast_in_dim3A_89, %parallel_loop3A_456 : vector<16xi32>
          %parallel_loop3A_498 = arith.subi %parallel_loop3A_454, %parallel_loop3A_497 : vector<16xi32>
          %parallel_loop3A_499 = arith.constant 6 : i32
          %parallel_loop3A_500 = arith.muli %parallel_loop3A_499, %parallel_loop3A_210 : i32
          %parallel_loop3A_501 = arith.constant 1 : i32
          %parallel_loop3A_502 = arith.addi %parallel_loop3A_500, %parallel_loop3A_501 : i32
          %parallel_loop3A_503 = arith.index_cast %rem3A_186 : i32 to index
          %parallel_loop3A_504 = arith.index_cast %parallel_loop3A_502 : i32 to index
          %parallel_loop3A_505 = arith.constant 48 : index
          %parallel_loop3A_506 = tpu.vector_load %arg6[%parallel_loop3A_503, %parallel_loop3A_504, %parallel_loop3A_505] {strides = array<i32>} : memref<3x120x128xi32, #tpu.memory_space<vmem>>, vector<16xi32>,
          tpu.vector_store %arg6[%parallel_loop3A_503, %parallel_loop3A_504, %parallel_loop3A_505], %parallel_loop3A_498 {strides = array<i32>} : memref<3x120x128xi32, #tpu.memory_space<vmem>>, vector<16xi32>,
          %parallel_loop3A_507 = arith.constant 6 : i32
          %parallel_loop3A_508 = arith.muli %parallel_loop3A_507, %parallel_loop3A_210 : i32
          %parallel_loop3A_509 = arith.constant 0 : i32
          %parallel_loop3A_510 = arith.addi %parallel_loop3A_508, %parallel_loop3A_509 : i32
          %parallel_loop3A_511 = arith.index_cast %rem3A_186 : i32 to index
          %parallel_loop3A_512 = arith.index_cast %parallel_loop3A_510 : i32 to index
          %parallel_loop3A_513 = arith.constant 48 : index
          %parallel_loop3A_514 = tpu.vector_load %arg6[%parallel_loop3A_511, %parallel_loop3A_512, %parallel_loop3A_513] {strides = array<i32>} : memref<3x120x128xi32, #tpu.memory_space<vmem>>, vector<16xi32>,
          tpu.vector_store %arg6[%parallel_loop3A_511, %parallel_loop3A_512, %parallel_loop3A_513], %parallel_loop3A_456 {strides = array<i32>} : memref<3x120x128xi32, #tpu.memory_space<vmem>>, vector<16xi32>,
          %parallel_loop3A_515 = arith.addi %mul3A_188, %parallel_loop3A_210 : i32
          %parallel_loop3A_516 = arith.constant 128 : i32
          %parallel_loop3A_517 = arith.muli %parallel_loop3A_515, %parallel_loop3A_516 : i32
          %parallel_loop3A_518 = arith.constant 64 : i32
          %parallel_loop3A_519 = arith.addi %parallel_loop3A_517, %parallel_loop3A_518 : i32
          %parallel_loop3A_520 = arith.index_cast %parallel_loop3A_519 : i32 to index
          %parallel_loop3A_521 = tpu.vector_load %arg5[%parallel_loop3A_520] {strides = array<i32>} : memref<25600xi32, #tpu.memory_space<vmem>>, vector<16xi32>,
          %parallel_loop3A_522 = arith.sitofp %parallel_loop3A_521 : vector<16xi32> to vector<16xf32>
          %parallel_loop3A_523 = arith.mulf %parallel_loop3A_522, %broadcast_in_dim3A_79 : vector<16xf32>
          %parallel_loop3A_524 = arith.fptosi %parallel_loop3A_523 : vector<16xf32> to vector<16xi32>
          %parallel_loop3A_525 = arith.mulf %parallel_loop3A_522, %broadcast_in_dim3A_81 : vector<16xf32>
          %parallel_loop3A_526 = arith.fptosi %parallel_loop3A_525 : vector<16xf32> to vector<16xi32>
          %parallel_loop3A_527 = arith.mulf %parallel_loop3A_522, %broadcast_in_dim3A_83 : vector<16xf32>
          %parallel_loop3A_528 = arith.fptosi %parallel_loop3A_527 : vector<16xf32> to vector<16xi32>
          %parallel_loop3A_529 = arith.mulf %parallel_loop3A_522, %broadcast_in_dim3A_85 : vector<16xf32>
          %parallel_loop3A_530 = arith.fptosi %parallel_loop3A_529 : vector<16xf32> to vector<16xi32>
          %parallel_loop3A_531 = arith.mulf %parallel_loop3A_522, %broadcast_in_dim3A_87 : vector<16xf32>
          %parallel_loop3A_532 = arith.fptosi %parallel_loop3A_531 : vector<16xf32> to vector<16xi32>
          %parallel_loop3A_533 = arith.muli %broadcast_in_dim3A_89, %parallel_loop3A_524 : vector<16xi32>
          %parallel_loop3A_534 = arith.subi %parallel_loop3A_521, %parallel_loop3A_533 : vector<16xi32>
          %parallel_loop3A_535 = arith.constant 6 : i32
          %parallel_loop3A_536 = arith.muli %parallel_loop3A_535, %parallel_loop3A_210 : i32
          %parallel_loop3A_537 = arith.constant 5 : i32
          %parallel_loop3A_538 = arith.addi %parallel_loop3A_536, %parallel_loop3A_537 : i32
          %parallel_loop3A_539 = arith.index_cast %rem3A_186 : i32 to index
          %parallel_loop3A_540 = arith.index_cast %parallel_loop3A_538 : i32 to index
          %parallel_loop3A_541 = arith.constant 64 : index
          %parallel_loop3A_542 = tpu.vector_load %arg6[%parallel_loop3A_539, %parallel_loop3A_540, %parallel_loop3A_541] {strides = array<i32>} : memref<3x120x128xi32, #tpu.memory_space<vmem>>, vector<16xi32>,
          tpu.vector_store %arg6[%parallel_loop3A_539, %parallel_loop3A_540, %parallel_loop3A_541], %parallel_loop3A_534 {strides = array<i32>} : memref<3x120x128xi32, #tpu.memory_space<vmem>>, vector<16xi32>,
          %parallel_loop3A_543 = arith.muli %broadcast_in_dim3A_89, %parallel_loop3A_526 : vector<16xi32>
          %parallel_loop3A_544 = arith.subi %parallel_loop3A_524, %parallel_loop3A_543 : vector<16xi32>
          %parallel_loop3A_545 = arith.constant 6 : i32
          %parallel_loop3A_546 = arith.muli %parallel_loop3A_545, %parallel_loop3A_210 : i32
          %parallel_loop3A_547 = arith.constant 4 : i32
          %parallel_loop3A_548 = arith.addi %parallel_loop3A_546, %parallel_loop3A_547 : i32
          %parallel_loop3A_549 = arith.index_cast %rem3A_186 : i32 to index
          %parallel_loop3A_550 = arith.index_cast %parallel_loop3A_548 : i32 to index
          %parallel_loop3A_551 = arith.constant 64 : index
          %parallel_loop3A_552 = tpu.vector_load %arg6[%parallel_loop3A_549, %parallel_loop3A_550, %parallel_loop3A_551] {strides = array<i32>} : memref<3x120x128xi32, #tpu.memory_space<vmem>>, vector<16xi32>,
          tpu.vector_store %arg6[%parallel_loop3A_549, %parallel_loop3A_550, %parallel_loop3A_551], %parallel_loop3A_544 {strides = array<i32>} : memref<3x120x128xi32, #tpu.memory_space<vmem>>, vector<16xi32>,
          %parallel_loop3A_553 = arith.muli %broadcast_in_dim3A_89, %parallel_loop3A_528 : vector<16xi32>
          %parallel_loop3A_554 = arith.subi %parallel_loop3A_526, %parallel_loop3A_553 : vector<16xi32>
          %parallel_loop3A_555 = arith.constant 6 : i32
          %parallel_loop3A_556 = arith.muli %parallel_loop3A_555, %parallel_loop3A_210 : i32
          %parallel_loop3A_557 = arith.constant 3 : i32
          %parallel_loop3A_558 = arith.addi %parallel_loop3A_556, %parallel_loop3A_557 : i32
          %parallel_loop3A_559 = arith.index_cast %rem3A_186 : i32 to index
          %parallel_loop3A_560 = arith.index_cast %parallel_loop3A_558 : i32 to index
          %parallel_loop3A_561 = arith.constant 64 : index
          %parallel_loop3A_562 = tpu.vector_load %arg6[%parallel_loop3A_559, %parallel_loop3A_560, %parallel_loop3A_561] {strides = array<i32>} : memref<3x120x128xi32, #tpu.memory_space<vmem>>, vector<16xi32>,
          tpu.vector_store %arg6[%parallel_loop3A_559, %parallel_loop3A_560, %parallel_loop3A_561], %parallel_loop3A_554 {strides = array<i32>} : memref<3x120x128xi32, #tpu.memory_space<vmem>>, vector<16xi32>,
          %parallel_loop3A_563 = arith.muli %broadcast_in_dim3A_89, %parallel_loop3A_530 : vector<16xi32>
          %parallel_loop3A_564 = arith.subi %parallel_loop3A_528, %parallel_loop3A_563 : vector<16xi32>
          %parallel_loop3A_565 = arith.constant 6 : i32
          %parallel_loop3A_566 = arith.muli %parallel_loop3A_565, %parallel_loop3A_210 : i32
          %parallel_loop3A_567 = arith.constant 2 : i32
          %parallel_loop3A_568 = arith.addi %parallel_loop3A_566, %parallel_loop3A_567 : i32
          %parallel_loop3A_569 = arith.index_cast %rem3A_186 : i32 to index
          %parallel_loop3A_570 = arith.index_cast %parallel_loop3A_568 : i32 to index
          %parallel_loop3A_571 = arith.constant 64 : index
          %parallel_loop3A_572 = tpu.vector_load %arg6[%parallel_loop3A_569, %parallel_loop3A_570, %parallel_loop3A_571] {strides = array<i32>} : memref<3x120x128xi32, #tpu.memory_space<vmem>>, vector<16xi32>,
          tpu.vector_store %arg6[%parallel_loop3A_569, %parallel_loop3A_570, %parallel_loop3A_571], %parallel_loop3A_564 {strides = array<i32>} : memref<3x120x128xi32, #tpu.memory_space<vmem>>, vector<16xi32>,
          %parallel_loop3A_573 = arith.muli %broadcast_in_dim3A_89, %parallel_loop3A_532 : vector<16xi32>
          %parallel_loop3A_574 = arith.subi %parallel_loop3A_530, %parallel_loop3A_573 : vector<16xi32>
          %parallel_loop3A_575 = arith.constant 6 : i32
          %parallel_loop3A_576 = arith.muli %parallel_loop3A_575, %parallel_loop3A_210 : i32
          %parallel_loop3A_577 = arith.constant 1 : i32
          %parallel_loop3A_578 = arith.addi %parallel_loop3A_576, %parallel_loop3A_577 : i32
          %parallel_loop3A_579 = arith.index_cast %rem3A_186 : i32 to index
          %parallel_loop3A_580 = arith.index_cast %parallel_loop3A_578 : i32 to index
          %parallel_loop3A_581 = arith.constant 64 : index
          %parallel_loop3A_582 = tpu.vector_load %arg6[%parallel_loop3A_579, %parallel_loop3A_580, %parallel_loop3A_581] {strides = array<i32>} : memref<3x120x128xi32, #tpu.memory_space<vmem>>, vector<16xi32>,
          tpu.vector_store %arg6[%parallel_loop3A_579, %parallel_loop3A_580, %parallel_loop3A_581], %parallel_loop3A_574 {strides = array<i32>} : memref<3x120x128xi32, #tpu.memory_space<vmem>>, vector<16xi32>,
          %parallel_loop3A_583 = arith.constant 6 : i32
          %parallel_loop3A_584 = arith.muli %parallel_loop3A_583, %parallel_loop3A_210 : i32
          %parallel_loop3A_585 = arith.constant 0 : i32
          %parallel_loop3A_586 = arith.addi %parallel_loop3A_584, %parallel_loop3A_585 : i32
          %parallel_loop3A_587 = arith.index_cast %rem3A_186 : i32 to index
          %parallel_loop3A_588 = arith.index_cast %parallel_loop3A_586 : i32 to index
          %parallel_loop3A_589 = arith.constant 64 : index
          %parallel_loop3A_590 = tpu.vector_load %arg6[%parallel_loop3A_587, %parallel_loop3A_588, %parallel_loop3A_589] {strides = array<i32>} : memref<3x120x128xi32, #tpu.memory_space<vmem>>, vector<16xi32>,
          tpu.vector_store %arg6[%parallel_loop3A_587, %parallel_loop3A_588, %parallel_loop3A_589], %parallel_loop3A_532 {strides = array<i32>} : memref<3x120x128xi32, #tpu.memory_space<vmem>>, vector<16xi32>,
          %parallel_loop3A_591 = arith.addi %mul3A_188, %parallel_loop3A_210 : i32
          %parallel_loop3A_592 = arith.constant 128 : i32
          %parallel_loop3A_593 = arith.muli %parallel_loop3A_591, %parallel_loop3A_592 : i32
          %parallel_loop3A_594 = arith.constant 80 : i32
          %parallel_loop3A_595 = arith.addi %parallel_loop3A_593, %parallel_loop3A_594 : i32
          %parallel_loop3A_596 = arith.index_cast %parallel_loop3A_595 : i32 to index
          %parallel_loop3A_597 = tpu.vector_load %arg5[%parallel_loop3A_596] {strides = array<i32>} : memref<25600xi32, #tpu.memory_space<vmem>>, vector<16xi32>,
          %parallel_loop3A_598 = arith.sitofp %parallel_loop3A_597 : vector<16xi32> to vector<16xf32>
          %parallel_loop3A_599 = arith.mulf %parallel_loop3A_598, %broadcast_in_dim3A_79 : vector<16xf32>
          %parallel_loop3A_600 = arith.fptosi %parallel_loop3A_599 : vector<16xf32> to vector<16xi32>
          %parallel_loop3A_601 = arith.mulf %parallel_loop3A_598, %broadcast_in_dim3A_81 : vector<16xf32>
          %parallel_loop3A_602 = arith.fptosi %parallel_loop3A_601 : vector<16xf32> to vector<16xi32>
          %parallel_loop3A_603 = arith.mulf %parallel_loop3A_598, %broadcast_in_dim3A_83 : vector<16xf32>
          %parallel_loop3A_604 = arith.fptosi %parallel_loop3A_603 : vector<16xf32> to vector<16xi32>
          %parallel_loop3A_605 = arith.mulf %parallel_loop3A_598, %broadcast_in_dim3A_85 : vector<16xf32>
          %parallel_loop3A_606 = arith.fptosi %parallel_loop3A_605 : vector<16xf32> to vector<16xi32>
          %parallel_loop3A_607 = arith.mulf %parallel_loop3A_598, %broadcast_in_dim3A_87 : vector<16xf32>
          %parallel_loop3A_608 = arith.fptosi %parallel_loop3A_607 : vector<16xf32> to vector<16xi32>
          %parallel_loop3A_609 = arith.muli %broadcast_in_dim3A_89, %parallel_loop3A_600 : vector<16xi32>
          %parallel_loop3A_610 = arith.subi %parallel_loop3A_597, %parallel_loop3A_609 : vector<16xi32>
          %parallel_loop3A_611 = arith.constant 6 : i32
          %parallel_loop3A_612 = arith.muli %parallel_loop3A_611, %parallel_loop3A_210 : i32
          %parallel_loop3A_613 = arith.constant 5 : i32
          %parallel_loop3A_614 = arith.addi %parallel_loop3A_612, %parallel_loop3A_613 : i32
          %parallel_loop3A_615 = arith.index_cast %rem3A_186 : i32 to index
          %parallel_loop3A_616 = arith.index_cast %parallel_loop3A_614 : i32 to index
          %parallel_loop3A_617 = arith.constant 80 : index
          %parallel_loop3A_618 = tpu.vector_load %arg6[%parallel_loop3A_615, %parallel_loop3A_616, %parallel_loop3A_617] {strides = array<i32>} : memref<3x120x128xi32, #tpu.memory_space<vmem>>, vector<16xi32>,
          tpu.vector_store %arg6[%parallel_loop3A_615, %parallel_loop3A_616, %parallel_loop3A_617], %parallel_loop3A_610 {strides = array<i32>} : memref<3x120x128xi32, #tpu.memory_space<vmem>>, vector<16xi32>,
          %parallel_loop3A_619 = arith.muli %broadcast_in_dim3A_89, %parallel_loop3A_602 : vector<16xi32>
          %parallel_loop3A_620 = arith.subi %parallel_loop3A_600, %parallel_loop3A_619 : vector<16xi32>
          %parallel_loop3A_621 = arith.constant 6 : i32
          %parallel_loop3A_622 = arith.muli %parallel_loop3A_621, %parallel_loop3A_210 : i32
          %parallel_loop3A_623 = arith.constant 4 : i32
          %parallel_loop3A_624 = arith.addi %parallel_loop3A_622, %parallel_loop3A_623 : i32
          %parallel_loop3A_625 = arith.index_cast %rem3A_186 : i32 to index
          %parallel_loop3A_626 = arith.index_cast %parallel_loop3A_624 : i32 to index
          %parallel_loop3A_627 = arith.constant 80 : index
          %parallel_loop3A_628 = tpu.vector_load %arg6[%parallel_loop3A_625, %parallel_loop3A_626, %parallel_loop3A_627] {strides = array<i32>} : memref<3x120x128xi32, #tpu.memory_space<vmem>>, vector<16xi32>,
          tpu.vector_store %arg6[%parallel_loop3A_625, %parallel_loop3A_626, %parallel_loop3A_627], %parallel_loop3A_620 {strides = array<i32>} : memref<3x120x128xi32, #tpu.memory_space<vmem>>, vector<16xi32>,
          %parallel_loop3A_629 = arith.muli %broadcast_in_dim3A_89, %parallel_loop3A_604 : vector<16xi32>
          %parallel_loop3A_630 = arith.subi %parallel_loop3A_602, %parallel_loop3A_629 : vector<16xi32>
          %parallel_loop3A_631 = arith.constant 6 : i32
          %parallel_loop3A_632 = arith.muli %parallel_loop3A_631, %parallel_loop3A_210 : i32
          %parallel_loop3A_633 = arith.constant 3 : i32
          %parallel_loop3A_634 = arith.addi %parallel_loop3A_632, %parallel_loop3A_633 : i32
          %parallel_loop3A_635 = arith.index_cast %rem3A_186 : i32 to index
          %parallel_loop3A_636 = arith.index_cast %parallel_loop3A_634 : i32 to index
          %parallel_loop3A_637 = arith.constant 80 : index
          %parallel_loop3A_638 = tpu.vector_load %arg6[%parallel_loop3A_635, %parallel_loop3A_636, %parallel_loop3A_637] {strides = array<i32>} : memref<3x120x128xi32, #tpu.memory_space<vmem>>, vector<16xi32>,
          tpu.vector_store %arg6[%parallel_loop3A_635, %parallel_loop3A_636, %parallel_loop3A_637], %parallel_loop3A_630 {strides = array<i32>} : memref<3x120x128xi32, #tpu.memory_space<vmem>>, vector<16xi32>,
          %parallel_loop3A_639 = arith.muli %broadcast_in_dim3A_89, %parallel_loop3A_606 : vector<16xi32>
          %parallel_loop3A_640 = arith.subi %parallel_loop3A_604, %parallel_loop3A_639 : vector<16xi32>
          %parallel_loop3A_641 = arith.constant 6 : i32
          %parallel_loop3A_642 = arith.muli %parallel_loop3A_641, %parallel_loop3A_210 : i32
          %parallel_loop3A_643 = arith.constant 2 : i32
          %parallel_loop3A_644 = arith.addi %parallel_loop3A_642, %parallel_loop3A_643 : i32
          %parallel_loop3A_645 = arith.index_cast %rem3A_186 : i32 to index
          %parallel_loop3A_646 = arith.index_cast %parallel_loop3A_644 : i32 to index
          %parallel_loop3A_647 = arith.constant 80 : index
          %parallel_loop3A_648 = tpu.vector_load %arg6[%parallel_loop3A_645, %parallel_loop3A_646, %parallel_loop3A_647] {strides = array<i32>} : memref<3x120x128xi32, #tpu.memory_space<vmem>>, vector<16xi32>,
          tpu.vector_store %arg6[%parallel_loop3A_645, %parallel_loop3A_646, %parallel_loop3A_647], %parallel_loop3A_640 {strides = array<i32>} : memref<3x120x128xi32, #tpu.memory_space<vmem>>, vector<16xi32>,
          %parallel_loop3A_649 = arith.muli %broadcast_in_dim3A_89, %parallel_loop3A_608 : vector<16xi32>
          %parallel_loop3A_650 = arith.subi %parallel_loop3A_606, %parallel_loop3A_649 : vector<16xi32>
          %parallel_loop3A_651 = arith.constant 6 : i32
          %parallel_loop3A_652 = arith.muli %parallel_loop3A_651, %parallel_loop3A_210 : i32
          %parallel_loop3A_653 = arith.constant 1 : i32
          %parallel_loop3A_654 = arith.addi %parallel_loop3A_652, %parallel_loop3A_653 : i32
          %parallel_loop3A_655 = arith.index_cast %rem3A_186 : i32 to index
          %parallel_loop3A_656 = arith.index_cast %parallel_loop3A_654 : i32 to index
          %parallel_loop3A_657 = arith.constant 80 : index
          %parallel_loop3A_658 = tpu.vector_load %arg6[%parallel_loop3A_655, %parallel_loop3A_656, %parallel_loop3A_657] {strides = array<i32>} : memref<3x120x128xi32, #tpu.memory_space<vmem>>, vector<16xi32>,
          tpu.vector_store %arg6[%parallel_loop3A_655, %parallel_loop3A_656, %parallel_loop3A_657], %parallel_loop3A_650 {strides = array<i32>} : memref<3x120x128xi32, #tpu.memory_space<vmem>>, vector<16xi32>,
          %parallel_loop3A_659 = arith.constant 6 : i32
          %parallel_loop3A_660 = arith.muli %parallel_loop3A_659, %parallel_loop3A_210 : i32
          %parallel_loop3A_661 = arith.constant 0 : i32
          %parallel_loop3A_662 = arith.addi %parallel_loop3A_660, %parallel_loop3A_661 : i32
          %parallel_loop3A_663 = arith.index_cast %rem3A_186 : i32 to index
          %parallel_loop3A_664 = arith.index_cast %parallel_loop3A_662 : i32 to index
          %parallel_loop3A_665 = arith.constant 80 : index
          %parallel_loop3A_666 = tpu.vector_load %arg6[%parallel_loop3A_663, %parallel_loop3A_664, %parallel_loop3A_665] {strides = array<i32>} : memref<3x120x128xi32, #tpu.memory_space<vmem>>, vector<16xi32>,
          tpu.vector_store %arg6[%parallel_loop3A_663, %parallel_loop3A_664, %parallel_loop3A_665], %parallel_loop3A_608 {strides = array<i32>} : memref<3x120x128xi32, #tpu.memory_space<vmem>>, vector<16xi32>,
          %parallel_loop3A_667 = arith.addi %mul3A_188, %parallel_loop3A_210 : i32
          %parallel_loop3A_668 = arith.constant 128 : i32
          %parallel_loop3A_669 = arith.muli %parallel_loop3A_667, %parallel_loop3A_668 : i32
          %parallel_loop3A_670 = arith.constant 96 : i32
          %parallel_loop3A_671 = arith.addi %parallel_loop3A_669, %parallel_loop3A_670 : i32
          %parallel_loop3A_672 = arith.index_cast %parallel_loop3A_671 : i32 to index
          %parallel_loop3A_673 = tpu.vector_load %arg5[%parallel_loop3A_672] {strides = array<i32>} : memref<25600xi32, #tpu.memory_space<vmem>>, vector<16xi32>,
          %parallel_loop3A_674 = arith.sitofp %parallel_loop3A_673 : vector<16xi32> to vector<16xf32>
          %parallel_loop3A_675 = arith.mulf %parallel_loop3A_674, %broadcast_in_dim3A_79 : vector<16xf32>
          %parallel_loop3A_676 = arith.fptosi %parallel_loop3A_675 : vector<16xf32> to vector<16xi32>
          %parallel_loop3A_677 = arith.mulf %parallel_loop3A_674, %broadcast_in_dim3A_81 : vector<16xf32>
          %parallel_loop3A_678 = arith.fptosi %parallel_loop3A_677 : vector<16xf32> to vector<16xi32>
          %parallel_loop3A_679 = arith.mulf %parallel_loop3A_674, %broadcast_in_dim3A_83 : vector<16xf32>
          %parallel_loop3A_680 = arith.fptosi %parallel_loop3A_679 : vector<16xf32> to vector<16xi32>
          %parallel_loop3A_681 = arith.mulf %parallel_loop3A_674, %broadcast_in_dim3A_85 : vector<16xf32>
          %parallel_loop3A_682 = arith.fptosi %parallel_loop3A_681 : vector<16xf32> to vector<16xi32>
          %parallel_loop3A_683 = arith.mulf %parallel_loop3A_674, %broadcast_in_dim3A_87 : vector<16xf32>
          %parallel_loop3A_684 = arith.fptosi %parallel_loop3A_683 : vector<16xf32> to vector<16xi32>
          %parallel_loop3A_685 = arith.muli %broadcast_in_dim3A_89, %parallel_loop3A_676 : vector<16xi32>
          %parallel_loop3A_686 = arith.subi %parallel_loop3A_673, %parallel_loop3A_685 : vector<16xi32>
          %parallel_loop3A_687 = arith.constant 6 : i32
          %parallel_loop3A_688 = arith.muli %parallel_loop3A_687, %parallel_loop3A_210 : i32
          %parallel_loop3A_689 = arith.constant 5 : i32
          %parallel_loop3A_690 = arith.addi %parallel_loop3A_688, %parallel_loop3A_689 : i32
          %parallel_loop3A_691 = arith.index_cast %rem3A_186 : i32 to index
          %parallel_loop3A_692 = arith.index_cast %parallel_loop3A_690 : i32 to index
          %parallel_loop3A_693 = arith.constant 96 : index
          %parallel_loop3A_694 = tpu.vector_load %arg6[%parallel_loop3A_691, %parallel_loop3A_692, %parallel_loop3A_693] {strides = array<i32>} : memref<3x120x128xi32, #tpu.memory_space<vmem>>, vector<16xi32>,
          tpu.vector_store %arg6[%parallel_loop3A_691, %parallel_loop3A_692, %parallel_loop3A_693], %parallel_loop3A_686 {strides = array<i32>} : memref<3x120x128xi32, #tpu.memory_space<vmem>>, vector<16xi32>,
          %parallel_loop3A_695 = arith.muli %broadcast_in_dim3A_89, %parallel_loop3A_678 : vector<16xi32>
          %parallel_loop3A_696 = arith.subi %parallel_loop3A_676, %parallel_loop3A_695 : vector<16xi32>
          %parallel_loop3A_697 = arith.constant 6 : i32
          %parallel_loop3A_698 = arith.muli %parallel_loop3A_697, %parallel_loop3A_210 : i32
          %parallel_loop3A_699 = arith.constant 4 : i32
          %parallel_loop3A_700 = arith.addi %parallel_loop3A_698, %parallel_loop3A_699 : i32
          %parallel_loop3A_701 = arith.index_cast %rem3A_186 : i32 to index
          %parallel_loop3A_702 = arith.index_cast %parallel_loop3A_700 : i32 to index
          %parallel_loop3A_703 = arith.constant 96 : index
          %parallel_loop3A_704 = tpu.vector_load %arg6[%parallel_loop3A_701, %parallel_loop3A_702, %parallel_loop3A_703] {strides = array<i32>} : memref<3x120x128xi32, #tpu.memory_space<vmem>>, vector<16xi32>,
          tpu.vector_store %arg6[%parallel_loop3A_701, %parallel_loop3A_702, %parallel_loop3A_703], %parallel_loop3A_696 {strides = array<i32>} : memref<3x120x128xi32, #tpu.memory_space<vmem>>, vector<16xi32>,
          %parallel_loop3A_705 = arith.muli %broadcast_in_dim3A_89, %parallel_loop3A_680 : vector<16xi32>
          %parallel_loop3A_706 = arith.subi %parallel_loop3A_678, %parallel_loop3A_705 : vector<16xi32>
          %parallel_loop3A_707 = arith.constant 6 : i32
          %parallel_loop3A_708 = arith.muli %parallel_loop3A_707, %parallel_loop3A_210 : i32
          %parallel_loop3A_709 = arith.constant 3 : i32
          %parallel_loop3A_710 = arith.addi %parallel_loop3A_708, %parallel_loop3A_709 : i32
          %parallel_loop3A_711 = arith.index_cast %rem3A_186 : i32 to index
          %parallel_loop3A_712 = arith.index_cast %parallel_loop3A_710 : i32 to index
          %parallel_loop3A_713 = arith.constant 96 : index
          %parallel_loop3A_714 = tpu.vector_load %arg6[%parallel_loop3A_711, %parallel_loop3A_712, %parallel_loop3A_713] {strides = array<i32>} : memref<3x120x128xi32, #tpu.memory_space<vmem>>, vector<16xi32>,
          tpu.vector_store %arg6[%parallel_loop3A_711, %parallel_loop3A_712, %parallel_loop3A_713], %parallel_loop3A_706 {strides = array<i32>} : memref<3x120x128xi32, #tpu.memory_space<vmem>>, vector<16xi32>,
          %parallel_loop3A_715 = arith.muli %broadcast_in_dim3A_89, %parallel_loop3A_682 : vector<16xi32>
          %parallel_loop3A_716 = arith.subi %parallel_loop3A_680, %parallel_loop3A_715 : vector<16xi32>
          %parallel_loop3A_717 = arith.constant 6 : i32
          %parallel_loop3A_718 = arith.muli %parallel_loop3A_717, %parallel_loop3A_210 : i32
          %parallel_loop3A_719 = arith.constant 2 : i32
          %parallel_loop3A_720 = arith.addi %parallel_loop3A_718, %parallel_loop3A_719 : i32
          %parallel_loop3A_721 = arith.index_cast %rem3A_186 : i32 to index
          %parallel_loop3A_722 = arith.index_cast %parallel_loop3A_720 : i32 to index
          %parallel_loop3A_723 = arith.constant 96 : index
          %parallel_loop3A_724 = tpu.vector_load %arg6[%parallel_loop3A_721, %parallel_loop3A_722, %parallel_loop3A_723] {strides = array<i32>} : memref<3x120x128xi32, #tpu.memory_space<vmem>>, vector<16xi32>,
          tpu.vector_store %arg6[%parallel_loop3A_721, %parallel_loop3A_722, %parallel_loop3A_723], %parallel_loop3A_716 {strides = array<i32>} : memref<3x120x128xi32, #tpu.memory_space<vmem>>, vector<16xi32>,
          %parallel_loop3A_725 = arith.muli %broadcast_in_dim3A_89, %parallel_loop3A_684 : vector<16xi32>
          %parallel_loop3A_726 = arith.subi %parallel_loop3A_682, %parallel_loop3A_725 : vector<16xi32>
          %parallel_loop3A_727 = arith.constant 6 : i32
          %parallel_loop3A_728 = arith.muli %parallel_loop3A_727, %parallel_loop3A_210 : i32
          %parallel_loop3A_729 = arith.constant 1 : i32
          %parallel_loop3A_730 = arith.addi %parallel_loop3A_728, %parallel_loop3A_729 : i32
          %parallel_loop3A_731 = arith.index_cast %rem3A_186 : i32 to index
          %parallel_loop3A_732 = arith.index_cast %parallel_loop3A_730 : i32 to index
          %parallel_loop3A_733 = arith.constant 96 : index
          %parallel_loop3A_734 = tpu.vector_load %arg6[%parallel_loop3A_731, %parallel_loop3A_732, %parallel_loop3A_733] {strides = array<i32>} : memref<3x120x128xi32, #tpu.memory_space<vmem>>, vector<16xi32>,
          tpu.vector_store %arg6[%parallel_loop3A_731, %parallel_loop3A_732, %parallel_loop3A_733], %parallel_loop3A_726 {strides = array<i32>} : memref<3x120x128xi32, #tpu.memory_space<vmem>>, vector<16xi32>,
          %parallel_loop3A_735 = arith.constant 6 : i32
          %parallel_loop3A_736 = arith.muli %parallel_loop3A_735, %parallel_loop3A_210 : i32
          %parallel_loop3A_737 = arith.constant 0 : i32
          %parallel_loop3A_738 = arith.addi %parallel_loop3A_736, %parallel_loop3A_737 : i32
          %parallel_loop3A_739 = arith.index_cast %rem3A_186 : i32 to index
          %parallel_loop3A_740 = arith.index_cast %parallel_loop3A_738 : i32 to index
          %parallel_loop3A_741 = arith.constant 96 : index
          %parallel_loop3A_742 = tpu.vector_load %arg6[%parallel_loop3A_739, %parallel_loop3A_740, %parallel_loop3A_741] {strides = array<i32>} : memref<3x120x128xi32, #tpu.memory_space<vmem>>, vector<16xi32>,
          tpu.vector_store %arg6[%parallel_loop3A_739, %parallel_loop3A_740, %parallel_loop3A_741], %parallel_loop3A_684 {strides = array<i32>} : memref<3x120x128xi32, #tpu.memory_space<vmem>>, vector<16xi32>,
          %parallel_loop3A_743 = arith.addi %mul3A_188, %parallel_loop3A_210 : i32
          %parallel_loop3A_744 = arith.constant 128 : i32
          %parallel_loop3A_745 = arith.muli %parallel_loop3A_743, %parallel_loop3A_744 : i32
          %parallel_loop3A_746 = arith.constant 112 : i32
          %parallel_loop3A_747 = arith.addi %parallel_loop3A_745, %parallel_loop3A_746 : i32
          %parallel_loop3A_748 = arith.index_cast %parallel_loop3A_747 : i32 to index
          %parallel_loop3A_749 = tpu.vector_load %arg5[%parallel_loop3A_748] {strides = array<i32>} : memref<25600xi32, #tpu.memory_space<vmem>>, vector<16xi32>,
          %parallel_loop3A_750 = arith.sitofp %parallel_loop3A_749 : vector<16xi32> to vector<16xf32>
          %parallel_loop3A_751 = arith.mulf %parallel_loop3A_750, %broadcast_in_dim3A_79 : vector<16xf32>
          %parallel_loop3A_752 = arith.fptosi %parallel_loop3A_751 : vector<16xf32> to vector<16xi32>
          %parallel_loop3A_753 = arith.mulf %parallel_loop3A_750, %broadcast_in_dim3A_81 : vector<16xf32>
          %parallel_loop3A_754 = arith.fptosi %parallel_loop3A_753 : vector<16xf32> to vector<16xi32>
          %parallel_loop3A_755 = arith.mulf %parallel_loop3A_750, %broadcast_in_dim3A_83 : vector<16xf32>
          %parallel_loop3A_756 = arith.fptosi %parallel_loop3A_755 : vector<16xf32> to vector<16xi32>
          %parallel_loop3A_757 = arith.mulf %parallel_loop3A_750, %broadcast_in_dim3A_85 : vector<16xf32>
          %parallel_loop3A_758 = arith.fptosi %parallel_loop3A_757 : vector<16xf32> to vector<16xi32>
          %parallel_loop3A_759 = arith.mulf %parallel_loop3A_750, %broadcast_in_dim3A_87 : vector<16xf32>
          %parallel_loop3A_760 = arith.fptosi %parallel_loop3A_759 : vector<16xf32> to vector<16xi32>
          %parallel_loop3A_761 = arith.muli %broadcast_in_dim3A_89, %parallel_loop3A_752 : vector<16xi32>
          %parallel_loop3A_762 = arith.subi %parallel_loop3A_749, %parallel_loop3A_761 : vector<16xi32>
          %parallel_loop3A_763 = arith.constant 6 : i32
          %parallel_loop3A_764 = arith.muli %parallel_loop3A_763, %parallel_loop3A_210 : i32
          %parallel_loop3A_765 = arith.constant 5 : i32
          %parallel_loop3A_766 = arith.addi %parallel_loop3A_764, %parallel_loop3A_765 : i32
          %parallel_loop3A_767 = arith.index_cast %rem3A_186 : i32 to index
          %parallel_loop3A_768 = arith.index_cast %parallel_loop3A_766 : i32 to index
          %parallel_loop3A_769 = arith.constant 112 : index
          %parallel_loop3A_770 = tpu.vector_load %arg6[%parallel_loop3A_767, %parallel_loop3A_768, %parallel_loop3A_769] {strides = array<i32>} : memref<3x120x128xi32, #tpu.memory_space<vmem>>, vector<16xi32>,
          tpu.vector_store %arg6[%parallel_loop3A_767, %parallel_loop3A_768, %parallel_loop3A_769], %parallel_loop3A_762 {strides = array<i32>} : memref<3x120x128xi32, #tpu.memory_space<vmem>>, vector<16xi32>,
          %parallel_loop3A_771 = arith.muli %broadcast_in_dim3A_89, %parallel_loop3A_754 : vector<16xi32>
          %parallel_loop3A_772 = arith.subi %parallel_loop3A_752, %parallel_loop3A_771 : vector<16xi32>
          %parallel_loop3A_773 = arith.constant 6 : i32
          %parallel_loop3A_774 = arith.muli %parallel_loop3A_773, %parallel_loop3A_210 : i32
          %parallel_loop3A_775 = arith.constant 4 : i32
          %parallel_loop3A_776 = arith.addi %parallel_loop3A_774, %parallel_loop3A_775 : i32
          %parallel_loop3A_777 = arith.index_cast %rem3A_186 : i32 to index
          %parallel_loop3A_778 = arith.index_cast %parallel_loop3A_776 : i32 to index
          %parallel_loop3A_779 = arith.constant 112 : index
          %parallel_loop3A_780 = tpu.vector_load %arg6[%parallel_loop3A_777, %parallel_loop3A_778, %parallel_loop3A_779] {strides = array<i32>} : memref<3x120x128xi32, #tpu.memory_space<vmem>>, vector<16xi32>,
          tpu.vector_store %arg6[%parallel_loop3A_777, %parallel_loop3A_778, %parallel_loop3A_779], %parallel_loop3A_772 {strides = array<i32>} : memref<3x120x128xi32, #tpu.memory_space<vmem>>, vector<16xi32>,
          %parallel_loop3A_781 = arith.muli %broadcast_in_dim3A_89, %parallel_loop3A_756 : vector<16xi32>
          %parallel_loop3A_782 = arith.subi %parallel_loop3A_754, %parallel_loop3A_781 : vector<16xi32>
          %parallel_loop3A_783 = arith.constant 6 : i32
          %parallel_loop3A_784 = arith.muli %parallel_loop3A_783, %parallel_loop3A_210 : i32
          %parallel_loop3A_785 = arith.constant 3 : i32
          %parallel_loop3A_786 = arith.addi %parallel_loop3A_784, %parallel_loop3A_785 : i32
          %parallel_loop3A_787 = arith.index_cast %rem3A_186 : i32 to index
          %parallel_loop3A_788 = arith.index_cast %parallel_loop3A_786 : i32 to index
          %parallel_loop3A_789 = arith.constant 112 : index
          %parallel_loop3A_790 = tpu.vector_load %arg6[%parallel_loop3A_787, %parallel_loop3A_788, %parallel_loop3A_789] {strides = array<i32>} : memref<3x120x128xi32, #tpu.memory_space<vmem>>, vector<16xi32>,
          tpu.vector_store %arg6[%parallel_loop3A_787, %parallel_loop3A_788, %parallel_loop3A_789], %parallel_loop3A_782 {strides = array<i32>} : memref<3x120x128xi32, #tpu.memory_space<vmem>>, vector<16xi32>,
          %parallel_loop3A_791 = arith.muli %broadcast_in_dim3A_89, %parallel_loop3A_758 : vector<16xi32>
          %parallel_loop3A_792 = arith.subi %parallel_loop3A_756, %parallel_loop3A_791 : vector<16xi32>
          %parallel_loop3A_793 = arith.constant 6 : i32
          %parallel_loop3A_794 = arith.muli %parallel_loop3A_793, %parallel_loop3A_210 : i32
          %parallel_loop3A_795 = arith.constant 2 : i32
          %parallel_loop3A_796 = arith.addi %parallel_loop3A_794, %parallel_loop3A_795 : i32
          %parallel_loop3A_797 = arith.index_cast %rem3A_186 : i32 to index
          %parallel_loop3A_798 = arith.index_cast %parallel_loop3A_796 : i32 to index
          %parallel_loop3A_799 = arith.constant 112 : index
          %parallel_loop3A_800 = tpu.vector_load %arg6[%parallel_loop3A_797, %parallel_loop3A_798, %parallel_loop3A_799] {strides = array<i32>} : memref<3x120x128xi32, #tpu.memory_space<vmem>>, vector<16xi32>,
          tpu.vector_store %arg6[%parallel_loop3A_797, %parallel_loop3A_798, %parallel_loop3A_799], %parallel_loop3A_792 {strides = array<i32>} : memref<3x120x128xi32, #tpu.memory_space<vmem>>, vector<16xi32>,
          %parallel_loop3A_801 = arith.muli %broadcast_in_dim3A_89, %parallel_loop3A_760 : vector<16xi32>
          %parallel_loop3A_802 = arith.subi %parallel_loop3A_758, %parallel_loop3A_801 : vector<16xi32>
          %parallel_loop3A_803 = arith.constant 6 : i32
          %parallel_loop3A_804 = arith.muli %parallel_loop3A_803, %parallel_loop3A_210 : i32
          %parallel_loop3A_805 = arith.constant 1 : i32
          %parallel_loop3A_806 = arith.addi %parallel_loop3A_804, %parallel_loop3A_805 : i32
          %parallel_loop3A_807 = arith.index_cast %rem3A_186 : i32 to index
          %parallel_loop3A_808 = arith.index_cast %parallel_loop3A_806 : i32 to index
          %parallel_loop3A_809 = arith.constant 112 : index
          %parallel_loop3A_810 = tpu.vector_load %arg6[%parallel_loop3A_807, %parallel_loop3A_808, %parallel_loop3A_809] {strides = array<i32>} : memref<3x120x128xi32, #tpu.memory_space<vmem>>, vector<16xi32>,
          tpu.vector_store %arg6[%parallel_loop3A_807, %parallel_loop3A_808, %parallel_loop3A_809], %parallel_loop3A_802 {strides = array<i32>} : memref<3x120x128xi32, #tpu.memory_space<vmem>>, vector<16xi32>,
          %parallel_loop3A_811 = arith.constant 6 : i32
          %parallel_loop3A_812 = arith.muli %parallel_loop3A_811, %parallel_loop3A_210 : i32
          %parallel_loop3A_813 = arith.constant 0 : i32
          %parallel_loop3A_814 = arith.addi %parallel_loop3A_812, %parallel_loop3A_813 : i32
          %parallel_loop3A_815 = arith.index_cast %rem3A_186 : i32 to index
          %parallel_loop3A_816 = arith.index_cast %parallel_loop3A_814 : i32 to index
          %parallel_loop3A_817 = arith.constant 112 : index
          %parallel_loop3A_818 = tpu.vector_load %arg6[%parallel_loop3A_815, %parallel_loop3A_816, %parallel_loop3A_817] {strides = array<i32>} : memref<3x120x128xi32, #tpu.memory_space<vmem>>, vector<16xi32>,
          tpu.vector_store %arg6[%parallel_loop3A_815, %parallel_loop3A_816, %parallel_loop3A_817], %parallel_loop3A_760 {strides = array<i32>} : memref<3x120x128xi32, #tpu.memory_space<vmem>>, vector<16xi32>,
        } {sc.loop_unroll_factor = 2 : i64, sc.parallel_access}
        %dma_start3A_198 = arith.constant 0 : i32
        %dma_start3A_199 = arith.constant 0 : i32
        %dma_start3A_200 = tpu.memref_slice %arg6[%rem3A_186, %dma_start3A_198, %dma_start3A_199] : memref<3x120x128xi32, #tpu.memory_space<vmem>> -> memref<1x120x128xi32, #tpu.memory_space<vmem>>
        %dma_start3A_201 = tpu.memref_squeeze %dma_start3A_200 : memref<1x120x128xi32, #tpu.memory_space<vmem>> -> memref<120x128xi32, #tpu.memory_space<vmem>>
        %dma_start3A_202 = tpu.memref_slice %arg3[%multiple_of3A, %mul3A_160] : memref<1200x16384xi32, #tpu.memory_space<hbm>> -> memref<120x128xi32, #tpu.memory_space<hbm>>
        %dma_start3A_203 = tpu.memref_slice %arg7[%rem3A_186] : memref<3x!tpu.dma_semaphore, #tpu.memory_space<semaphore_mem>> -> memref<1x!tpu.dma_semaphore, #tpu.memory_space<semaphore_mem>>
        %dma_start3A_204 = tpu.memref_squeeze %dma_start3A_203 : memref<1x!tpu.dma_semaphore, #tpu.memory_space<semaphore_mem>> -> memref<!tpu.dma_semaphore, #tpu.memory_space<semaphore_mem>>
        %dma_start3A_205 = tpu.memref_slice %arg3[%multiple_of3A, %mul3A_160] : memref<1200x16384xi32, #tpu.memory_space<hbm>> -> memref<120x128xi32, #tpu.memory_space<hbm>>
        %dma_start3A_206 = arith.constant 0 : i32
        %dma_start3A_207 = arith.constant 0 : i32
        %dma_start3A_208 = tpu.memref_slice %arg6[%rem3A_186, %dma_start3A_206, %dma_start3A_207] : memref<3x120x128xi32, #tpu.memory_space<vmem>> -> memref<1x120x128xi32, #tpu.memory_space<vmem>>
        %dma_start3A_209 = tpu.memref_squeeze %dma_start3A_208 : memref<1x120x128xi32, #tpu.memory_space<vmem>> -> memref<120x128xi32, #tpu.memory_space<vmem>>
        tpu.enqueue_dma source(%dma_start3A_209 : memref<120x128xi32, #tpu.memory_space<vmem>>) target(%dma_start3A_205 : memref<120x128xi32, #tpu.memory_space<hbm>>) target_semaphore(%dma_start3A_204 : memref<!tpu.dma_semaphore, #tpu.memory_space<semaphore_mem>>)
      }
      %scan3A_181 = arith.constant 10 : i32
    }
    %scan3A_103 = arith.constant 4 : i32
    %mul3A_104 = arith.constant 4 : i32
    %mul3A_105 = arith.muli %add3A, %mul3A_104 : i32
    %mul3A_106 = arith.constant 128 : i32
    %mul3A_107 = arith.muli %mul3A_105, %mul3A_106 : i32
    %dma_wait3A = arith.constant 0 : i32
    %dma_wait3A_108 = arith.constant 0 : i32
    %dma_wait3A_109 = arith.constant 0 : i32
    %dma_wait3A_110 = arith.constant 0 : i32
    %dma_wait3A_111 = tpu.memref_slice %arg6[%dma_wait3A, %dma_wait3A_109, %dma_wait3A_110] : memref<3x120x128xi32, #tpu.memory_space<vmem>> -> memref<1x120x128xi32, #tpu.memory_space<vmem>>
    %dma_wait3A_112 = tpu.memref_squeeze %dma_wait3A_111 : memref<1x120x128xi32, #tpu.memory_space<vmem>> -> memref<120x128xi32, #tpu.memory_space<vmem>>
    %dma_wait3A_113 = arith.constant 0 : i32
    %dma_wait3A_114 = tpu.memref_slice %arg3[%dma_wait3A_113, %mul3A_107] : memref<1200x16384xi32, #tpu.memory_space<hbm>> -> memref<120x128xi32, #tpu.memory_space<hbm>>
    %dma_wait3A_115 = tpu.memref_slice %arg7[%dma_wait3A_108] : memref<3x!tpu.dma_semaphore, #tpu.memory_space<semaphore_mem>> -> memref<1x!tpu.dma_semaphore, #tpu.memory_space<semaphore_mem>>
    %dma_wait3A_116 = tpu.memref_squeeze %dma_wait3A_115 : memref<1x!tpu.dma_semaphore, #tpu.memory_space<semaphore_mem>> -> memref<!tpu.dma_semaphore, #tpu.memory_space<semaphore_mem>>
    %dma_wait3A_117 = arith.constant 0 : i32
    %dma_wait3A_118 = tpu.memref_slice %arg3[%dma_wait3A_117, %mul3A_107] : memref<1200x16384xi32, #tpu.memory_space<hbm>> -> memref<120x128xi32, #tpu.memory_space<hbm>>
    %dma_wait3A_119 = arith.constant 0 : i32
    %dma_wait3A_120 = arith.constant 0 : i32
    %dma_wait3A_121 = tpu.memref_slice %arg6[%dma_wait3A, %dma_wait3A_119, %dma_wait3A_120] : memref<3x120x128xi32, #tpu.memory_space<vmem>> -> memref<1x120x128xi32, #tpu.memory_space<vmem>>
    %dma_wait3A_122 = tpu.memref_squeeze %dma_wait3A_121 : memref<1x120x128xi32, #tpu.memory_space<vmem>> -> memref<120x128xi32, #tpu.memory_space<vmem>>
    tpu.wait_dma2 semaphore(%dma_wait3A_116 : memref<!tpu.dma_semaphore, #tpu.memory_space<semaphore_mem>>) src(%dma_wait3A_122 : memref<120x128xi32, #tpu.memory_space<vmem>>) dst(%dma_wait3A_118 : memref<120x128xi32, #tpu.memory_space<hbm>>)
    %dma_wait3A_123 = arith.constant 1 : i32
    %dma_wait3A_124 = arith.constant 1 : i32
    %dma_wait3A_125 = arith.constant 0 : i32
    %dma_wait3A_126 = arith.constant 0 : i32
    %dma_wait3A_127 = tpu.memref_slice %arg6[%dma_wait3A_123, %dma_wait3A_125, %dma_wait3A_126] : memref<3x120x128xi32, #tpu.memory_space<vmem>> -> memref<1x120x128xi32, #tpu.memory_space<vmem>>
    %dma_wait3A_128 = tpu.memref_squeeze %dma_wait3A_127 : memref<1x120x128xi32, #tpu.memory_space<vmem>> -> memref<120x128xi32, #tpu.memory_space<vmem>>
    %dma_wait3A_129 = arith.constant 0 : i32
    %dma_wait3A_130 = tpu.memref_slice %arg3[%dma_wait3A_129, %mul3A_107] : memref<1200x16384xi32, #tpu.memory_space<hbm>> -> memref<120x128xi32, #tpu.memory_space<hbm>>
    %dma_wait3A_131 = tpu.memref_slice %arg7[%dma_wait3A_124] : memref<3x!tpu.dma_semaphore, #tpu.memory_space<semaphore_mem>> -> memref<1x!tpu.dma_semaphore, #tpu.memory_space<semaphore_mem>>
    %dma_wait3A_132 = tpu.memref_squeeze %dma_wait3A_131 : memref<1x!tpu.dma_semaphore, #tpu.memory_space<semaphore_mem>> -> memref<!tpu.dma_semaphore, #tpu.memory_space<semaphore_mem>>
    %dma_wait3A_133 = arith.constant 0 : i32
    %dma_wait3A_134 = tpu.memref_slice %arg3[%dma_wait3A_133, %mul3A_107] : memref<1200x16384xi32, #tpu.memory_space<hbm>> -> memref<120x128xi32, #tpu.memory_space<hbm>>
    %dma_wait3A_135 = arith.constant 0 : i32
    %dma_wait3A_136 = arith.constant 0 : i32
    %dma_wait3A_137 = tpu.memref_slice %arg6[%dma_wait3A_123, %dma_wait3A_135, %dma_wait3A_136] : memref<3x120x128xi32, #tpu.memory_space<vmem>> -> memref<1x120x128xi32, #tpu.memory_space<vmem>>
    %dma_wait3A_138 = tpu.memref_squeeze %dma_wait3A_137 : memref<1x120x128xi32, #tpu.memory_space<vmem>> -> memref<120x128xi32, #tpu.memory_space<vmem>>
    tpu.wait_dma2 semaphore(%dma_wait3A_132 : memref<!tpu.dma_semaphore, #tpu.memory_space<semaphore_mem>>) src(%dma_wait3A_138 : memref<120x128xi32, #tpu.memory_space<vmem>>) dst(%dma_wait3A_134 : memref<120x128xi32, #tpu.memory_space<hbm>>)
    %dma_wait3A_139 = arith.constant 2 : i32
    %dma_wait3A_140 = arith.constant 2 : i32
    %dma_wait3A_141 = arith.constant 0 : i32
    %dma_wait3A_142 = arith.constant 0 : i32
    %dma_wait3A_143 = tpu.memref_slice %arg6[%dma_wait3A_139, %dma_wait3A_141, %dma_wait3A_142] : memref<3x120x128xi32, #tpu.memory_space<vmem>> -> memref<1x120x128xi32, #tpu.memory_space<vmem>>
    %dma_wait3A_144 = tpu.memref_squeeze %dma_wait3A_143 : memref<1x120x128xi32, #tpu.memory_space<vmem>> -> memref<120x128xi32, #tpu.memory_space<vmem>>
    %dma_wait3A_145 = arith.constant 0 : i32
    %dma_wait3A_146 = tpu.memref_slice %arg3[%dma_wait3A_145, %mul3A_107] : memref<1200x16384xi32, #tpu.memory_space<hbm>> -> memref<120x128xi32, #tpu.memory_space<hbm>>
    %dma_wait3A_147 = tpu.memref_slice %arg7[%dma_wait3A_140] : memref<3x!tpu.dma_semaphore, #tpu.memory_space<semaphore_mem>> -> memref<1x!tpu.dma_semaphore, #tpu.memory_space<semaphore_mem>>
    %dma_wait3A_148 = tpu.memref_squeeze %dma_wait3A_147 : memref<1x!tpu.dma_semaphore, #tpu.memory_space<semaphore_mem>> -> memref<!tpu.dma_semaphore, #tpu.memory_space<semaphore_mem>>
    %dma_wait3A_149 = arith.constant 0 : i32
    %dma_wait3A_150 = tpu.memref_slice %arg3[%dma_wait3A_149, %mul3A_107] : memref<1200x16384xi32, #tpu.memory_space<hbm>> -> memref<120x128xi32, #tpu.memory_space<hbm>>
    %dma_wait3A_151 = arith.constant 0 : i32
    %dma_wait3A_152 = arith.constant 0 : i32
    %dma_wait3A_153 = tpu.memref_slice %arg6[%dma_wait3A_139, %dma_wait3A_151, %dma_wait3A_152] : memref<3x120x128xi32, #tpu.memory_space<vmem>> -> memref<1x120x128xi32, #tpu.memory_space<vmem>>
    %dma_wait3A_154 = tpu.memref_squeeze %dma_wait3A_153 : memref<1x120x128xi32, #tpu.memory_space<vmem>> -> memref<120x128xi32, #tpu.memory_space<vmem>>
    tpu.wait_dma2 semaphore(%dma_wait3A_148 : memref<!tpu.dma_semaphore, #tpu.memory_space<semaphore_mem>>) src(%dma_wait3A_154 : memref<120x128xi32, #tpu.memory_space<vmem>>) dst(%dma_wait3A_150 : memref<120x128xi32, #tpu.memory_space<hbm>>)
    return
  }
}

</mosaic_0001>

<sc_bundles>
// kernel: _digits_t.3.cloned.1.call-start
scs
__scs_entry_jumppad:
0x0: {  	(pc) =	sbr.rel $0x88, $3  }
0x1: {  	(tag) =	ssettag $0x0;
	lr =	simm.s32 $0x1  }
0x2: {  	[smem:$0x3FA0] =	sst lr;
	_ =	strace $0xD0000000  }
0x3: {  	_ = 	snop  }
0x4: {  	_ = 	snop  }
0x5: {  	_ = 	snop  }
0x6: {  	_ = 	snop  }
0x7: {  	_ = 	snop  }
__scs_overlays_trampoline_lowered:
0x8: {  	[smem:$0x3FAF] =	sst s0  }
0x9: {  	[smem:$0x3FB0] =	sst s1  }
0xa: {  	[smem:$0x3FB1] =	sst s2  }
0xb: {  	[smem:$0x3FB2] =	sst s3  }
0xc: {  	[smem:$0x3FB3] =	sst s4  }
0xd: {  	[smem:$0x3FB4] =	sst s5  }
0xe: {  	[smem:$0x3FB5] =	sst s6  }
0xf: {  	[smem:$0x3FB6] =	sst s7  }
0x10: {  	[smem:$0x3FB7] =	sst s8  }
0x11: {  	[smem:$0x3FB8] =	sst s9;
	s0 =	simm.s32 @!p0 $0x0  }
0x12: {  	s1 =	sld [smem:$0x3F9E];
	s0 =	simm.s32 @p0 $0x1  }
0x13: {  	[smem:$0x3FB9] =	sst s0;
	s0 =	simm.s32 @!p1 $0x0  }
0x14: {  	s2 =	sld [smem:$0x3F9D];
	s0 =	simm.s32 @p1 $0x1  }
0x15: {  	[smem:$0x3FBA] =	sst s0;
	s0 =	simm.s32 @!p2 $0x0  }
0x16: {  	s3 =	sld [smem:$0x3FDB];
	s0 =	simm.s32 @p2 $0x1  }
0x17: {  	s4 =	simm.s32 $0x1BF5;
	[smem:$0x3FBC] =	sst s0  }
0x18: {  	s0 =	sld [smem:$0x3F9F];
	_ =	swait.ge [sflag:s4], $0x0  }
0x19: {  	s7 =	sld [smem:$0x3FA0]  }
0x1a: {  	s8 =	sadd.s32 $0xFFFFE003, lr  }
0x1b: {  	s9 =	sadd.s32 $0xFFFFFEF7, lr;
	s5 =	simm.s32 $0xFFFFFFFF;
	p2 =	slt.u32 s8, $0xFFFFF086  }
0x1c: {  	p1 =	slt.u32 s9, $0xF7A;
	s5 =	simm.s32 @!p2 $0x0  }
0x1d: {  	s5 =	simm.s32 @p1 $0x1;
	p0 =	seq.s32 s7, s2  }
0x1e: {  	s7 =	smul.u32 @!p0 $0xF7A, s2;
	p2 =	seq.s32 @!p0 s5, $0x0  }
0x1f: {  	s9 =	smul.u32 $0xF7A, s1;
	s8 =	simm.s32 @!p0 $0x1BF5;
	p2 =	por !p2, p0  }
0x20: {  	[sflag:s8] =	ssyncset.s32 @!p0 $0xFFFFF086;
	s6 =	sadd.s32 @!p0 s3, s7;
	s7 =	simm.s32 @!p0 $0x108  }
0x21: {  	s3 =	sadd.s32 s3, s9;
	s6 =	sadd.s32 @!p0 $0x88, s6;
	s7 =	simm.s32 @p2 $0x1082  }
0x22: {  	[simem:s7], [sflag:s8] =	dma.local @!p0 [hbm:s6], $0xF7A  }
0x23: {  	s9 =	sor.u32 $0xD0000000, s2;
	s6 =	simm.s32 $0x108;
	_ =	swait.ge @!p0 [sflag:s8], $0x0  }
0x24: {  	s3 =	sadd.s32 $0x88, s3;
	s6 =	simm.s32 @!p1 $0x1082;
	[sflag:s4] =	ssyncset.s32 $0xFFFFF086  }
0x25: {  	[simem:s6], [sflag:s4] =	dma.local [hbm:s3], $0xF7A  }
0x26: {  	[smem:$0x3FA0] =	sst s1;
	(tag) =	ssettag s2;
	_ =	strace s9  }
0x27: {  	s1 =	sld [smem:$0x3FB0]  }
0x28: {  	s2 =	sld [smem:$0x3FB1]  }
0x29: {  	s4 =	sld [smem:$0x3FB3]  }
0x2a: {  	p0 =	seq.s32 s5, $0x0;
	s5 =	sld [smem:$0x3FB4]  }
0x2b: {  	s6 =	sld [smem:$0x3FB5]  }
0x2c: {  	s7 =	sld [smem:$0x3FB6]  }
0x2d: {  	s3 =	simm.s32 $0x108;
	s8 =	sld [smem:$0x3FB7]  }
0x2e: {  	s3 =	simm.s32 @!p0 $0x1082;
	s9 =	sld [smem:$0x3FB8]  }
0x2f: {  	lr =	sadd.s32 s0, s3;
	s0 =	sld [smem:$0x3FAF]  }
0x30: {  	s3 =	sld [smem:$0x3FB2]  }
0x31: {  	[smem:$0x3FBB] =	sst s10  }
0x32: {  	s10 =	sld [smem:$0x3FB9];
	_ =	sdelay $0x3  }
0x33: {  	p0 =	seq.s32 s10, $0x1;
	s10 =	sld [smem:$0x3FBB];
	_ =	sdelay $0x3  }
0x34: {  	[smem:$0x3FBB] =	sst s10  }
0x35: {  	s10 =	sld [smem:$0x3FBA];
	_ =	sdelay $0x3  }
0x36: {  	p1 =	seq.s32 s10, $0x1;
	s10 =	sld [smem:$0x3FBB];
	_ =	sdelay $0x3  }
0x37: {  	[smem:$0x3FBB] =	sst s10  }
0x38: {  	s10 =	sld [smem:$0x3FBC]  }
0x39: {  	_ = 	snop;
	(pc) =	sbr.ind lr, $3  }
0x3a: {  	_ = 	snop  }
0x3b: {  	_ = 	snop  }
0x3c: {  	p2 =	seq.s32 s10, $0x1;
	s10 =	sld [smem:$0x3FBB]  }
0x3d: {  	_ =	shalt  }
0x3e: {  	_ =	shalt  }
0x3f: {  	_ =	shalt  }
0x40: {  	_ =	shalt  }
0x41: {  	_ =	shalt  }
0x42: {  	_ =	shalt  }
0x43: {  	_ =	shalt  }
0x44: {  	_ =	shalt  }
0x45: {  	_ =	shalt  }
0x46: {  	_ =	shalt  }
0x47: {  	_ =	shalt  }
0x48: {  	_ =	shalt  }
0x49: {  	_ =	shalt  }
0x4a: {  	_ =	shalt  }
0x4b: {  	_ =	shalt  }
0x4c: {  	_ =	shalt  }
0x4d: {  	_ =	shalt  }
0x4e: {  	_ =	shalt  }
0x4f: {  	_ =	shalt  }
0x50: {  	_ =	shalt  }
0x51: {  	_ =	shalt  }
0x52: {  	_ =	shalt  }
0x53: {  	_ =	shalt  }
0x54: {  	_ =	shalt  }
0x55: {  	_ =	shalt  }
0x56: {  	_ =	shalt  }
0x57: {  	_ =	shalt  }
0x58: {  	_ =	shalt  }
0x59: {  	_ =	shalt  }
0x5a: {  	_ =	shalt  }
0x5b: {  	_ =	shalt  }
0x5c: {  	_ =	shalt  }
0x5d: {  	_ =	shalt  }
0x5e: {  	_ =	shalt  }
0x5f: {  	_ =	shalt  }
0x60: {  	_ =	shalt  }
0x61: {  	_ =	shalt  }
0x62: {  	_ =	shalt  }
0x63: {  	_ =	shalt  }
0x64: {  	_ =	shalt  }
0x65: {  	_ =	shalt  }
0x66: {  	_ =	shalt  }
0x67: {  	_ =	shalt  }
0x68: {  	_ =	shalt  }
0x69: {  	_ =	shalt  }
0x6a: {  	_ =	shalt  }
0x6b: {  	_ =	shalt  }
0x6c: {  	_ =	shalt  }
0x6d: {  	_ =	shalt  }
0x6e: {  	_ =	shalt  }
0x6f: {  	_ =	shalt  }
0x70: {  	_ =	shalt  }
0x71: {  	_ =	shalt  }
0x72: {  	_ =	shalt  }
0x73: {  	_ =	shalt  }
0x74: {  	_ =	shalt  }
0x75: {  	_ =	shalt  }
0x76: {  	_ =	shalt  }
0x77: {  	_ =	shalt  }
0x78: {  	_ =	shalt  }
0x79: {  	_ =	shalt  }
0x7a: {  	_ =	shalt  }
0x7b: {  	_ =	shalt  }
0x7c: {  	_ =	shalt  }
0x7d: {  	_ =	shalt  }
0x7e: {  	_ =	shalt  }
0x7f: {  	_ =	shalt  }
0x80: {  	_ =	shalt  }
0x81: {  	_ =	shalt  }
0x82: {  	_ =	shalt  }
0x83: {  	_ =	shalt  }
0x84: {  	_ =	shalt  }
0x85: {  	_ =	shalt  }
0x86: {  	_ =	shalt  }
0x87: {  	_ =	shalt  }
.Lfunc_end0:
.L_simem_size_0:
called_computation_lowered:
.L_overlay_start_0:
0x88: {  	s2 =	sld [smem:$0x3FD9]  }
0x89: {  	s3 =	sld [smem:$0x3FFE];
	_ =	sdelay $0x1  }
0x8a: {  	s1 =	srdreg.scid  }
0x8b: {  	s0 =	sand.u32 $0x1, s1  }
0x8c: {  	s17 =	sshll.u32 s0, $0xA;
	s2 =	sadd.s32 s3, s2  }
0x8d: {  	s2 =	sadd.s32 s2, s17  }
0x8e: {  	[smem:$0x3FC7] =	sst s2  }
0x8f: {  	_ = 	snop  }
0x90: {  	s2 =	sld [smem:$0x3FD0];
	(tm) =	ssettm $0x1  }
0x91: {  	s18 =	sld [smem:$0x3FFB];
	_ =	sdelay $0x3  }
0x92: {  	_ =	strace s18  }
0x93: {  	s3 =	sld [smem:$0x3FFC];
	_ =	sdelay $0x3  }
0x94: {  	_ =	strace s3  }
0x95: {  	s3 =	sld [smem:$0x3FFD];
	_ =	sdelay $0x3  }
0x96: {  	_ =	strace s3  }
0x97: {  	_ =	strace $0x8FFFFFFF  }
0x98: {  	s19 =	sld [smem:$0x3FDB];
	_ =	sdelay $0x1  }
0x99: {  	s4 =	simm.s32 $_scs_section_size  }
0x9a: {  	s5 =	simm.s32 $_size__tile_overlayer_lowered;
	s6 =	simm.s32 $_tile_overlayer_lowered  }
0x9b: {  	s22 =	simm.s32 $0x1BFF;
	s21 =	sshll.u32 s6, $0x1;
	s3 =	sadd.s32 s4, s19  }
0x9c: {  	s7 =	simm.s32 $0x0;
	s20 =	sshll.u32 s5, $0x1;
	s5 =	sadd.s32 s21, s3  }
0x9d: {  	[timem:s7], [sflag:s22] =	dma.local [hbm:s5], s20  }
0x9e: {  	_ =	swait.ge [sflag:s22], s20  }
0x9f: {  	s4 =	ssub.s32 $0x0, s20;
	[sflag:s22] =	ssyncset.done $0x0  }
0xa0: {  	[sflag:s22] =	ssyncadd.s32 s4;
	_ =	sdelay $0x1  }
0xa1: {  	s23 =	simm.s32 $0x1B8B  }
0xa2: {  	_ =	swait.ge [sflag:s23], $0x1  }
0xa3: {  	[sflag:s23] =	ssyncset.done $0x0  }
0xa4: {  	s25 =	simm.s32 $0x1B8E;
	s24 =	sld [smem:$0x3FFE];
	[sflag:s23] =	ssyncadd.s32 $0xFFFFFFFF  }
0xa5: {  	s26 =	simm.s32 $execute0_lowered;
	[smem:$0x3FD2] =	sst s25  }
0xa6: {  	s5 =	sshll.u32 s26, $0x1;
	_ =	strace $0x80000046;
	[dreg:$0x1] =	wrdreg $0xFFFFFFFF  }
0xa7: {  	s28 =	simm.s32 $_size_execute0_lowered;
	s3 =	sadd.s32 s3, s5;
	[dreg:$0x0] =	wrdreg $0x0  }
0xa8: {  	s5 =	sshll.u32 s28, $0x1;
	[dreg:$0x2] =	wrdreg s3  }
0xa9: {  	[dreg:$0x3] =	wrdreg s5  }
0xaa: {  	[dreg:$0x4] =	wrdreg $0xC0  }
0xab: {  	_ =	task [dreg:s7], $0x5FFFF  }
0xac: {  	[dreg:$0x1] =	wrdreg $0xFFFFFFFF  }
0xad: {  	[dreg:$0x0] =	wrdreg $0x60  }
0xae: {  	[dreg:$0x2] =	wrdreg s24  }
0xaf: {  	[dreg:$0x3] =	wrdreg s2  }
0xb0: {  	[dreg:$0x4] =	wrdreg $0x9  }
0xb1: {  	_ =	task.clear_ibuf [dreg:s7], $0x5FFFF;
	_ =	strace $0x90000046  }
0xb2: {  	s29 =	simm.s32 $0x9;
	_ =	strace $0x80000048  }
0xb3: {  	_ =	swait.ge [sflag:s29], $0x1  }
0xb4: {  	[sflag:s29] =	ssyncadd.s32 $0xFFFFFFFF  }
0xb5: {  	_ =	strace $0x90000048  }
0xb6: {  	_ =	sfence  }
0xb7: {  	s30 =	sld [smem:$0x0];
	_ =	sdelay $0x2  }
0xb8: {  	s31 =	sshll.u32 s1, $0xD;
	s1 =	sshrl.u32 s1, $0x2  }
0xb9: {  	s3 =	sand.u32 $0x4000, s31;
	s1 =	sadd.s32 s1, s30  }
0xba: {  	s0 =	sor.u32 s3, s0;
	s1 =	sshll.u32 s1, $0x11  }
0xbb: {  	s0 =	sor.u32 s1, s0  }
0xbc: {  	s0 =	sadd.s32 $0x8F2B, s0  }
0xbd: {  	[sflag:s0] =	ssyncadd.remote.s32 $0x1  }
0xbe: {  	_ =	sfence.sel $0xFFFF  }
0xbf: {  	[dreg:$0x0] =	wrdreg $0xFFFFFFFF;
	(pc) =	sbr.abs _section_cstart, $3  }
0xc0: {  	[dreg:$0x1] =	wrdreg $0xFFFFFFFF  }
0xc1: {  	_ =	task.clear_ibuf [dreg:s7], $0x2FFFF;
	_ =	strace $0x9FFFFFFF  }
0xc2: {  	(tm) =	ssettm $0x7FFFFFFF  }
0xc3: {  	_ =	shalt  }
tec
execute0_lowered:
.L_overlay_start_1:
0x0: {  	(tag) =	ssettag $0x1  }
0x1: {  	s0 =	rddreg [dreg:$0x0]  }
0x2: {  	s2 =	rddreg [dreg:$0x1]  }
0x3: {  	s3 =	simm.s32 $0x0;
	s4 =	srdreg.scid;
	s1 =	stileid.u32  }
0x4: {  	v0 =	vlaneseq.u32;
	s8 =	simm.s32 $0x4;
	s9 =	simm.s32 $0x8000;
	s10 =	simm.s32 $0x400  }
0x5: {  	s11 =	simm.s32 $0x20000;
	s12 =	simm.s32 $0x1;
	s13 =	simm.s32 $0x2;
	v0 =	vmul.u32 $0x80, v0  }
0x6: {  	s14 =	simm.s32 $0x3;
	s15 =	simm.s32 $0x0;
	s4 =	sand.u32 $0x1, s4  }
0x7: {  	[smem:$0x7FF] =	sst s3;
	s5 =	sshll.u32 s1, $0x1;
	s6 =	ssub.s32 $0x2, s4;
	v1 =	vor.u32 $0x800, v0;
	v2 =	vor.u32 $0x1000, v0;
	v3 =	vor.u32 $0x1800, v0  }
0x8: {  	_ =	strace $0x80000047;
	s7 =	sor.u32 s4, s5;
	s31 =	sshrl.u32 s6, $0x1;
	v4 =	vor.u32 $0x2000, v0;
	v5 =	vor.u32 $0x2800, v0;
	v6 =	vor.u32 $0x3000, v0  }
0x9: {  	s4 =	sadd.s32 $0x400, s0;
	s5 =	sshll.u32 s7, $0xE;
	v7 =	vor.u32 $0x3800, v0;
	v8 =	vor.u32 $0x4000, v0;
	v9 =	vor.u32 $0x4800, v0;
	s0 =	ssub.s32 s6, s31  }
0xa: {  	v10 =	vor.u32 $0x5000, v0;
	v11 =	vor.u32 $0x5800, v0;
	v12 =	vadd.s32 $0x5C00, v0;
	s5 =	sadd.s32 s4, s5;
	s6 =	sshll.u32 s7, $0x2;
	s7 =	smax.u32 s0, $0x1  }
.LBB2_1:
0xb: {  	[tilespmem:s3], [sflag:$0x4] =	stream.linear.gather [hbm4b:s5+s3], $0x8000, $0x38;
	[tilespmem:$0x19800] =	vst v63  }
0xc: {  	s16 =	simm.s32 $0xE400;
	s17 =	simm.s32 $0x0;
	s18 =	simm.s32 $0x0  }
.LBB2_3:
0xd: {  	_ =	swait.ge [sflag:s8], $0x8000  }
0xe: {  	[sflag:s8] =	ssyncset.done $0x0  }
0xf: {  	s22 =	simm.s32 $0x3E0;
	s26 =	simm.s32 $0x7;
	[sflag:s8] =	ssyncadd.s32 $0xFFFF8000  }
0x10: {  	s20 =	simm.s32 $0x1;
	v14 =	vor.u32 s26, v0;
	v13 =	vld [tilespmem:s22+$0xFFFFFFA0]  }
0x11: {  	s25 =	simm.s32 $0x2;
	v16 =	vor.u32 s20, v0;
	v15 =	vld [tilespmem:s22+$0xFFFFFCA0]  }
0x12: {  	s19 =	simm.s32 $0x3;
	v18 =	vor.u32 s25, v0;
	v17 =	vld [tilespmem:s22+$0xFFFFFD20]  }
0x13: {  	s0 =	simm.s32 $0x4;
	v20 =	vor.u32 s19, v0;
	v19 =	vld [tilespmem:s22+$0xFFFFFDA0]  }
0x14: {  	s21 =	simm.s32 $0x5;
	v22 =	vor.u32 s0, v0;
	v21 =	vld [tilespmem:s22+$0xFFFFFE20]  }
0x15: {  	s24 =	simm.s32 $0x6;
	v24 =	vor.u32 s21, v0;
	v23 =	vld [tilespmem:s22+$0xFFFFFEA0];
	[tilespmem:v14+s9+$0x0] =	vst.idx.msk $0xffff, v13  }
0x16: {  	s23 =	simm.s32 $0x0;
	[tilespmem:v16+s9+$0x0] =	vst.idx.msk $0xffff, v15;
	v15 =	vld [tilespmem:s22+$0xFFFFFF20];
	v16 =	vor.u32 s24, v0  }
0x17: {  	[tilespmem:v18+s9+$0x0] =	vst.idx.msk $0xffff, v17;
	v17 =	vld [tilespmem:s22+$0xFFFFFC20];
	v18 =	vor.u32 s23, v0  }
0x18: {  	v14 =	vor.u32 s26, v1;
	[tilespmem:v20+s9+$0x0] =	vst.idx.msk $0xffff, v19;
	v13 =	vld [tilespmem:s22+$0xFFFFFFB0]  }
0x19: {  	v20 =	vor.u32 s20, v1;
	[tilespmem:v22+s9+$0x0] =	vst.idx.msk $0xffff, v21;
	v19 =	vld [tilespmem:s22+$0xFFFFFCB0]  }
0x1a: {  	v22 =	vor.u32 s25, v1;
	[tilespmem:v24+s9+$0x0] =	vst.idx.msk $0xffff, v23;
	v21 =	vld [tilespmem:s22+$0xFFFFFD30]  }
0x1b: {  	v49 =	vor.u32 s19, v1;
	v23 =	vld [tilespmem:s22+$0xFFFFFDB0];
	[tilespmem:v16+s9+$0x0] =	vst.idx.msk $0xffff, v15  }
0x1c: {  	[tilespmem:v18+s9+$0x0] =	vst.idx.msk $0xffff, v17;
	v15 =	vld [tilespmem:s22+$0xFFFFFE30];
	v16 =	vor.u32 s0, v1  }
0x1d: {  	v17 =	vld [tilespmem:s22+$0xFFFFFEB0];
	v18 =	vor.u32 s21, v1;
	[tilespmem:v14+s9+$0x0] =	vst.idx.msk $0xffff, v13  }
0x1e: {  	[tilespmem:v20+s9+$0x0] =	vst.idx.msk $0xffff, v19;
	v19 =	vld [tilespmem:s22+$0xFFFFFF30];
	v20 =	vor.u32 s24, v1  }
0x1f: {  	[tilespmem:v22+s9+$0x0] =	vst.idx.msk $0xffff, v21;
	v21 =	vld [tilespmem:s22+$0xFFFFFC30];
	v22 =	vor.u32 s23, v1  }
0x20: {  	v14 =	vor.u32 s26, v2;
	[tilespmem:v49+s9+$0x0] =	vst.idx.msk $0xffff, v23;
	v13 =	vld [tilespmem:s22+$0xFFFFFFC0]  }
0x21: {  	v50 =	vor.u32 s20, v2;
	v23 =	vld [tilespmem:s22+$0xFFFFFCC0];
	[tilespmem:v16+s9+$0x0] =	vst.idx.msk $0xffff, v15  }
0x22: {  	v15 =	vld [tilespmem:s22+$0xFFFFFD40];
	v16 =	vor.u32 s25, v2;
	[tilespmem:v18+s9+$0x0] =	vst.idx.msk $0xffff, v17  }
0x23: {  	v17 =	vld [tilespmem:s22+$0xFFFFFDC0];
	v18 =	vor.u32 s19, v2;
	[tilespmem:v20+s9+$0x0] =	vst.idx.msk $0xffff, v19  }
0x24: {  	[tilespmem:v22+s9+$0x0] =	vst.idx.msk $0xffff, v21;
	v19 =	vld [tilespmem:s22+$0xFFFFFE40];
	v20 =	vor.u32 s0, v2  }
0x25: {  	v21 =	vld [tilespmem:s22+$0xFFFFFEC0];
	v22 =	vor.u32 s21, v2;
	[tilespmem:v14+s9+$0x0] =	vst.idx.msk $0xffff, v13  }
0x26: {  	v14 =	vor.u32 s26, v3;
	[tilespmem:v50+s9+$0x0] =	vst.idx.msk $0xffff, v23;
	v13 =	vld [tilespmem:s22+$0xFFFFFFD0]  }
0x27: {  	v51 =	vor.u32 s24, v2;
	v23 =	vld [tilespmem:s22+$0xFFFFFF40];
	[tilespmem:v16+s9+$0x0] =	vst.idx.msk $0xffff, v15  }
0x28: {  	v15 =	vld [tilespmem:s22+$0xFFFFFC40];
	v16 =	vor.u32 s23, v2;
	[tilespmem:v18+s9+$0x0] =	vst.idx.msk $0xffff, v17  }
0x29: {  	v17 =	vld [tilespmem:s22+$0xFFFFFCD0];
	v18 =	vor.u32 s20, v3;
	[tilespmem:v20+s9+$0x0] =	vst.idx.msk $0xffff, v19  }
0x2a: {  	v19 =	vld [tilespmem:s22+$0xFFFFFD50];
	v20 =	vor.u32 s25, v3;
	[tilespmem:v22+s9+$0x0] =	vst.idx.msk $0xffff, v21  }
0x2b: {  	v21 =	vld [tilespmem:s22+$0xFFFFFDD0];
	v22 =	vor.u32 s19, v3;
	[tilespmem:v14+s9+$0x0] =	vst.idx.msk $0xffff, v13  }
0x2c: {  	[tilespmem:v51+s9+$0x0] =	vst.idx.msk $0xffff, v23;
	v14 =	vor.u32 s26, v4;
	v13 =	vld [tilespmem:s22+$0xFFFFFFE0]  }
0x2d: {  	v52 =	vor.u32 s0, v3;
	v23 =	vld [tilespmem:s22+$0xFFFFFE50];
	[tilespmem:v16+s9+$0x0] =	vst.idx.msk $0xffff, v15  }
0x2e: {  	[tilespmem:v18+s9+$0x0] =	vst.idx.msk $0xffff, v17;
	v15 =	vld [tilespmem:s22+$0xFFFFFED0];
	v16 =	vor.u32 s21, v3  }
0x2f: {  	v17 =	vld [tilespmem:s22+$0xFFFFFF50];
	v18 =	vor.u32 s24, v3;
	[tilespmem:v20+s9+$0x0] =	vst.idx.msk $0xffff, v19  }
0x30: {  	v19 =	vld [tilespmem:s22+$0xFFFFFC50];
	v20 =	vor.u32 s23, v3;
	[tilespmem:v22+s9+$0x0] =	vst.idx.msk $0xffff, v21  }
0x31: {  	v21 =	vld [tilespmem:s22+$0xFFFFFCE0];
	v22 =	vor.u32 s20, v4;
	[tilespmem:v14+s9+$0x0] =	vst.idx.msk $0xffff, v13  }
0x32: {  	[tilespmem:v52+s9+$0x0] =	vst.idx.msk $0xffff, v23;
	v14 =	vor.u32 s26, v5;
	v13 =	vld [tilespmem:s22+$0xFFFFFFF0]  }
0x33: {  	v53 =	vor.u32 s25, v4;
	v23 =	vld [tilespmem:s22+$0xFFFFFD60];
	[tilespmem:v16+s9+$0x0] =	vst.idx.msk $0xffff, v15  }
0x34: {  	v15 =	vld [tilespmem:s22+$0xFFFFFDE0];
	v16 =	vor.u32 s19, v4;
	[tilespmem:v18+s9+$0x0] =	vst.idx.msk $0xffff, v17  }
0x35: {  	v17 =	vld [tilespmem:s22+$0xFFFFFE60];
	v18 =	vor.u32 s0, v4;
	[tilespmem:v20+s9+$0x0] =	vst.idx.msk $0xffff, v19  }
0x36: {  	[tilespmem:v22+s9+$0x0] =	vst.idx.msk $0xffff, v21;
	v19 =	vld [tilespmem:s22+$0xFFFFFEE0];
	v20 =	vor.u32 s21, v4  }
0x37: {  	v21 =	vld [tilespmem:s22+$0xFFFFFF60];
	v22 =	vor.u32 s24, v4;
	[tilespmem:v14+s9+$0x0] =	vst.idx.msk $0xffff, v13  }
0x38: {  	[tilespmem:v53+s9+$0x0] =	vst.idx.msk $0xffff, v23;
	v14 =	vor.u32 s26, v6;
	v13 =	vld [tilespmem:s22+$0x0]  }
0x39: {  	v54 =	vor.u32 s23, v4;
	v23 =	vld [tilespmem:s22+$0xFFFFFC60];
	[tilespmem:v16+s9+$0x0] =	vst.idx.msk $0xffff, v15  }
0x3a: {  	v15 =	vld [tilespmem:s22+$0xFFFFFCF0];
	v16 =	vor.u32 s20, v5;
	[tilespmem:v18+s9+$0x0] =	vst.idx.msk $0xffff, v17  }
0x3b: {  	v17 =	vld [tilespmem:s22+$0xFFFFFD70];
	v18 =	vor.u32 s25, v5;
	[tilespmem:v20+s9+$0x0] =	vst.idx.msk $0xffff, v19  }
0x3c: {  	v19 =	vld [tilespmem:s22+$0xFFFFFDF0];
	v20 =	vor.u32 s19, v5;
	[tilespmem:v22+s9+$0x0] =	vst.idx.msk $0xffff, v21  }
0x3d: {  	v21 =	vld [tilespmem:s22+$0xFFFFFE70];
	v22 =	vor.u32 s0, v5;
	[tilespmem:v14+s9+$0x0] =	vst.idx.msk $0xffff, v13  }
0x3e: {  	[tilespmem:v54+s9+$0x0] =	vst.idx.msk $0xffff, v23;
	v14 =	vor.u32 s26, v7;
	v13 =	vld [tilespmem:s22+$0x10]  }
0x3f: {  	v55 =	vor.u32 s21, v5;
	v23 =	vld [tilespmem:s22+$0xFFFFFEF0];
	[tilespmem:v16+s9+$0x0] =	vst.idx.msk $0xffff, v15  }
0x40: {  	[tilespmem:v18+s9+$0x0] =	vst.idx.msk $0xffff, v17;
	v15 =	vld [tilespmem:s22+$0xFFFFFF70];
	v16 =	vor.u32 s24, v5  }
0x41: {  	v17 =	vld [tilespmem:s22+$0xFFFFFC70];
	v18 =	vor.u32 s23, v5;
	[tilespmem:v20+s9+$0x0] =	vst.idx.msk $0xffff, v19  }
0x42: {  	v19 =	vld [tilespmem:s22+$0xFFFFFD00];
	v20 =	vor.u32 s20, v6;
	[tilespmem:v22+s9+$0x0] =	vst.idx.msk $0xffff, v21  }
0x43: {  	v21 =	vld [tilespmem:s22+$0xFFFFFD80];
	v22 =	vor.u32 s25, v6;
	[tilespmem:v14+s9+$0x0] =	vst.idx.msk $0xffff, v13  }
0x44: {  	[tilespmem:v55+s9+$0x0] =	vst.idx.msk $0xffff, v23;
	v14 =	vor.u32 s26, v8;
	v13 =	vld [tilespmem:s22+$0x3A0]  }
0x45: {  	v56 =	vor.u32 s19, v6;
	v23 =	vld [tilespmem:s22+$0xFFFFFE00];
	[tilespmem:v16+s9+$0x0] =	vst.idx.msk $0xffff, v15  }
0x46: {  	[tilespmem:v18+s9+$0x0] =	vst.idx.msk $0xffff, v17;
	v15 =	vld [tilespmem:s22+$0xFFFFFE80];
	v16 =	vor.u32 s0, v6  }
0x47: {  	v17 =	vld [tilespmem:s22+$0xFFFFFF00];
	v18 =	vor.u32 s21, v6;
	[tilespmem:v20+s9+$0x0] =	vst.idx.msk $0xffff, v19  }
0x48: {  	[tilespmem:v22+s9+$0x0] =	vst.idx.msk $0xffff, v21;
	v19 =	vld [tilespmem:s22+$0xFFFFFF80];
	v20 =	vor.u32 s24, v6  }
0x49: {  	v21 =	vld [tilespmem:s22+$0xFFFFFC80];
	v22 =	vor.u32 s23, v6;
	[tilespmem:v14+s9+$0x0] =	vst.idx.msk $0xffff, v13  }
0x4a: {  	[tilespmem:v56+s9+$0x0] =	vst.idx.msk $0xffff, v23;
	v14 =	vor.u32 s26, v9;
	v13 =	vld [tilespmem:s22+$0x3B0]  }
0x4b: {  	v57 =	vor.u32 s20, v7;
	v23 =	vld [tilespmem:s22+$0xFFFFFD10];
	[tilespmem:v16+s9+$0x0] =	vst.idx.msk $0xffff, v15  }
0x4c: {  	v15 =	vld [tilespmem:s22+$0xFFFFFD90];
	v16 =	vor.u32 s25, v7;
	[tilespmem:v18+s9+$0x0] =	vst.idx.msk $0xffff, v17  }
0x4d: {  	v17 =	vld [tilespmem:s22+$0xFFFFFE10];
	v18 =	vor.u32 s19, v7;
	[tilespmem:v20+s9+$0x0] =	vst.idx.msk $0xffff, v19  }
0x4e: {  	[tilespmem:v22+s9+$0x0] =	vst.idx.msk $0xffff, v21;
	v19 =	vld [tilespmem:s22+$0xFFFFFE90];
	v20 =	vor.u32 s0, v7  }
0x4f: {  	v21 =	vld [tilespmem:s22+$0xFFFFFF10];
	v22 =	vor.u32 s21, v7;
	[tilespmem:v14+s9+$0x0] =	vst.idx.msk $0xffff, v13  }
0x50: {  	[tilespmem:v57+s9+$0x0] =	vst.idx.msk $0xffff, v23;
	v14 =	vor.u32 s26, v10;
	v13 =	vld [tilespmem:s22+$0x3C0]  }
0x51: {  	v58 =	vor.u32 s24, v7;
	v23 =	vld [tilespmem:s22+$0xFFFFFF90];
	[tilespmem:v16+s9+$0x0] =	vst.idx.msk $0xffff, v15  }
0x52: {  	v15 =	vld [tilespmem:s22+$0xFFFFFC90];
	v16 =	vor.u32 s23, v7;
	[tilespmem:v18+s9+$0x0] =	vst.idx.msk $0xffff, v17  }
0x53: {  	v17 =	vld [tilespmem:s22+$0xA0];
	v18 =	vor.u32 s20, v8;
	[tilespmem:v20+s9+$0x0] =	vst.idx.msk $0xffff, v19  }
0x54: {  	v19 =	vld [tilespmem:s22+$0x120];
	v20 =	vor.u32 s25, v8;
	[tilespmem:v22+s9+$0x0] =	vst.idx.msk $0xffff, v21  }
0x55: {  	v21 =	vld [tilespmem:s22+$0x1A0];
	v22 =	vor.u32 s19, v8;
	[tilespmem:v14+s9+$0x0] =	vst.idx.msk $0xffff, v13  }
0x56: {  	[tilespmem:v58+s9+$0x0] =	vst.idx.msk $0xffff, v23;
	v14 =	vor.u32 s26, v11;
	v13 =	vld [tilespmem:s22+$0x3D0]  }
0x57: {  	v59 =	vor.u32 s0, v8;
	v23 =	vld [tilespmem:s22+$0x220];
	[tilespmem:v16+s9+$0x0] =	vst.idx.msk $0xffff, v15  }
0x58: {  	[tilespmem:v18+s9+$0x0] =	vst.idx.msk $0xffff, v17;
	v15 =	vld [tilespmem:s22+$0x2A0];
	v16 =	vor.u32 s21, v8  }
0x59: {  	v17 =	vld [tilespmem:s22+$0x320];
	v18 =	vor.u32 s24, v8;
	[tilespmem:v20+s9+$0x0] =	vst.idx.msk $0xffff, v19  }
0x5a: {  	v19 =	vld [tilespmem:s22+$0x20];
	v20 =	vor.u32 s23, v8;
	[tilespmem:v22+s9+$0x0] =	vst.idx.msk $0xffff, v21  }
0x5b: {  	v21 =	vld [tilespmem:s22+$0xB0];
	v22 =	vor.u32 s20, v9;
	[tilespmem:v14+s9+$0x0] =	vst.idx.msk $0xffff, v13  }
0x5c: {  	[tilespmem:v59+s9+$0x0] =	vst.idx.msk $0xffff, v23;
	v14 =	vor.u32 s26, v12;
	v13 =	vld [tilespmem:s22+$0x3D8]  }
0x5d: {  	v60 =	vor.u32 s25, v9;
	v23 =	vld [tilespmem:s22+$0x130];
	[tilespmem:v16+s9+$0x0] =	vst.idx.msk $0xffff, v15  }
0x5e: {  	v15 =	vld [tilespmem:s22+$0x230];
	v16 =	vor.u32 s0, v9;
	[tilespmem:v18+s9+$0x0] =	vst.idx.msk $0xffff, v17  }
0x5f: {  	v18 =	vor.u32 s21, v9;
	[tilespmem:v20+s9+$0x0] =	vst.idx.msk $0xffff, v19;
	v17 =	vld [tilespmem:s22+$0x2B0]  }
0x60: {  	[tilespmem:v22+s9+$0x0] =	vst.idx.msk $0xffff, v21;
	v19 =	vld [tilespmem:s22+$0x330];
	v20 =	vor.u32 s24, v9  }
0x61: {  	[tilespmem:v14+s9+$0x0] =	vst.idx.msk $0xffff, v13;
	v13 =	vld [tilespmem:s22+$0x1B0];
	v14 =	vor.u32 s19, v9  }
0x62: {  	v22 =	vor.u32 s23, v9;
	v21 =	vld [tilespmem:s22+$0x30];
	[tilespmem:v60+s9+$0x0] =	vst.idx.msk $0xffff, v23  }
0x63: {  	v61 =	vor.u32 s20, v10;
	v23 =	vld [tilespmem:s22+$0xC0];
	[tilespmem:v16+s9+$0x0] =	vst.idx.msk $0xffff, v15  }
0x64: {  	[tilespmem:v18+s9+$0x0] =	vst.idx.msk $0xffff, v17;
	v17 =	vld [tilespmem:s22+$0x240];
	v18 =	vor.u32 s0, v10  }
0x65: {  	[tilespmem:v20+s9+$0x0] =	vst.idx.msk $0xffff, v19;
	v20 =	vor.u32 s21, v10;
	v19 =	vld [tilespmem:s22+$0x2C0]  }
0x66: {  	[tilespmem:v14+s9+$0x0] =	vst.idx.msk $0xffff, v13;
	v13 =	vld [tilespmem:s22+$0x140];
	v14 =	vor.u32 s25, v10  }
0x67: {  	v16 =	vor.u32 s19, v10;
	[tilespmem:v22+s9+$0x0] =	vst.idx.msk $0xffff, v21;
	v15 =	vld [tilespmem:s22+$0x1C0]  }
0x68: {  	[tilespmem:v61+s9+$0x0] =	vst.idx.msk $0xffff, v23;
	v21 =	vld [tilespmem:s22+$0x340];
	v22 =	vor.u32 s24, v10  }
0x69: {  	v62 =	vor.u32 s23, v10;
	v23 =	vld [tilespmem:s22+$0x40];
	[tilespmem:v18+s9+$0x0] =	vst.idx.msk $0xffff, v17  }
0x6a: {  	[tilespmem:v20+s9+$0x0] =	vst.idx.msk $0xffff, v19;
	v19 =	vld [tilespmem:s22+$0x250];
	v20 =	vor.u32 s0, v11  }
0x6b: {  	[tilespmem:v14+s9+$0x0] =	vst.idx.msk $0xffff, v13;
	v13 =	vld [tilespmem:s22+$0xD0];
	v14 =	vor.u32 s20, v11  }
0x6c: {  	[tilespmem:v16+s9+$0x0] =	vst.idx.msk $0xffff, v15;
	v15 =	vld [tilespmem:s22+$0x150];
	v16 =	vor.u32 s25, v11  }
0x6d: {  	v18 =	vor.u32 s19, v11;
	[tilespmem:v22+s9+$0x0] =	vst.idx.msk $0xffff, v21;
	v17 =	vld [tilespmem:s22+$0x1D0]  }
0x6e: {  	v22 =	vor.u32 s21, v11;
	[tilespmem:v62+s9+$0x0] =	vst.idx.msk $0xffff, v23;
	v21 =	vld [tilespmem:s22+$0x2D0]  }
0x6f: {  	v63 =	vor.u32 s23, v11;
	v23 =	vld [tilespmem:s22+$0x50];
	[tilespmem:v20+s9+$0x0] =	vst.idx.msk $0xffff, v19  }
0x70: {  	[tilespmem:v14+s9+$0x0] =	vst.idx.msk $0xffff, v13;
	v13 =	vld [tilespmem:s22+$0x350];
	v14 =	vor.u32 s24, v11  }
0x71: {  	v25 =	vor.u32 s20, v12;
	[tilespmem:v16+s9+$0x0] =	vst.idx.msk $0xffff, v15;
	v16 =	vld [tilespmem:s22+$0xD8]  }
0x72: {  	v27 =	vor.u32 s25, v12;
	[tilespmem:v18+s9+$0x0] =	vst.idx.msk $0xffff, v17;
	v26 =	vld [tilespmem:s22+$0x158]  }
0x73: {  	[tilespmem:v22+s9+$0x0] =	vst.idx.msk $0xffff, v21;
	v22 =	vor.u32 s19, v12;
	v20 =	vld [tilespmem:s22+$0x1D8]  }
0x74: {  	v21 =	vor.u32 s0, v12;
	[tilespmem:v63+s9+$0x0] =	vst.idx.msk $0xffff, v23;
	v15 =	vld [tilespmem:s22+$0x258]  }
0x75: {  	v19 =	vor.u32 s21, v12;
	[tilespmem:v14+s9+$0x0] =	vst.idx.msk $0xffff, v13;
	v13 =	vld [tilespmem:s22+$0x2D8]  }
0x76: {  	s21 =	simm.s32 $0x10;
	s19 =	smov.u32 s18;
	v17 =	vor.u32 s24, v12;
	[tilespmem:v25+s9+$0x0] =	vst.idx.msk $0xffff, v16;
	v14 =	vld [tilespmem:s22+$0x358]  }
0x77: {  	s0 =	simm.s32 $0xF;
	s18 =	simm.s32 $0xBE0;
	s20 =	simm.s32 $0x8;
	v18 =	vor.u32 s23, v12;
	v16 =	vld [tilespmem:s22+$0x58];
	[tilespmem:v27+s9+$0x0] =	vst.idx.msk $0xffff, v26  }
.LBB2_4:
0x78: {  	p0 =	slt.u32 s21, $0x78;
	s23 =	sadd.s32 $0x1, s20;
	v23 =	vld [tilespmem:s18+$0xFFFFFFA0];
	v24 =	vor.u32 s0, v0;
	[tilespmem:v22+s9+$0x0] =	vst.idx.msk $0xffff, v20;
	s22 =	smov.u32 s20  }
0x79: {  	s20 =	smov.u32 s21;
	v20 =	vld [tilespmem:s18+$0xFFFFFCA0];
	v22 =	vor.u32 s23, v0;
	s24 =	sadd.s32 $0x2, s22;
	[tilespmem:v21+s9+$0x0] =	vst.idx.msk $0xffff, v15  }
0x7a: {  	s25 =	sadd.s32 $0x3, s22;
	v15 =	vld [tilespmem:s18+$0xFFFFFD20];
	v21 =	vor.u32 s24, v0;
	[tilespmem:v19+s9+$0x0] =	vst.idx.msk $0xffff, v13  }
0x7b: {  	s26 =	sadd.s32 $0x4, s22;
	v19 =	vor.u32 s25, v0;
	v13 =	vld [tilespmem:s18+$0xFFFFFDA0];
	[tilespmem:v17+s9+$0x0] =	vst.idx.msk $0xffff, v14  }
0x7c: {  	s28 =	sadd.s32 $0x5, s22;
	v17 =	vor.u32 s26, v0;
	v14 =	vld [tilespmem:s18+$0xFFFFFE20];
	[tilespmem:v18+s9+$0x0] =	vst.idx.msk $0xffff, v16  }
0x7d: {  	v18 =	vor.u32 s28, v0;
	v16 =	vld [tilespmem:s18+$0xFFFFFEA0];
	[tilespmem:v24+s9+$0x0] =	vst.idx.msk $0xffff, v23  }
0x7e: {  	s29 =	sadd.s32 $0x6, s22;
	[tilespmem:v22+s9+$0x0] =	vst.idx.msk $0xffff, v20;
	v20 =	vld [tilespmem:s18+$0xFFFFFFB0];
	v22 =	vor.u32 s0, v1  }
0x7f: {  	[tilespmem:v21+s9+$0x0] =	vst.idx.msk $0xffff, v15;
	v15 =	vld [tilespmem:s18+$0xFFFFFF20];
	v21 =	vor.u32 s29, v0  }
0x80: {  	v24 =	vor.u32 s22, v0;
	v23 =	vld [tilespmem:s18+$0xFFFFFC20];
	[tilespmem:v19+s9+$0x0] =	vst.idx.msk $0xffff, v13  }
0x81: {  	v19 =	vor.u32 s23, v1;
	v13 =	vld [tilespmem:s18+$0xFFFFFCB0];
	[tilespmem:v17+s9+$0x0] =	vst.idx.msk $0xffff, v14  }
0x82: {  	v17 =	vor.u32 s24, v1;
	v14 =	vld [tilespmem:s18+$0xFFFFFD30];
	[tilespmem:v18+s9+$0x0] =	vst.idx.msk $0xffff, v16  }
0x83: {  	v18 =	vor.u32 s25, v1;
	v16 =	vld [tilespmem:s18+$0xFFFFFDB0];
	[tilespmem:v22+s9+$0x0] =	vst.idx.msk $0xffff, v20  }
0x84: {  	v20 =	vor.u32 s0, v2;
	[tilespmem:v21+s9+$0x0] =	vst.idx.msk $0xffff, v15;
	v15 =	vld [tilespmem:s18+$0xFFFFFFC0]  }
0x85: {  	v22 =	vor.u32 s26, v1;
	[tilespmem:v24+s9+$0x0] =	vst.idx.msk $0xffff, v23;
	v21 =	vld [tilespmem:s18+$0xFFFFFE30]  }
0x86: {  	[tilespmem:v19+s9+$0x0] =	vst.idx.msk $0xffff, v13;
	v13 =	vld [tilespmem:s18+$0xFFFFFEB0];
	v19 =	vor.u32 s28, v1  }
0x87: {  	[tilespmem:v17+s9+$0x0] =	vst.idx.msk $0xffff, v14;
	v14 =	vld [tilespmem:s18+$0xFFFFFF30];
	v17 =	vor.u32 s29, v1  }
0x88: {  	v24 =	vor.u32 s22, v1;
	v23 =	vld [tilespmem:s18+$0xFFFFFC30];
	[tilespmem:v18+s9+$0x0] =	vst.idx.msk $0xffff, v16  }
0x89: {  	v18 =	vor.u32 s23, v2;
	v16 =	vld [tilespmem:s18+$0xFFFFFCC0];
	[tilespmem:v20+s9+$0x0] =	vst.idx.msk $0xffff, v15  }
0x8a: {  	v20 =	vor.u32 s0, v3;
	[tilespmem:v22+s9+$0x0] =	vst.idx.msk $0xffff, v21;
	v15 =	vld [tilespmem:s18+$0xFFFFFFD0]  }
0x8b: {  	v22 =	vor.u32 s24, v2;
	v21 =	vld [tilespmem:s18+$0xFFFFFD40];
	[tilespmem:v19+s9+$0x0] =	vst.idx.msk $0xffff, v13  }
0x8c: {  	v19 =	vor.u32 s25, v2;
	v13 =	vld [tilespmem:s18+$0xFFFFFDC0];
	[tilespmem:v17+s9+$0x0] =	vst.idx.msk $0xffff, v14  }
0x8d: {  	v17 =	vor.u32 s26, v2;
	[tilespmem:v24+s9+$0x0] =	vst.idx.msk $0xffff, v23;
	v14 =	vld [tilespmem:s18+$0xFFFFFE40]  }
0x8e: {  	[tilespmem:v18+s9+$0x0] =	vst.idx.msk $0xffff, v16;
	v16 =	vld [tilespmem:s18+$0xFFFFFEC0];
	v18 =	vor.u32 s28, v2  }
0x8f: {  	v24 =	vor.u32 s29, v2;
	v23 =	vld [tilespmem:s18+$0xFFFFFF40];
	[tilespmem:v20+s9+$0x0] =	vst.idx.msk $0xffff, v15  }
0x90: {  	v20 =	vor.u32 s0, v4;
	[tilespmem:v22+s9+$0x0] =	vst.idx.msk $0xffff, v21;
	v15 =	vld [tilespmem:s18+$0xFFFFFFE0]  }
0x91: {  	v22 =	vor.u32 s22, v2;
	v21 =	vld [tilespmem:s18+$0xFFFFFC40];
	[tilespmem:v19+s9+$0x0] =	vst.idx.msk $0xffff, v13  }
0x92: {  	v19 =	vor.u32 s23, v3;
	v13 =	vld [tilespmem:s18+$0xFFFFFCD0];
	[tilespmem:v17+s9+$0x0] =	vst.idx.msk $0xffff, v14  }
0x93: {  	v17 =	vor.u32 s24, v3;
	v14 =	vld [tilespmem:s18+$0xFFFFFD50];
	[tilespmem:v18+s9+$0x0] =	vst.idx.msk $0xffff, v16  }
0x94: {  	v18 =	vor.u32 s25, v3;
	v16 =	vld [tilespmem:s18+$0xFFFFFDD0];
	[tilespmem:v24+s9+$0x0] =	vst.idx.msk $0xffff, v23  }
0x95: {  	v24 =	vor.u32 s26, v3;
	v23 =	vld [tilespmem:s18+$0xFFFFFE50];
	[tilespmem:v20+s9+$0x0] =	vst.idx.msk $0xffff, v15  }
0x96: {  	v20 =	vor.u32 s0, v5;
	[tilespmem:v22+s9+$0x0] =	vst.idx.msk $0xffff, v21;
	v15 =	vld [tilespmem:s18+$0xFFFFFFF0]  }
0x97: {  	[tilespmem:v19+s9+$0x0] =	vst.idx.msk $0xffff, v13;
	v13 =	vld [tilespmem:s18+$0xFFFFFED0];
	v19 =	vor.u32 s28, v3  }
0x98: {  	[tilespmem:v17+s9+$0x0] =	vst.idx.msk $0xffff, v14;
	v14 =	vld [tilespmem:s18+$0xFFFFFF50];
	v17 =	vor.u32 s29, v3  }
0x99: {  	v22 =	vor.u32 s22, v3;
	v21 =	vld [tilespmem:s18+$0xFFFFFC50];
	[tilespmem:v18+s9+$0x0] =	vst.idx.msk $0xffff, v16  }
0x9a: {  	v18 =	vor.u32 s23, v4;
	v16 =	vld [tilespmem:s18+$0xFFFFFCE0];
	[tilespmem:v24+s9+$0x0] =	vst.idx.msk $0xffff, v23  }
0x9b: {  	v24 =	vor.u32 s24, v4;
	v23 =	vld [tilespmem:s18+$0xFFFFFD60];
	[tilespmem:v20+s9+$0x0] =	vst.idx.msk $0xffff, v15  }
0x9c: {  	v15 =	vor.u32 s0, v6;
	[tilespmem:v19+s9+$0x0] =	vst.idx.msk $0xffff, v13;
	v13 =	vld [tilespmem:s18+$0x0]  }
0x9d: {  	v20 =	vor.u32 s25, v4;
	v19 =	vld [tilespmem:s18+$0xFFFFFDE0];
	[tilespmem:v17+s9+$0x0] =	vst.idx.msk $0xffff, v14  }
0x9e: {  	v17 =	vor.u32 s26, v4;
	[tilespmem:v22+s9+$0x0] =	vst.idx.msk $0xffff, v21;
	v14 =	vld [tilespmem:s18+$0xFFFFFE60]  }
0x9f: {  	[tilespmem:v18+s9+$0x0] =	vst.idx.msk $0xffff, v16;
	v16 =	vld [tilespmem:s18+$0xFFFFFEE0];
	v18 =	vor.u32 s28, v4  }
0xa0: {  	v22 =	vor.u32 s29, v4;
	[tilespmem:v24+s9+$0x0] =	vst.idx.msk $0xffff, v23;
	v21 =	vld [tilespmem:s18+$0xFFFFFF60]  }
0xa1: {  	v24 =	vor.u32 s22, v4;
	v23 =	vld [tilespmem:s18+$0xFFFFFC60];
	[tilespmem:v15+s9+$0x0] =	vst.idx.msk $0xffff, v13  }
0xa2: {  	v15 =	vor.u32 s0, v7;
	[tilespmem:v20+s9+$0x0] =	vst.idx.msk $0xffff, v19;
	v13 =	vld [tilespmem:s18+$0x10]  }
0xa3: {  	v20 =	vor.u32 s23, v5;
	v19 =	vld [tilespmem:s18+$0xFFFFFCF0];
	[tilespmem:v17+s9+$0x0] =	vst.idx.msk $0xffff, v14  }
0xa4: {  	v17 =	vor.u32 s24, v5;
	v14 =	vld [tilespmem:s18+$0xFFFFFD70];
	[tilespmem:v18+s9+$0x0] =	vst.idx.msk $0xffff, v16  }
0xa5: {  	v18 =	vor.u32 s25, v5;
	v16 =	vld [tilespmem:s18+$0xFFFFFDF0];
	[tilespmem:v22+s9+$0x0] =	vst.idx.msk $0xffff, v21  }
0xa6: {  	v22 =	vor.u32 s26, v5;
	[tilespmem:v24+s9+$0x0] =	vst.idx.msk $0xffff, v23;
	v21 =	vld [tilespmem:s18+$0xFFFFFE70]  }
0xa7: {  	v24 =	vor.u32 s28, v5;
	v23 =	vld [tilespmem:s18+$0xFFFFFEF0];
	[tilespmem:v15+s9+$0x0] =	vst.idx.msk $0xffff, v13  }
0xa8: {  	v15 =	vor.u32 s0, v8;
	[tilespmem:v20+s9+$0x0] =	vst.idx.msk $0xffff, v19;
	v13 =	vld [tilespmem:s18+$0x3A0]  }
0xa9: {  	[tilespmem:v17+s9+$0x0] =	vst.idx.msk $0xffff, v14;
	v14 =	vld [tilespmem:s18+$0xFFFFFF70];
	v17 =	vor.u32 s29, v5  }
0xaa: {  	v20 =	vor.u32 s22, v5;
	v19 =	vld [tilespmem:s18+$0xFFFFFC70];
	[tilespmem:v18+s9+$0x0] =	vst.idx.msk $0xffff, v16  }
0xab: {  	v18 =	vor.u32 s23, v6;
	v16 =	vld [tilespmem:s18+$0xFFFFFD00];
	[tilespmem:v22+s9+$0x0] =	vst.idx.msk $0xffff, v21  }
0xac: {  	v22 =	vor.u32 s24, v6;
	v21 =	vld [tilespmem:s18+$0xFFFFFD80];
	[tilespmem:v24+s9+$0x0] =	vst.idx.msk $0xffff, v23  }
0xad: {  	v24 =	vor.u32 s25, v6;
	v23 =	vld [tilespmem:s18+$0xFFFFFE00];
	[tilespmem:v15+s9+$0x0] =	vst.idx.msk $0xffff, v13  }
0xae: {  	[tilespmem:v17+s9+$0x0] =	vst.idx.msk $0xffff, v14;
	v13 =	vld [tilespmem:s18+$0x3B0];
	v14 =	vor.u32 s0, v9  }
0xaf: {  	v17 =	vor.u32 s26, v6;
	[tilespmem:v20+s9+$0x0] =	vst.idx.msk $0xffff, v19;
	v15 =	vld [tilespmem:s18+$0xFFFFFE80]  }
0xb0: {  	[tilespmem:v18+s9+$0x0] =	vst.idx.msk $0xffff, v16;
	v16 =	vld [tilespmem:s18+$0xFFFFFF00];
	v18 =	vor.u32 s28, v6  }
0xb1: {  	v20 =	vor.u32 s29, v6;
	[tilespmem:v22+s9+$0x0] =	vst.idx.msk $0xffff, v21;
	v19 =	vld [tilespmem:s18+$0xFFFFFF80]  }
0xb2: {  	v22 =	vor.u32 s22, v6;
	v21 =	vld [tilespmem:s18+$0xFFFFFC80];
	[tilespmem:v24+s9+$0x0] =	vst.idx.msk $0xffff, v23  }
0xb3: {  	v24 =	vor.u32 s23, v7;
	v23 =	vld [tilespmem:s18+$0xFFFFFD10];
	[tilespmem:v14+s9+$0x0] =	vst.idx.msk $0xffff, v13  }
0xb4: {  	v14 =	vor.u32 s0, v10;
	[tilespmem:v17+s9+$0x0] =	vst.idx.msk $0xffff, v15;
	v13 =	vld [tilespmem:s18+$0x3C0]  }
0xb5: {  	v17 =	vor.u32 s24, v7;
	v15 =	vld [tilespmem:s18+$0xFFFFFD90];
	[tilespmem:v18+s9+$0x0] =	vst.idx.msk $0xffff, v16  }
0xb6: {  	v18 =	vor.u32 s25, v7;
	v16 =	vld [tilespmem:s18+$0xFFFFFE10];
	[tilespmem:v20+s9+$0x0] =	vst.idx.msk $0xffff, v19  }
0xb7: {  	v20 =	vor.u32 s26, v7;
	[tilespmem:v22+s9+$0x0] =	vst.idx.msk $0xffff, v21;
	v19 =	vld [tilespmem:s18+$0xFFFFFE90]  }
0xb8: {  	v22 =	vor.u32 s28, v7;
	[tilespmem:v24+s9+$0x0] =	vst.idx.msk $0xffff, v23;
	v21 =	vld [tilespmem:s18+$0xFFFFFF10]  }
0xb9: {  	v24 =	vor.u32 s29, v7;
	v23 =	vld [tilespmem:s18+$0xFFFFFF90];
	[tilespmem:v14+s9+$0x0] =	vst.idx.msk $0xffff, v13  }
0xba: {  	v14 =	vor.u32 s0, v11;
	[tilespmem:v17+s9+$0x0] =	vst.idx.msk $0xffff, v15;
	v13 =	vld [tilespmem:s18+$0x3D0]  }
0xbb: {  	v17 =	vor.u32 s22, v7;
	v15 =	vld [tilespmem:s18+$0xFFFFFC90];
	[tilespmem:v18+s9+$0x0] =	vst.idx.msk $0xffff, v16  }
0xbc: {  	v18 =	vor.u32 s23, v8;
	v16 =	vld [tilespmem:s18+$0xA0];
	[tilespmem:v20+s9+$0x0] =	vst.idx.msk $0xffff, v19  }
0xbd: {  	v20 =	vor.u32 s24, v8;
	v19 =	vld [tilespmem:s18+$0x120];
	[tilespmem:v22+s9+$0x0] =	vst.idx.msk $0xffff, v21  }
0xbe: {  	v22 =	vor.u32 s25, v8;
	v21 =	vld [tilespmem:s18+$0x1A0];
	[tilespmem:v24+s9+$0x0] =	vst.idx.msk $0xffff, v23  }
0xbf: {  	v24 =	vor.u32 s26, v8;
	v23 =	vld [tilespmem:s18+$0x220];
	[tilespmem:v14+s9+$0x0] =	vst.idx.msk $0xffff, v13  }
0xc0: {  	v14 =	vor.u32 s0, v12;
	[tilespmem:v17+s9+$0x0] =	vst.idx.msk $0xffff, v15;
	v13 =	vld [tilespmem:s18+$0x3D8]  }
0xc1: {  	[tilespmem:v18+s9+$0x0] =	vst.idx.msk $0xffff, v16;
	v15 =	vld [tilespmem:s18+$0x2A0];
	v16 =	vor.u32 s28, v8  }
0xc2: {  	v18 =	vor.u32 s29, v8;
	[tilespmem:v20+s9+$0x0] =	vst.idx.msk $0xffff, v19;
	v17 =	vld [tilespmem:s18+$0x320]  }
0xc3: {  	v20 =	vor.u32 s22, v8;
	v19 =	vld [tilespmem:s18+$0x20];
	[tilespmem:v22+s9+$0x0] =	vst.idx.msk $0xffff, v21  }
0xc4: {  	v22 =	vor.u32 s23, v9;
	v21 =	vld [tilespmem:s18+$0xB0];
	[tilespmem:v24+s9+$0x0] =	vst.idx.msk $0xffff, v23  }
0xc5: {  	v24 =	vor.u32 s24, v9;
	v23 =	vld [tilespmem:s18+$0x130];
	[tilespmem:v14+s9+$0x0] =	vst.idx.msk $0xffff, v13  }
0xc6: {  	v14 =	vor.u32 s25, v9;
	v13 =	vld [tilespmem:s18+$0x1B0];
	[tilespmem:v16+s9+$0x0] =	vst.idx.msk $0xffff, v15  }
0xc7: {  	v16 =	vor.u32 s26, v9;
	v15 =	vld [tilespmem:s18+$0x230];
	[tilespmem:v18+s9+$0x0] =	vst.idx.msk $0xffff, v17  }
0xc8: {  	v18 =	vor.u32 s28, v9;
	[tilespmem:v20+s9+$0x0] =	vst.idx.msk $0xffff, v19;
	v17 =	vld [tilespmem:s18+$0x2B0]  }
0xc9: {  	v20 =	vor.u32 s29, v9;
	[tilespmem:v22+s9+$0x0] =	vst.idx.msk $0xffff, v21;
	v19 =	vld [tilespmem:s18+$0x330]  }
0xca: {  	v22 =	vor.u32 s22, v9;
	v21 =	vld [tilespmem:s18+$0x30];
	[tilespmem:v24+s9+$0x0] =	vst.idx.msk $0xffff, v23  }
0xcb: {  	v24 =	vor.u32 s23, v10;
	v23 =	vld [tilespmem:s18+$0xC0];
	[tilespmem:v14+s9+$0x0] =	vst.idx.msk $0xffff, v13  }
0xcc: {  	v14 =	vor.u32 s24, v10;
	v13 =	vld [tilespmem:s18+$0x140];
	[tilespmem:v16+s9+$0x0] =	vst.idx.msk $0xffff, v15  }
0xcd: {  	v16 =	vor.u32 s25, v10;
	v15 =	vld [tilespmem:s18+$0x1C0];
	[tilespmem:v18+s9+$0x0] =	vst.idx.msk $0xffff, v17  }
0xce: {  	v18 =	vor.u32 s26, v10;
	v17 =	vld [tilespmem:s18+$0x240];
	[tilespmem:v20+s9+$0x0] =	vst.idx.msk $0xffff, v19  }
0xcf: {  	v20 =	vor.u32 s28, v10;
	[tilespmem:v22+s9+$0x0] =	vst.idx.msk $0xffff, v21;
	v19 =	vld [tilespmem:s18+$0x2C0]  }
0xd0: {  	v22 =	vor.u32 s29, v10;
	[tilespmem:v24+s9+$0x0] =	vst.idx.msk $0xffff, v23;
	v21 =	vld [tilespmem:s18+$0x340]  }
0xd1: {  	v24 =	vor.u32 s22, v10;
	v23 =	vld [tilespmem:s18+$0x40];
	[tilespmem:v14+s9+$0x0] =	vst.idx.msk $0xffff, v13  }
0xd2: {  	v14 =	vor.u32 s23, v11;
	v13 =	vld [tilespmem:s18+$0xD0];
	[tilespmem:v16+s9+$0x0] =	vst.idx.msk $0xffff, v15  }
0xd3: {  	v16 =	vor.u32 s24, v11;
	v15 =	vld [tilespmem:s18+$0x150];
	[tilespmem:v18+s9+$0x0] =	vst.idx.msk $0xffff, v17  }
0xd4: {  	v18 =	vor.u32 s25, v11;
	v17 =	vld [tilespmem:s18+$0x1D0];
	[tilespmem:v20+s9+$0x0] =	vst.idx.msk $0xffff, v19  }
0xd5: {  	v20 =	vor.u32 s26, v11;
	v19 =	vld [tilespmem:s18+$0x250];
	[tilespmem:v22+s9+$0x0] =	vst.idx.msk $0xffff, v21  }
0xd6: {  	[tilespmem:v24+s9+$0x0] =	vst.idx.msk $0xffff, v23;
	v21 =	vld [tilespmem:s18+$0x2D0];
	v23 =	vor.u32 s28, v11  }
0xd7: {  	[tilespmem:v14+s9+$0x0] =	vst.idx.msk $0xffff, v13;
	v13 =	vld [tilespmem:s18+$0x350];
	v14 =	vor.u32 s29, v11  }
0xd8: {  	v25 =	vor.u32 s22, v11;
	v24 =	vld [tilespmem:s18+$0x50];
	[tilespmem:v16+s9+$0x0] =	vst.idx.msk $0xffff, v15  }
0xd9: {  	v26 =	vor.u32 s23, v12;
	v16 =	vld [tilespmem:s18+$0xD8];
	[tilespmem:v18+s9+$0x0] =	vst.idx.msk $0xffff, v17  }
0xda: {  	v28 =	vor.u32 s24, v12;
	v27 =	vld [tilespmem:s18+$0x158];
	[tilespmem:v20+s9+$0x0] =	vst.idx.msk $0xffff, v19  }
.Ltmp0:
0xdb: {  	v22 =	vor.u32 s25, v12;
	v20 =	vld [tilespmem:s18+$0x1D8];
	[tilespmem:v23+s9+$0x0] =	vst.idx.msk $0xffff, v21;
	(pc) =	sbr.rel @p0 .LBB2_4-.Ltmp0, $4  }
0xdc: {  	v21 =	vor.u32 s26, v12;
	v15 =	vld [tilespmem:s18+$0x258];
	[tilespmem:v14+s9+$0x0] =	vst.idx.msk $0xffff, v13  }
0xdd: {  	v19 =	vor.u32 s28, v12;
	[tilespmem:v25+s9+$0x0] =	vst.idx.msk $0xffff, v24;
	v13 =	vld [tilespmem:s18+$0x2D8]  }
0xde: {  	v17 =	vor.u32 s29, v12;
	[tilespmem:v26+s9+$0x0] =	vst.idx.msk $0xffff, v16;
	v14 =	vld [tilespmem:s18+$0x358]  }
0xdf: {  	s21 =	sadd.s32 $0x8, s21;
	s0 =	sadd.s32 $0x7, s20;
	v18 =	vor.u32 s22, v12;
	v16 =	vld [tilespmem:s18+$0x58];
	[tilespmem:v28+s9+$0x0] =	vst.idx.msk $0xffff, v27;
	s18 =	sadd.s32 $0x800, s18  }
0xe0: {  	_ =	sdelay $0x3  }
0xe1: {  	v23 =	vld [tilespmem:s18+$0xFFFFFFA0];
	v24 =	vor.u32 s0, v0;
	[tilespmem:v22+s9+$0x0] =	vst.idx.msk $0xffff, v20  }
0xe2: {  	s21 =	sadd.s32 $0x1, s20;
	v34 =	vld [tilespmem:s18+$0xFFFFFC20];
	v35 =	vor.u32 s20, v0;
	[tilespmem:v21+s9+$0x0] =	vst.idx.msk $0xffff, v15  }
0xe3: {  	v60 =	vld [tilespmem:s18+$0xFFFFFCA0];
	s22 =	sadd.s32 $0x2, s20;
	v61 =	vor.u32 s21, v0;
	[tilespmem:v19+s9+$0x0] =	vst.idx.msk $0xffff, v13  }
0xe4: {  	s25 =	sadd.s32 $0x5, s20;
	v15 =	vld [tilespmem:s18+$0xFFFFFD20];
	v62 =	vor.u32 s22, v0;
	[tilespmem:v17+s9+$0x0] =	vst.idx.msk $0xffff, v14  }
0xe5: {  	s23 =	sadd.s32 $0x3, s20;
	v29 =	vld [tilespmem:s18+$0xFFFFFEA0];
	v30 =	vor.u32 s25, v0;
	[tilespmem:v18+s9+$0x0] =	vst.idx.msk $0xffff, v16  }
0xe6: {  	s24 =	sadd.s32 $0x4, s20;
	v63 =	vor.u32 s23, v0;
	v13 =	vld [tilespmem:s18+$0xFFFFFDA0];
	[tilespmem:v24+s9+$0x0] =	vst.idx.msk $0xffff, v23  }
0xe7: {  	v28 =	vor.u32 s24, v0;
	v14 =	vld [tilespmem:s18+$0xFFFFFE20];
	[tilespmem:v35+s9+$0x0] =	vst.idx.msk $0xffff, v34  }
0xe8: {  	s26 =	sadd.s32 $0x6, s20;
	v32 =	vor.u32 s0, v1;
	[tilespmem:v61+s9+$0x0] =	vst.idx.msk $0xffff, v60;
	v31 =	vld [tilespmem:s18+$0xFFFFFFB0]  }
0xe9: {  	v33 =	vor.u32 s26, v0;
	[tilespmem:v62+s9+$0x0] =	vst.idx.msk $0xffff, v15;
	v15 =	vld [tilespmem:s18+$0xFFFFFF20]  }
0xea: {  	v45 =	vor.u32 s20, v1;
	[tilespmem:v30+s9+$0x0] =	vst.idx.msk $0xffff, v29;
	v23 =	vld [tilespmem:s18+$0xFFFFFC30]  }
0xeb: {  	v36 =	vor.u32 s21, v1;
	[tilespmem:v63+s9+$0x0] =	vst.idx.msk $0xffff, v13;
	v13 =	vld [tilespmem:s18+$0xFFFFFCB0]  }
0xec: {  	v37 =	vor.u32 s22, v1;
	[tilespmem:v28+s9+$0x0] =	vst.idx.msk $0xffff, v14;
	v14 =	vld [tilespmem:s18+$0xFFFFFD30]  }
0xed: {  	v39 =	vor.u32 s23, v1;
	v38 =	vld [tilespmem:s18+$0xFFFFFDB0];
	[tilespmem:v32+s9+$0x0] =	vst.idx.msk $0xffff, v31  }
0xee: {  	v42 =	vor.u32 s24, v1;
	v41 =	vld [tilespmem:s18+$0xFFFFFE30];
	[tilespmem:v33+s9+$0x0] =	vst.idx.msk $0xffff, v15  }
0xef: {  	v40 =	vor.u32 s0, v2;
	[tilespmem:v45+s9+$0x0] =	vst.idx.msk $0xffff, v23;
	v15 =	vld [tilespmem:s18+$0xFFFFFFC0]  }
0xf0: {  	v43 =	vor.u32 s25, v1;
	[tilespmem:v36+s9+$0x0] =	vst.idx.msk $0xffff, v13;
	v13 =	vld [tilespmem:s18+$0xFFFFFEB0]  }
0xf1: {  	v59 =	vor.u32 s20, v2;
	v58 =	vld [tilespmem:s18+$0xFFFFFC40];
	[tilespmem:v37+s9+$0x0] =	vst.idx.msk $0xffff, v14  }
0xf2: {  	v44 =	vor.u32 s26, v1;
	v14 =	vld [tilespmem:s18+$0xFFFFFF30];
	[tilespmem:v39+s9+$0x0] =	vst.idx.msk $0xffff, v38  }
0xf3: {  	v47 =	vor.u32 s21, v2;
	v46 =	vld [tilespmem:s18+$0xFFFFFCC0];
	[tilespmem:v42+s9+$0x0] =	vst.idx.msk $0xffff, v41  }
0xf4: {  	v50 =	vor.u32 s22, v2;
	v49 =	vld [tilespmem:s18+$0xFFFFFD40];
	[tilespmem:v40+s9+$0x0] =	vst.idx.msk $0xffff, v15  }
0xf5: {  	v51 =	vor.u32 s23, v2;
	[tilespmem:v43+s9+$0x0] =	vst.idx.msk $0xffff, v13;
	v13 =	vld [tilespmem:s18+$0xFFFFFDC0]  }
0xf6: {  	v48 =	vor.u32 s0, v3;
	[tilespmem:v59+s9+$0x0] =	vst.idx.msk $0xffff, v58;
	v15 =	vld [tilespmem:s18+$0xFFFFFFD0]  }
0xf7: {  	v52 =	vor.u32 s24, v2;
	[tilespmem:v44+s9+$0x0] =	vst.idx.msk $0xffff, v14;
	v14 =	vld [tilespmem:s18+$0xFFFFFE40]  }
0xf8: {  	v54 =	vor.u32 s25, v2;
	[tilespmem:v47+s9+$0x0] =	vst.idx.msk $0xffff, v46;
	v53 =	vld [tilespmem:s18+$0xFFFFFEC0]  }
0xf9: {  	v33 =	vor.u32 s20, v3;
	v21 =	vld [tilespmem:s18+$0xFFFFFC50];
	[tilespmem:v50+s9+$0x0] =	vst.idx.msk $0xffff, v49  }
0xfa: {  	v56 =	vor.u32 s26, v2;
	v55 =	vld [tilespmem:s18+$0xFFFFFF40];
	[tilespmem:v51+s9+$0x0] =	vst.idx.msk $0xffff, v13  }
0xfb: {  	v60 =	vor.u32 s21, v3;
	v13 =	vld [tilespmem:s18+$0xFFFFFCD0];
	[tilespmem:v48+s9+$0x0] =	vst.idx.msk $0xffff, v15  }
0xfc: {  	v61 =	vor.u32 s22, v3;
	[tilespmem:v52+s9+$0x0] =	vst.idx.msk $0xffff, v14;
	v14 =	vld [tilespmem:s18+$0xFFFFFD50]  }
0xfd: {  	v57 =	vor.u32 s0, v4;
	[tilespmem:v54+s9+$0x0] =	vst.idx.msk $0xffff, v53;
	v15 =	vld [tilespmem:s18+$0xFFFFFFE0]  }
0xfe: {  	v63 =	vor.u32 s23, v3;
	v62 =	vld [tilespmem:s18+$0xFFFFFDD0];
	[tilespmem:v33+s9+$0x0] =	vst.idx.msk $0xffff, v21  }
0xff: {  	v29 =	vor.u32 s24, v3;
	[tilespmem:v56+s9+$0x0] =	vst.idx.msk $0xffff, v55;
	v28 =	vld [tilespmem:s18+$0xFFFFFE50]  }
0x100: {  	v46 =	vor.u32 s20, v4;
	v45 =	vld [tilespmem:s18+$0xFFFFFC60];
	[tilespmem:v60+s9+$0x0] =	vst.idx.msk $0xffff, v13  }
0x101: {  	v31 =	vor.u32 s25, v3;
	v13 =	vld [tilespmem:s18+$0xFFFFFED0];
	[tilespmem:v61+s9+$0x0] =	vst.idx.msk $0xffff, v14  }
0x102: {  	v32 =	vor.u32 s26, v3;
	v14 =	vld [tilespmem:s18+$0xFFFFFF50];
	[tilespmem:v57+s9+$0x0] =	vst.idx.msk $0xffff, v15  }
0x103: {  	v30 =	vor.u32 s0, v5;
	[tilespmem:v63+s9+$0x0] =	vst.idx.msk $0xffff, v62;
	v15 =	vld [tilespmem:s18+$0xFFFFFFF0]  }
0x104: {  	v35 =	vor.u32 s21, v4;
	v34 =	vld [tilespmem:s18+$0xFFFFFCE0];
	[tilespmem:v29+s9+$0x0] =	vst.idx.msk $0xffff, v28  }
0x105: {  	v37 =	vor.u32 s22, v4;
	v36 =	vld [tilespmem:s18+$0xFFFFFD60];
	[tilespmem:v46+s9+$0x0] =	vst.idx.msk $0xffff, v45  }
0x106: {  	v39 =	vor.u32 s23, v4;
	v38 =	vld [tilespmem:s18+$0xFFFFFDE0];
	[tilespmem:v31+s9+$0x0] =	vst.idx.msk $0xffff, v13  }
0x107: {  	v58 =	vor.u32 s20, v5;
	v57 =	vld [tilespmem:s18+$0xFFFFFC70];
	[tilespmem:v32+s9+$0x0] =	vst.idx.msk $0xffff, v14  }
0x108: {  	v40 =	vor.u32 s24, v4;
	v14 =	vld [tilespmem:s18+$0xFFFFFE60];
	[tilespmem:v30+s9+$0x0] =	vst.idx.msk $0xffff, v15  }
0x109: {  	[tilespmem:v35+s9+$0x0] =	vst.idx.msk $0xffff, v34;
	v15 =	vor.u32 s0, v6;
	v13 =	vld [tilespmem:s18+$0x0]  }
0x10a: {  	v42 =	vor.u32 s25, v4;
	v41 =	vld [tilespmem:s18+$0xFFFFFEE0];
	[tilespmem:v37+s9+$0x0] =	vst.idx.msk $0xffff, v36  }
0x10b: {  	v44 =	vor.u32 s26, v4;
	v43 =	vld [tilespmem:s18+$0xFFFFFF60];
	[tilespmem:v39+s9+$0x0] =	vst.idx.msk $0xffff, v38  }
0x10c: {  	v48 =	vor.u32 s21, v5;
	v47 =	vld [tilespmem:s18+$0xFFFFFCF0];
	[tilespmem:v58+s9+$0x0] =	vst.idx.msk $0xffff, v57  }
0x10d: {  	v51 =	vor.u32 s23, v5;
	v50 =	vld [tilespmem:s18+$0xFFFFFDF0];
	[tilespmem:v40+s9+$0x0] =	vst.idx.msk $0xffff, v14  }
0x10e: {  	v35 =	vor.u32 s20, v6;
	v34 =	vld [tilespmem:s18+$0xFFFFFC80];
	[tilespmem:v15+s9+$0x0] =	vst.idx.msk $0xffff, v13  }
0x10f: {  	[tilespmem:v42+s9+$0x0] =	vst.idx.msk $0xffff, v41;
	v15 =	vor.u32 s0, v7;
	v13 =	vld [tilespmem:s18+$0x10]  }
0x110: {  	v49 =	vor.u32 s22, v5;
	v14 =	vld [tilespmem:s18+$0xFFFFFD70];
	[tilespmem:v44+s9+$0x0] =	vst.idx.msk $0xffff, v43  }
0x111: {  	v53 =	vor.u32 s24, v5;
	v52 =	vld [tilespmem:s18+$0xFFFFFE70];
	[tilespmem:v48+s9+$0x0] =	vst.idx.msk $0xffff, v47  }
0x112: {  	v55 =	vor.u32 s25, v5;
	v54 =	vld [tilespmem:s18+$0xFFFFFEF0];
	[tilespmem:v51+s9+$0x0] =	vst.idx.msk $0xffff, v50  }
0x113: {  	v60 =	vor.u32 s21, v6;
	v59 =	vld [tilespmem:s18+$0xFFFFFD00];
	[tilespmem:v35+s9+$0x0] =	vst.idx.msk $0xffff, v34  }
0x114: {  	v28 =	vor.u32 s23, v6;
	v63 =	vld [tilespmem:s18+$0xFFFFFE00];
	[tilespmem:v15+s9+$0x0] =	vst.idx.msk $0xffff, v13  }
0x115: {  	[tilespmem:v49+s9+$0x0] =	vst.idx.msk $0xffff, v14;
	v15 =	vor.u32 s0, v8;
	v13 =	vld [tilespmem:s18+$0x3A0]  }
0x116: {  	v56 =	vor.u32 s26, v5;
	v14 =	vld [tilespmem:s18+$0xFFFFFF70];
	[tilespmem:v53+s9+$0x0] =	vst.idx.msk $0xffff, v52  }
0x117: {  	v62 =	vor.u32 s22, v6;
	v61 =	vld [tilespmem:s18+$0xFFFFFD80];
	[tilespmem:v55+s9+$0x0] =	vst.idx.msk $0xffff, v54  }
0x118: {  	v31 =	vor.u32 s25, v6;
	[tilespmem:v60+s9+$0x0] =	vst.idx.msk $0xffff, v59;
	v30 =	vld [tilespmem:s18+$0xFFFFFF00]  }
0x119: {  	v37 =	vor.u32 s21, v7;
	[tilespmem:v28+s9+$0x0] =	vst.idx.msk $0xffff, v63;
	v36 =	vld [tilespmem:s18+$0xFFFFFD10]  }
0x11a: {  	v29 =	vor.u32 s24, v6;
	[tilespmem:v15+s9+$0x0] =	vst.idx.msk $0xffff, v13;
	v15 =	vld [tilespmem:s18+$0xFFFFFE80]  }
0x11b: {  	[tilespmem:v56+s9+$0x0] =	vst.idx.msk $0xffff, v14;
	v14 =	vor.u32 s0, v9;
	v13 =	vld [tilespmem:s18+$0x3B0]  }
0x11c: {  	v40 =	vor.u32 s23, v7;
	v39 =	vld [tilespmem:s18+$0xFFFFFE10];
	[tilespmem:v62+s9+$0x0] =	vst.idx.msk $0xffff, v61  }
0x11d: {  	v33 =	vor.u32 s26, v6;
	v32 =	vld [tilespmem:s18+$0xFFFFFF80];
	[tilespmem:v31+s9+$0x0] =	vst.idx.msk $0xffff, v30  }
0x11e: {  	v44 =	vor.u32 s25, v7;
	[tilespmem:v37+s9+$0x0] =	vst.idx.msk $0xffff, v36;
	v43 =	vld [tilespmem:s18+$0xFFFFFF10]  }
0x11f: {  	v38 =	vor.u32 s22, v7;
	[tilespmem:v29+s9+$0x0] =	vst.idx.msk $0xffff, v15;
	v15 =	vld [tilespmem:s18+$0xFFFFFD90]  }
0x120: {  	v49 =	vor.u32 s21, v8;
	v48 =	vld [tilespmem:s18+$0xA0];
	[tilespmem:v14+s9+$0x0] =	vst.idx.msk $0xffff, v13  }
0x121: {  	[tilespmem:v40+s9+$0x0] =	vst.idx.msk $0xffff, v39;
	v14 =	vor.u32 s0, v10;
	v13 =	vld [tilespmem:s18+$0x3C0]  }
0x122: {  	v42 =	vor.u32 s24, v7;
	[tilespmem:v33+s9+$0x0] =	vst.idx.msk $0xffff, v32;
	v41 =	vld [tilespmem:s18+$0xFFFFFE90]  }
0x123: {  	v53 =	vor.u32 s23, v8;
	v52 =	vld [tilespmem:s18+$0x1A0];
	[tilespmem:v44+s9+$0x0] =	vst.idx.msk $0xffff, v43  }
0x124: {  	v47 =	vor.u32 s20, v7;
	[tilespmem:v38+s9+$0x0] =	vst.idx.msk $0xffff, v15;
	v15 =	vld [tilespmem:s18+$0xFFFFFC90]  }
0x125: {  	v46 =	vor.u32 s26, v7;
	v45 =	vld [tilespmem:s18+$0xFFFFFF90];
	[tilespmem:v49+s9+$0x0] =	vst.idx.msk $0xffff, v48  }
0x126: {  	v51 =	vor.u32 s22, v8;
	v50 =	vld [tilespmem:s18+$0x120];
	[tilespmem:v14+s9+$0x0] =	vst.idx.msk $0xffff, v13  }
0x127: {  	[tilespmem:v42+s9+$0x0] =	vst.idx.msk $0xffff, v41;
	v14 =	vor.u32 s0, v11;
	v13 =	vld [tilespmem:s18+$0x3D0]  }
0x128: {  	v55 =	vor.u32 s24, v8;
	[tilespmem:v53+s9+$0x0] =	vst.idx.msk $0xffff, v52;
	v54 =	vld [tilespmem:s18+$0x220]  }
0x129: {  	v56 =	vor.u32 s25, v8;
	[tilespmem:v47+s9+$0x0] =	vst.idx.msk $0xffff, v15;
	v15 =	vld [tilespmem:s18+$0x2A0]  }
0x12a: {  	v60 =	vor.u32 s20, v8;
	[tilespmem:v46+s9+$0x0] =	vst.idx.msk $0xffff, v45;
	v59 =	vld [tilespmem:s18+$0x20]  }
0x12b: {  	v62 =	vor.u32 s21, v9;
	v61 =	vld [tilespmem:s18+$0xB0];
	[tilespmem:v51+s9+$0x0] =	vst.idx.msk $0xffff, v50  }
0x12c: {  	v58 =	vor.u32 s26, v8;
	v57 =	vld [tilespmem:s18+$0x320];
	[tilespmem:v14+s9+$0x0] =	vst.idx.msk $0xffff, v13  }
0x12d: {  	[tilespmem:v55+s9+$0x0] =	vst.idx.msk $0xffff, v54;
	v14 =	vor.u32 s0, v12;
	v13 =	vld [tilespmem:s18+$0x3D8]  }
0x12e: {  	v28 =	vor.u32 s22, v9;
	v63 =	vld [tilespmem:s18+$0x130];
	[tilespmem:v56+s9+$0x0] =	vst.idx.msk $0xffff, v15  }
0x12f: {  	v29 =	vor.u32 s24, v9;
	v15 =	vld [tilespmem:s18+$0x230];
	[tilespmem:v60+s9+$0x0] =	vst.idx.msk $0xffff, v59  }
0x130: {  	v35 =	vor.u32 s20, v9;
	[tilespmem:v62+s9+$0x0] =	vst.idx.msk $0xffff, v61;
	v34 =	vld [tilespmem:s18+$0x30]  }
0x131: {  	v31 =	vor.u32 s25, v9;
	[tilespmem:v58+s9+$0x0] =	vst.idx.msk $0xffff, v57;
	v30 =	vld [tilespmem:s18+$0x2B0]  }
0x132: {  	[tilespmem:v14+s9+$0x0] =	vst.idx.msk $0xffff, v13;
	v13 =	vld [tilespmem:s18+$0x1B0];
	v14 =	vor.u32 s23, v9  }
0x133: {  	v37 =	vor.u32 s21, v10;
	v36 =	vld [tilespmem:s18+$0xC0];
	[tilespmem:v28+s9+$0x0] =	vst.idx.msk $0xffff, v63  }
0x134: {  	v33 =	vor.u32 s26, v9;
	v32 =	vld [tilespmem:s18+$0x330];
	[tilespmem:v29+s9+$0x0] =	vst.idx.msk $0xffff, v15  }
0x135: {  	v40 =	vor.u32 s24, v10;
	v39 =	vld [tilespmem:s18+$0x240];
	[tilespmem:v35+s9+$0x0] =	vst.idx.msk $0xffff, v34  }
0x136: {  	v46 =	vor.u32 s20, v10;
	[tilespmem:v31+s9+$0x0] =	vst.idx.msk $0xffff, v30;
	v45 =	vld [tilespmem:s18+$0x40]  }
0x137: {  	[tilespmem:v14+s9+$0x0] =	vst.idx.msk $0xffff, v13;
	v13 =	vld [tilespmem:s18+$0x140];
	v14 =	vor.u32 s22, v10  }
0x138: {  	v42 =	vor.u32 s25, v10;
	[tilespmem:v37+s9+$0x0] =	vst.idx.msk $0xffff, v36;
	v41 =	vld [tilespmem:s18+$0x2C0]  }
0x139: {  	v38 =	vor.u32 s23, v10;
	[tilespmem:v33+s9+$0x0] =	vst.idx.msk $0xffff, v32;
	v15 =	vld [tilespmem:s18+$0x1C0]  }
0x13a: {  	v44 =	vor.u32 s26, v10;
	v43 =	vld [tilespmem:s18+$0x340];
	[tilespmem:v40+s9+$0x0] =	vst.idx.msk $0xffff, v39  }
0x13b: {  	v51 =	vor.u32 s24, v11;
	v50 =	vld [tilespmem:s18+$0x250];
	[tilespmem:v46+s9+$0x0] =	vst.idx.msk $0xffff, v45  }
0x13c: {  	[tilespmem:v14+s9+$0x0] =	vst.idx.msk $0xffff, v13;
	v13 =	vld [tilespmem:s18+$0xD0];
	v14 =	vor.u32 s21, v11  }
0x13d: {  	v54 =	vor.u32 s20, v11;
	[tilespmem:v42+s9+$0x0] =	vst.idx.msk $0xffff, v41;
	v23 =	vld [tilespmem:s18+$0x50]  }
0x13e: {  	v47 =	vor.u32 s22, v11;
	[tilespmem:v38+s9+$0x0] =	vst.idx.msk $0xffff, v15;
	v15 =	vld [tilespmem:s18+$0x150]  }
0x13f: {  	v53 =	vor.u32 s25, v11;
	[tilespmem:v44+s9+$0x0] =	vst.idx.msk $0xffff, v43;
	v52 =	vld [tilespmem:s18+$0x2D0]  }
0x140: {  	v49 =	vor.u32 s23, v11;
	v48 =	vld [tilespmem:s18+$0x1D0];
	[tilespmem:v51+s9+$0x0] =	vst.idx.msk $0xffff, v50  }
0x141: {  	v61 =	vor.u32 s24, v12;
	v60 =	vld [tilespmem:s18+$0x258];
	[tilespmem:v14+s9+$0x0] =	vst.idx.msk $0xffff, v13  }
0x142: {  	v13 =	vld [tilespmem:s18+$0x350];
	v14 =	vor.u32 s26, v11;
	[tilespmem:v54+s9+$0x0] =	vst.idx.msk $0xffff, v23  }
0x143: {  	v55 =	vor.u32 s21, v12;
	[tilespmem:v47+s9+$0x0] =	vst.idx.msk $0xffff, v15;
	v15 =	vld [tilespmem:s18+$0xD8]  }
0x144: {  	v63 =	vor.u32 s20, v12;
	[tilespmem:v53+s9+$0x0] =	vst.idx.msk $0xffff, v52;
	v23 =	vld [tilespmem:s18+$0x58]  }
0x145: {  	v57 =	vor.u32 s22, v12;
	[tilespmem:v49+s9+$0x0] =	vst.idx.msk $0xffff, v48;
	v56 =	vld [tilespmem:s18+$0x158]  }
0x146: {  	v59 =	vor.u32 s23, v12;
	v58 =	vld [tilespmem:s18+$0x1D8];
	[tilespmem:v61+s9+$0x0] =	vst.idx.msk $0xffff, v60  }
0x147: {  	[tilespmem:v14+s9+$0x0] =	vst.idx.msk $0xffff, v13;
	v13 =	vld [tilespmem:s18+$0x2D8];
	v14 =	vor.u32 s25, v12  }
0x148: {  	v62 =	vor.u32 s26, v12;
	[tilespmem:v55+s9+$0x0] =	vst.idx.msk $0xffff, v15;
	v15 =	vld [tilespmem:s18+$0x358]  }
0x149: {  	p0 =	seq.s32 s19, $0x3;
	s18 =	sadd.s32 $0x1, s19;
	[tilespmem:v63+s9+$0x0] =	vst.idx.msk $0xffff, v23  }
0x14a: {  	[tilespmem:v57+s9+$0x0] =	vst.idx.msk $0xffff, v56;
	s0 =	sadd.s32 @!p0 s6, s18  }
0x14b: {  	s31 =	sadd.s32 s6, s19;
	[tilespmem:v59+s9+$0x0] =	vst.idx.msk $0xffff, v58;
	s0 =	sshll.u32 @!p0 s0, $0xC  }
0x14c: {  	s24 =	smov.u32 s16;
	s20 =	simm.s32 @!p0 $0x0;
	s0 =	sand.u32 @!p0 $0x1FFFF000, s0;
	[tilespmem:v14+s9+$0x0] =	vst.idx.msk $0xffff, v13  }
0x14d: {  	s23 =	smov.u32 s17;
	s22 =	simm.s32 $0x8080;
	s0 =	sadd.s32 @!p0 s4, s0;
	[tilespmem:v62+s9+$0x0] =	vst.idx.msk $0xffff, v15  }
0x14e: {  	[tilespmem:s20], [sflag:$0x4] =	stream.linear.gather @!p0 [hbm4b:s0+s20], $0x8000, $0x38;
	[tilespmem:$0x19800] =	vst v63  }
0x14f: {  	s21 =	simm.s32 $0x0;
	s19 =	smul.u32 $0xA, s19;
	s20 =	sshll.u32 s31, $0xA  }
.LBB2_6:
0x150: {  	_ = 	snop  }
0x151: {  	s0 =	sadd.s32 s19, s21  }
0x152: {  	s25 =	smulhi.u32 $0xAAAAAAAB, s0;
	_ =	sdelay $0x1  }
0x153: {  	s25 =	sshrl.u32 s25, $0x1  }
0x154: {  	s25 =	smul.u32 $0x3, s25;
	_ =	sdelay $0x1  }
0x155: {  	p0 =	slt.u32 s0, $0x3;
	s25 =	ssub.s32 s0, s25  }
0x156: {  	s0 =	sadd.s32 @!p0 $0x1, s25  }
0x157: {  	_ =	swait.ge @!p0 [sflag:s0], $0x3C00  }
0x158: {  	[sflag:s0] =	ssyncset.done @!p0 $0x0  }
0x159: {  	[sflag:s0] =	ssyncadd.s32 @!p0 $0xFFFFC400  }
0x15a: {  	v13 =	vld [tilespmem:s22+$0x0];
	_ =	sdelay $0x4  }
0x15b: {  	v14 =	vcvt.s32.f32 v13;
	_ =	sdelay $0x1  }
0x15c: {  	v15 =	vmul.f32 $1.000000010e-01, v14;
	v16 =	vmul.f32 $9.999999770e-03, v14  }
0x15d: {  	s26 =	smulhi.u32 $0xAAAAAAAB, s23;
	v17 =	vmul.f32 $1.000000050e-03, v14;
	v18 =	vmul.f32 $9.999999740e-05, v14  }
0x15e: {  	v14 =	vmul.f32 $9.999999740e-06, v14;
	v15 =	vtrunc.f32 v15  }
0x15f: {  	s0 =	sshrl.u32 s26, $0x1;
	v16 =	vtrunc.f32 v16;
	v17 =	vtrunc.f32 v17  }
0x160: {  	s0 =	smul.u32 $0xFFFD3000, s0;
	v18 =	vtrunc.f32 v18;
	v15 =	vcvt.f32.s32 v15  }
0x161: {  	v14 =	vtrunc.f32 v14;
	v16 =	vcvt.f32.s32 v16  }
0x162: {  	s0 =	sshra.s32 s0, $0x2;
	v17 =	vcvt.f32.s32 v17;
	v14 =	vcvt.f32.s32 v14;
	v19 =	vmul.u32 $0xFFFFFFF6, v15  }
0x163: {  	s26 =	sadd.s32 s0, s24;
	v18 =	vcvt.f32.s32 v18;
	v20 =	vmul.u32 $0xFFFFFFF6, v16  }
0x164: {  	[tilespmem:s26+$0x300] =	vst v14;
	v13 =	vadd.s32 v13, v19;
	v19 =	vmul.u32 $0xFFFFFFF6, v17  }
0x165: {  	[tilespmem:s26+$0x580] =	vst v13;
	v13 =	vadd.s32 v15, v20;
	v15 =	vmul.u32 $0xFFFFFFF6, v18  }
0x166: {  	v14 =	vmul.u32 $0xFFFFFFF6, v14;
	[tilespmem:s26+$0x500] =	vst v13;
	v13 =	vadd.s32 v16, v19  }
0x167: {  	[tilespmem:s26+$0x480] =	vst v13;
	v13 =	vadd.s32 v17, v15  }
0x168: {  	[tilespmem:s26+$0x400] =	vst v13;
	v13 =	vadd.s32 v18, v14  }
0x169: {  	[tilespmem:s26+$0x380] =	vst v13  }
0x16a: {  	v13 =	vld [tilespmem:s22+$0x10];
	_ =	sdelay $0x4  }
0x16b: {  	v14 =	vcvt.s32.f32 v13;
	_ =	sdelay $0x1  }
0x16c: {  	v15 =	vmul.f32 $1.000000010e-01, v14;
	v16 =	vmul.f32 $9.999999770e-03, v14  }
0x16d: {  	v17 =	vmul.f32 $1.000000050e-03, v14;
	v18 =	vmul.f32 $9.999999740e-05, v14  }
0x16e: {  	v14 =	vmul.f32 $9.999999740e-06, v14;
	v15 =	vtrunc.f32 v15  }
0x16f: {  	v16 =	vtrunc.f32 v16;
	v17 =	vtrunc.f32 v17  }
0x170: {  	v19 =	vld [tilespmem:s22+$0xFFFFFF80];
	v18 =	vtrunc.f32 v18;
	v15 =	vcvt.f32.s32 v15  }
0x171: {  	v14 =	vtrunc.f32 v14;
	v16 =	vcvt.f32.s32 v16  }
0x172: {  	v17 =	vcvt.f32.s32 v17;
	v14 =	vcvt.f32.s32 v14;
	v20 =	vmul.u32 $0xFFFFFFF6, v15  }
0x173: {  	v18 =	vcvt.f32.s32 v18;
	v21 =	vmul.u32 $0xFFFFFFF6, v16  }
0x174: {  	[tilespmem:s26+$0x310] =	vst v14;
	v13 =	vadd.s32 v13, v20;
	v20 =	vmul.u32 $0xFFFFFFF6, v17  }
0x175: {  	v22 =	vcvt.s32.f32 v19;
	[tilespmem:s26+$0x590] =	vst v13;
	v13 =	vadd.s32 v15, v21;
	v15 =	vmul.u32 $0xFFFFFFF6, v18  }
0x176: {  	v14 =	vmul.u32 $0xFFFFFFF6, v14;
	[tilespmem:s26+$0x510] =	vst v13;
	v13 =	vadd.s32 v16, v20  }
0x177: {  	v16 =	vmul.f32 $1.000000010e-01, v22;
	v20 =	vmul.f32 $9.999999770e-03, v22;
	[tilespmem:s26+$0x490] =	vst v13;
	v13 =	vadd.s32 v17, v15  }
0x178: {  	v15 =	vmul.f32 $1.000000050e-03, v22;
	v17 =	vmul.f32 $9.999999740e-05, v22;
	[tilespmem:s26+$0x410] =	vst v13;
	v13 =	vadd.s32 v18, v14  }
0x179: {  	v14 =	vtrunc.f32 v16;
	v16 =	vmul.f32 $9.999999740e-06, v22;
	[tilespmem:s26+$0x390] =	vst v13  }
0x17a: {  	v13 =	vtrunc.f32 v20;
	v15 =	vtrunc.f32 v15;
	v18 =	vld [tilespmem:s22+$0x20]  }
0x17b: {  	v17 =	vtrunc.f32 v17;
	v14 =	vcvt.f32.s32 v14  }
0x17c: {  	v16 =	vtrunc.f32 v16;
	v13 =	vcvt.f32.s32 v13  }
0x17d: {  	v15 =	vcvt.f32.s32 v15;
	v16 =	vcvt.f32.s32 v16;
	v20 =	vmul.u32 $0xFFFFFFF6, v14  }
0x17e: {  	v17 =	vcvt.f32.s32 v17;
	v21 =	vmul.u32 $0xFFFFFFF6, v13  }
0x17f: {  	v22 =	vmul.u32 $0xFFFFFFF6, v15;
	v19 =	vadd.s32 v19, v20;
	[tilespmem:s26+$0x0] =	vst v16;
	v20 =	vcvt.s32.f32 v18  }
0x180: {  	v23 =	vmul.u32 $0xFFFFFFF6, v17;
	v16 =	vmul.u32 $0xFFFFFFF6, v16;
	v14 =	vadd.s32 v14, v21;
	[tilespmem:s26+$0x280] =	vst v19  }
0x181: {  	v13 =	vadd.s32 v13, v22;
	[tilespmem:s26+$0x200] =	vst v14;
	v14 =	vmul.f32 $1.000000010e-01, v20;
	v19 =	vmul.f32 $9.999999770e-03, v20  }
0x182: {  	v15 =	vadd.s32 v15, v23;
	[tilespmem:s26+$0x180] =	vst v13;
	v13 =	vmul.f32 $1.000000050e-03, v20;
	v21 =	vmul.f32 $9.999999740e-05, v20  }
0x183: {  	v16 =	vadd.s32 v17, v16;
	[tilespmem:s26+$0x100] =	vst v15;
	v15 =	vmul.f32 $9.999999740e-06, v20;
	v14 =	vtrunc.f32 v14  }
0x184: {  	[tilespmem:s26+$0x80] =	vst v16;
	v16 =	vtrunc.f32 v19;
	v13 =	vtrunc.f32 v13  }
0x185: {  	v17 =	vld [tilespmem:s22+$0xFFFFFF90];
	v19 =	vtrunc.f32 v21;
	v14 =	vcvt.f32.s32 v14  }
0x186: {  	v15 =	vtrunc.f32 v15;
	v16 =	vcvt.f32.s32 v16  }
0x187: {  	v13 =	vcvt.f32.s32 v13;
	v15 =	vcvt.f32.s32 v15;
	v20 =	vmul.u32 $0xFFFFFFF6, v14  }
0x188: {  	v19 =	vcvt.f32.s32 v19;
	v21 =	vmul.u32 $0xFFFFFFF6, v16  }
0x189: {  	[tilespmem:s26+$0x320] =	vst v15;
	v18 =	vadd.s32 v18, v20;
	v20 =	vmul.u32 $0xFFFFFFF6, v13  }
0x18a: {  	v22 =	vcvt.s32.f32 v17;
	v14 =	vadd.s32 v14, v21;
	[tilespmem:s26+$0x5A0] =	vst v18;
	v18 =	vmul.u32 $0xFFFFFFF6, v19  }
0x18b: {  	v15 =	vmul.u32 $0xFFFFFFF6, v15;
	[tilespmem:s26+$0x520] =	vst v14;
	v14 =	vadd.s32 v16, v20  }
0x18c: {  	v16 =	vmul.f32 $1.000000010e-01, v22;
	v20 =	vmul.f32 $9.999999770e-03, v22;
	[tilespmem:s26+$0x4A0] =	vst v14;
	v13 =	vadd.s32 v13, v18  }
0x18d: {  	v14 =	vmul.f32 $1.000000050e-03, v22;
	v18 =	vmul.f32 $9.999999740e-05, v22;
	[tilespmem:s26+$0x420] =	vst v13;
	v13 =	vadd.s32 v19, v15  }
0x18e: {  	v15 =	vmul.f32 $9.999999740e-06, v22;
	v16 =	vtrunc.f32 v16;
	[tilespmem:s26+$0x3A0] =	vst v13  }
0x18f: {  	v13 =	vtrunc.f32 v20;
	v14 =	vtrunc.f32 v14;
	v19 =	vld [tilespmem:s22+$0x30]  }
0x190: {  	v18 =	vtrunc.f32 v18;
	v16 =	vcvt.f32.s32 v16  }
0x191: {  	v15 =	vtrunc.f32 v15;
	v13 =	vcvt.f32.s32 v13  }
0x192: {  	v14 =	vcvt.f32.s32 v14;
	v15 =	vcvt.f32.s32 v15;
	v20 =	vmul.u32 $0xFFFFFFF6, v16  }
0x193: {  	v18 =	vcvt.f32.s32 v18;
	v21 =	vmul.u32 $0xFFFFFFF6, v13  }
0x194: {  	v22 =	vmul.u32 $0xFFFFFFF6, v14;
	[tilespmem:s26+$0x10] =	vst v15;
	v17 =	vadd.s32 v17, v20;
	v20 =	vcvt.s32.f32 v19  }
0x195: {  	v23 =	vmul.u32 $0xFFFFFFF6, v18;
	v15 =	vmul.u32 $0xFFFFFFF6, v15;
	v16 =	vadd.s32 v16, v21;
	[tilespmem:s26+$0x290] =	vst v17  }
0x196: {  	v13 =	vadd.s32 v13, v22;
	[tilespmem:s26+$0x210] =	vst v16;
	v16 =	vmul.f32 $1.000000010e-01, v20;
	v17 =	vmul.f32 $9.999999770e-03, v20  }
0x197: {  	v14 =	vadd.s32 v14, v23;
	[tilespmem:s26+$0x190] =	vst v13;
	v13 =	vmul.f32 $1.000000050e-03, v20;
	v21 =	vmul.f32 $9.999999740e-05, v20  }
0x198: {  	v15 =	vadd.s32 v18, v15;
	[tilespmem:s26+$0x110] =	vst v14;
	v14 =	vtrunc.f32 v16;
	v16 =	vmul.f32 $9.999999740e-06, v20  }
0x199: {  	[tilespmem:s26+$0x90] =	vst v15;
	v15 =	vtrunc.f32 v17;
	v13 =	vtrunc.f32 v13  }
0x19a: {  	v17 =	vld [tilespmem:s22+$0xFFFFFFA0];
	v18 =	vtrunc.f32 v21;
	v14 =	vcvt.f32.s32 v14  }
0x19b: {  	v15 =	vcvt.f32.s32 v15;
	v16 =	vtrunc.f32 v16  }
0x19c: {  	v13 =	vcvt.f32.s32 v13;
	v16 =	vcvt.f32.s32 v16;
	v20 =	vmul.u32 $0xFFFFFFF6, v14  }
0x19d: {  	v18 =	vcvt.f32.s32 v18;
	v21 =	vmul.u32 $0xFFFFFFF6, v15  }
0x19e: {  	v19 =	vadd.s32 v19, v20;
	v20 =	vmul.u32 $0xFFFFFFF6, v13;
	[tilespmem:s26+$0x330] =	vst v16  }
0x19f: {  	v22 =	vcvt.s32.f32 v17;
	v14 =	vadd.s32 v14, v21;
	[tilespmem:s26+$0x5B0] =	vst v19;
	v19 =	vmul.u32 $0xFFFFFFF6, v18  }
0x1a0: {  	[tilespmem:s26+$0x530] =	vst v14;
	v14 =	vadd.s32 v15, v20;
	v15 =	vmul.u32 $0xFFFFFFF6, v16  }
0x1a1: {  	v16 =	vmul.f32 $1.000000010e-01, v22;
	v20 =	vmul.f32 $9.999999770e-03, v22;
	[tilespmem:s26+$0x4B0] =	vst v14;
	v13 =	vadd.s32 v13, v19  }
0x1a2: {  	v14 =	vmul.f32 $1.000000050e-03, v22;
	v19 =	vmul.f32 $9.999999740e-05, v22;
	[tilespmem:s26+$0x430] =	vst v13;
	v13 =	vadd.s32 v18, v15  }
0x1a3: {  	v15 =	vtrunc.f32 v16;
	v16 =	vmul.f32 $9.999999740e-06, v22;
	[tilespmem:s26+$0x3B0] =	vst v13  }
0x1a4: {  	v13 =	vtrunc.f32 v20;
	v14 =	vtrunc.f32 v14;
	v18 =	vld [tilespmem:s22+$0x40]  }
0x1a5: {  	v19 =	vtrunc.f32 v19;
	v15 =	vcvt.f32.s32 v15  }
0x1a6: {  	v16 =	vtrunc.f32 v16;
	v13 =	vcvt.f32.s32 v13  }
0x1a7: {  	v14 =	vcvt.f32.s32 v14;
	v16 =	vcvt.f32.s32 v16;
	v20 =	vmul.u32 $0xFFFFFFF6, v15  }
0x1a8: {  	v19 =	vcvt.f32.s32 v19;
	v21 =	vmul.u32 $0xFFFFFFF6, v13  }
0x1a9: {  	v22 =	vmul.u32 $0xFFFFFFF6, v14;
	[tilespmem:s26+$0x20] =	vst v16;
	v17 =	vadd.s32 v17, v20;
	v20 =	vcvt.s32.f32 v18  }
0x1aa: {  	v23 =	vmul.u32 $0xFFFFFFF6, v19;
	v16 =	vmul.u32 $0xFFFFFFF6, v16;
	[tilespmem:s26+$0x2A0] =	vst v17;
	v15 =	vadd.s32 v15, v21  }
0x1ab: {  	v13 =	vadd.s32 v13, v22;
	[tilespmem:s26+$0x220] =	vst v15;
	v15 =	vmul.f32 $1.000000010e-01, v20;
	v17 =	vmul.f32 $9.999999770e-03, v20  }
0x1ac: {  	[tilespmem:s26+$0x1A0] =	vst v13;
	v13 =	vadd.s32 v14, v23;
	v14 =	vmul.f32 $1.000000050e-03, v20;
	v21 =	vmul.f32 $9.999999740e-05, v20  }
0x1ad: {  	[tilespmem:s26+$0x120] =	vst v13;
	v13 =	vadd.s32 v19, v16;
	v16 =	vmul.f32 $9.999999740e-06, v20;
	v15 =	vtrunc.f32 v15  }
0x1ae: {  	[tilespmem:s26+$0xA0] =	vst v13;
	v13 =	vtrunc.f32 v17;
	v14 =	vtrunc.f32 v14  }
0x1af: {  	v17 =	vld [tilespmem:s22+$0xFFFFFFB0];
	v19 =	vtrunc.f32 v21;
	v15 =	vcvt.f32.s32 v15  }
0x1b0: {  	v16 =	vtrunc.f32 v16;
	v13 =	vcvt.f32.s32 v13  }
0x1b1: {  	v14 =	vcvt.f32.s32 v14;
	v16 =	vcvt.f32.s32 v16;
	v20 =	vmul.u32 $0xFFFFFFF6, v15  }
0x1b2: {  	v19 =	vcvt.f32.s32 v19;
	v21 =	vmul.u32 $0xFFFFFFF6, v13  }
0x1b3: {  	[tilespmem:s26+$0x340] =	vst v16;
	v18 =	vadd.s32 v18, v20;
	v20 =	vmul.u32 $0xFFFFFFF6, v14  }
0x1b4: {  	v22 =	vcvt.s32.f32 v17;
	v15 =	vadd.s32 v15, v21;
	[tilespmem:s26+$0x5C0] =	vst v18;
	v18 =	vmul.u32 $0xFFFFFFF6, v19  }
0x1b5: {  	[tilespmem:s26+$0x540] =	vst v15;
	v15 =	vmul.u32 $0xFFFFFFF6, v16;
	v13 =	vadd.s32 v13, v20  }
0x1b6: {  	v16 =	vmul.f32 $1.000000010e-01, v22;
	v20 =	vmul.f32 $9.999999770e-03, v22;
	[tilespmem:s26+$0x4C0] =	vst v13;
	v13 =	vadd.s32 v14, v18  }
0x1b7: {  	v14 =	vmul.f32 $1.000000050e-03, v22;
	v18 =	vmul.f32 $9.999999740e-05, v22;
	[tilespmem:s26+$0x440] =	vst v13;
	v13 =	vadd.s32 v19, v15  }
0x1b8: {  	v15 =	vtrunc.f32 v16;
	v16 =	vmul.f32 $9.999999740e-06, v22;
	[tilespmem:s26+$0x3C0] =	vst v13  }
0x1b9: {  	v13 =	vtrunc.f32 v20;
	v15 =	vcvt.f32.s32 v15;
	v19 =	vld [tilespmem:s22+$0x50]  }
0x1ba: {  	v14 =	vtrunc.f32 v14;
	v13 =	vcvt.f32.s32 v13  }
0x1bb: {  	v18 =	vtrunc.f32 v18;
	v14 =	vcvt.f32.s32 v14;
	v20 =	vmul.u32 $0xFFFFFFF6, v15  }
0x1bc: {  	v16 =	vtrunc.f32 v16;
	v18 =	vcvt.f32.s32 v18;
	v21 =	vmul.u32 $0xFFFFFFF6, v13  }
0x1bd: {  	v16 =	vcvt.f32.s32 v16;
	v22 =	vmul.u32 $0xFFFFFFF6, v14;
	v17 =	vadd.s32 v17, v20  }
0x1be: {  	[tilespmem:s26+$0x2B0] =	vst v17;
	v15 =	vadd.s32 v15, v21;
	v17 =	vmul.u32 $0xFFFFFFF6, v18;
	v20 =	vcvt.s32.f32 v19  }
0x1bf: {  	v13 =	vadd.s32 v13, v22;
	[tilespmem:s26+$0x230] =	vst v15;
	v15 =	vmul.u32 $0xFFFFFFF6, v16  }
0x1c0: {  	[tilespmem:s26+$0x1B0] =	vst v13;
	v13 =	vadd.s32 v14, v17;
	v14 =	vmul.f32 $1.000000010e-01, v20;
	v17 =	vmul.f32 $9.999999770e-03, v20  }
0x1c1: {  	v15 =	vadd.s32 v18, v15;
	[tilespmem:s26+$0x130] =	vst v13;
	v13 =	vmul.f32 $1.000000050e-03, v20;
	v18 =	vmul.f32 $9.999999740e-05, v20  }
0x1c2: {  	[tilespmem:s26+$0xB0] =	vst v15;
	v15 =	vmul.f32 $9.999999740e-06, v20;
	v14 =	vtrunc.f32 v14  }
0x1c3: {  	[tilespmem:s26+$0x30] =	vst v16;
	v16 =	vtrunc.f32 v17;
	v13 =	vtrunc.f32 v13  }
0x1c4: {  	v17 =	vld [tilespmem:s22+$0xFFFFFFC0];
	v18 =	vtrunc.f32 v18;
	v14 =	vcvt.f32.s32 v14  }
0x1c5: {  	v16 =	vcvt.f32.s32 v16;
	v15 =	vtrunc.f32 v15  }
0x1c6: {  	v13 =	vcvt.f32.s32 v13;
	v15 =	vcvt.f32.s32 v15;
	v20 =	vmul.u32 $0xFFFFFFF6, v14  }
0x1c7: {  	v18 =	vcvt.f32.s32 v18;
	v21 =	vmul.u32 $0xFFFFFFF6, v16  }
0x1c8: {  	[tilespmem:s26+$0x350] =	vst v15;
	v19 =	vadd.s32 v19, v20;
	v20 =	vmul.u32 $0xFFFFFFF6, v13  }
0x1c9: {  	v22 =	vcvt.s32.f32 v17;
	v14 =	vadd.s32 v14, v21;
	[tilespmem:s26+$0x5D0] =	vst v19;
	v19 =	vmul.u32 $0xFFFFFFF6, v18  }
0x1ca: {  	v15 =	vmul.u32 $0xFFFFFFF6, v15;
	[tilespmem:s26+$0x550] =	vst v14;
	v14 =	vadd.s32 v16, v20  }
0x1cb: {  	v16 =	vmul.f32 $1.000000010e-01, v22;
	[tilespmem:s26+$0x4D0] =	vst v14;
	v13 =	vadd.s32 v13, v19  }
0x1cc: {  	v20 =	vmul.f32 $9.999999770e-03, v22;
	v14 =	vmul.f32 $1.000000050e-03, v22;
	[tilespmem:s26+$0x450] =	vst v13;
	v13 =	vadd.s32 v18, v15  }
0x1cd: {  	v19 =	vmul.f32 $9.999999740e-05, v22;
	v15 =	vtrunc.f32 v16;
	[tilespmem:s26+$0x3D0] =	vst v13  }
0x1ce: {  	v16 =	vmul.f32 $9.999999740e-06, v22;
	v13 =	vtrunc.f32 v20;
	v18 =	vld [tilespmem:s22+$0x60]  }
0x1cf: {  	v14 =	vtrunc.f32 v14;
	v15 =	vcvt.f32.s32 v15  }
0x1d0: {  	v16 =	vtrunc.f32 v16;
	v13 =	vcvt.f32.s32 v13  }
0x1d1: {  	v14 =	vcvt.f32.s32 v14;
	v16 =	vcvt.f32.s32 v16;
	v20 =	vmul.u32 $0xFFFFFFF6, v15  }
0x1d2: {  	v19 =	vtrunc.f32 v19;
	v21 =	vmul.u32 $0xFFFFFFF6, v13  }
0x1d3: {  	v22 =	vmul.u32 $0xFFFFFFF6, v14;
	v17 =	vadd.s32 v17, v20;
	[tilespmem:s26+$0x40] =	vst v16;
	v20 =	vcvt.s32.f32 v18  }
0x1d4: {  	v19 =	vcvt.f32.s32 v19;
	v16 =	vmul.u32 $0xFFFFFFF6, v16;
	[tilespmem:s26+$0x2C0] =	vst v17;
	v15 =	vadd.s32 v15, v21  }
0x1d5: {  	v13 =	vadd.s32 v13, v22;
	[tilespmem:s26+$0x240] =	vst v15;
	v15 =	vmul.f32 $1.000000010e-01, v20;
	v17 =	vmul.f32 $9.999999770e-03, v20  }
0x1d6: {  	v23 =	vmul.u32 $0xFFFFFFF6, v19;
	[tilespmem:s26+$0x1C0] =	vst v13;
	v13 =	vmul.f32 $1.000000050e-03, v20;
	v21 =	vmul.f32 $9.999999740e-05, v20  }
0x1d7: {  	v16 =	vadd.s32 v19, v16;
	v19 =	vmul.f32 $9.999999740e-06, v20;
	v15 =	vtrunc.f32 v15  }
0x1d8: {  	v14 =	vadd.s32 v14, v23;
	[tilespmem:s26+$0xC0] =	vst v16;
	v16 =	vtrunc.f32 v17;
	v13 =	vtrunc.f32 v13  }
0x1d9: {  	[tilespmem:s26+$0x140] =	vst v14;
	v17 =	vtrunc.f32 v21;
	v15 =	vcvt.f32.s32 v15  }
0x1da: {  	s29 =	sadd.s32 $0x100, s22;
	v14 =	vld [tilespmem:s22+$0xFFFFFFD0];
	v19 =	vtrunc.f32 v19;
	v16 =	vcvt.f32.s32 v16  }
0x1db: {  	v27 =	vld [tilespmem:s29+$0xFFFFFF80];
	v13 =	vcvt.f32.s32 v13;
	v19 =	vcvt.f32.s32 v19;
	v20 =	vmul.u32 $0xFFFFFFF6, v15  }
0x1dc: {  	v17 =	vcvt.f32.s32 v17;
	v21 =	vmul.u32 $0xFFFFFFF6, v16  }
0x1dd: {  	[tilespmem:s26+$0x360] =	vst v19;
	v18 =	vadd.s32 v18, v20;
	v20 =	vmul.u32 $0xFFFFFFF6, v13  }
0x1de: {  	v15 =	vadd.s32 v15, v21;
	[tilespmem:s26+$0x5E0] =	vst v18;
	v18 =	vmul.u32 $0xFFFFFFF6, v17  }
0x1df: {  	v22 =	vcvt.s32.f32 v14;
	[tilespmem:s26+$0x560] =	vst v15;
	v15 =	vadd.s32 v16, v20;
	v16 =	vmul.u32 $0xFFFFFFF6, v19  }
0x1e0: {  	v32 =	vcvt.s32.f32 v27;
	[tilespmem:s26+$0x4E0] =	vst v15;
	v13 =	vadd.s32 v13, v18  }
0x1e1: {  	v19 =	vmul.f32 $1.000000010e-01, v22;
	v15 =	vmul.f32 $9.999999770e-03, v22;
	[tilespmem:s26+$0x460] =	vst v13;
	v13 =	vadd.s32 v17, v16  }
0x1e2: {  	v18 =	vmul.f32 $1.000000050e-03, v22;
	v16 =	vmul.f32 $9.999999740e-05, v22;
	[tilespmem:s26+$0x3E0] =	vst v13;
	v13 =	vld [tilespmem:s29+$0x0]  }
0x1e3: {  	v17 =	vtrunc.f32 v19;
	v19 =	vmul.f32 $9.999999740e-06, v22  }
0x1e4: {  	v20 =	vtrunc.f32 v15;
	v18 =	vtrunc.f32 v18;
	v15 =	vld [tilespmem:s22+$0x70]  }
0x1e5: {  	v22 =	vcvt.f32.s32 v17;
	v16 =	vtrunc.f32 v16  }
0x1e6: {  	v21 =	vtrunc.f32 v19;
	v19 =	vcvt.f32.s32 v18  }
0x1e7: {  	v18 =	vcvt.f32.s32 v16;
	v16 =	vcvt.s32.f32 v13  }
0x1e8: {  	v20 =	vcvt.f32.s32 v20;
	v21 =	vcvt.f32.s32 v21  }
0x1e9: {  	v17 =	vcvt.s32.f32 v15;
	v23 =	vmul.f32 $1.000000010e-01, v16  }
0x1ea: {  	v24 =	vmul.f32 $9.999999770e-03, v16;
	v25 =	vmul.f32 $1.000000050e-03, v16  }
0x1eb: {  	v26 =	vmul.f32 $9.999999740e-05, v16;
	v16 =	vmul.f32 $9.999999740e-06, v16  }
0x1ec: {  	v30 =	vmul.f32 $9.999999740e-06, v17;
	v34 =	vmul.f32 $9.999999740e-05, v17  }
0x1ed: {  	v23 =	vtrunc.f32 v23;
	v24 =	vtrunc.f32 v24  }
0x1ee: {  	v25 =	vtrunc.f32 v25;
	v23 =	vcvt.f32.s32 v23  }
0x1ef: {  	v26 =	vtrunc.f32 v26;
	v24 =	vcvt.f32.s32 v24  }
0x1f0: {  	v16 =	vtrunc.f32 v16;
	v25 =	vcvt.f32.s32 v25;
	v29 =	vmul.u32 $0xFFFFFFF6, v23  }
0x1f1: {  	v28 =	vcvt.f32.s32 v16;
	v16 =	vmul.f32 $1.000000010e-01, v17;
	v31 =	vmul.u32 $0xFFFFFFF6, v24  }
0x1f2: {  	s28 =	sadd.s32 $0x600, s26;
	v26 =	vcvt.f32.s32 v26;
	v13 =	vadd.s32 v13, v29;
	v29 =	vmul.u32 $0xFFFFFFF6, v25  }
0x1f3: {  	v30 =	vtrunc.f32 v30;
	v16 =	vtrunc.f32 v16;
	v23 =	vadd.s32 v23, v31;
	[tilespmem:s28+$0x580] =	vst v13  }
0x1f4: {  	v31 =	vmul.u32 $0xFFFFFFF6, v26;
	v13 =	vmul.f32 $9.999999770e-03, v17;
	[tilespmem:s28+$0x500] =	vst v23;
	v23 =	vadd.s32 v24, v29  }
0x1f5: {  	[tilespmem:s28+$0x300] =	vst v28;
	v24 =	vmul.u32 $0xFFFFFFF6, v28;
	v28 =	vmul.f32 $1.000000010e-01, v32;
	v29 =	vmul.f32 $9.999999770e-03, v32  }
0x1f6: {  	[tilespmem:s28+$0x480] =	vst v23;
	v23 =	vadd.s32 v25, v31;
	v25 =	vmul.f32 $1.000000050e-03, v32;
	v31 =	vmul.f32 $9.999999740e-05, v32  }
0x1f7: {  	[tilespmem:s28+$0x400] =	vst v23;
	v23 =	vadd.s32 v26, v24;
	v24 =	vtrunc.f32 v28;
	v26 =	vmul.f32 $9.999999740e-06, v32  }
0x1f8: {  	[tilespmem:s28+$0x380] =	vst v23;
	v23 =	vtrunc.f32 v29;
	v25 =	vtrunc.f32 v25  }
0x1f9: {  	v31 =	vtrunc.f32 v31;
	v24 =	vcvt.f32.s32 v24;
	v28 =	vld [tilespmem:s29+$0x10]  }
0x1fa: {  	v26 =	vtrunc.f32 v26;
	v23 =	vcvt.f32.s32 v23  }
0x1fb: {  	v25 =	vcvt.f32.s32 v25;
	v26 =	vcvt.f32.s32 v26;
	v33 =	vmul.u32 $0xFFFFFFF6, v24  }
0x1fc: {  	v17 =	vmul.f32 $1.000000050e-03, v17;
	v31 =	vcvt.f32.s32 v31;
	v35 =	vmul.u32 $0xFFFFFFF6, v23  }
0x1fd: {  	v48 =	vtrunc.f32 v13;
	v36 =	vmul.u32 $0xFFFFFFF6, v25;
	v27 =	vadd.s32 v27, v33;
	[tilespmem:s28+$0x0] =	vst v26  }
0x1fe: {  	v37 =	vmul.u32 $0xFFFFFFF6, v31;
	v24 =	vadd.s32 v24, v35;
	[tilespmem:s28+$0x280] =	vst v27;
	v51 =	vcvt.s32.f32 v28  }
0x1ff: {  	v17 =	vtrunc.f32 v17;
	v26 =	vmul.u32 $0xFFFFFFF6, v26;
	v23 =	vadd.s32 v23, v36;
	[tilespmem:s28+$0x200] =	vst v24  }
0x200: {  	v25 =	vadd.s32 v25, v37;
	[tilespmem:s28+$0x180] =	vst v23;
	v24 =	vmul.f32 $1.000000010e-01, v51;
	v27 =	vmul.f32 $9.999999770e-03, v51  }
0x201: {  	v26 =	vadd.s32 v31, v26;
	[tilespmem:s28+$0x100] =	vst v25;
	v23 =	vmul.f32 $1.000000050e-03, v51;
	v52 =	vmul.f32 $9.999999740e-05, v51  }
0x202: {  	v50 =	vmul.u32 $0xFFFFFFF6, v20;
	[tilespmem:s28+$0x80] =	vst v26;
	v25 =	vmul.f32 $9.999999740e-06, v51;
	v24 =	vtrunc.f32 v24  }
0x203: {  	v29 =	vmul.u32 $0xFFFFFFF6, v22;
	v53 =	vld [tilespmem:s29+$0xFFFFFF90];
	v26 =	vtrunc.f32 v27;
	v23 =	vtrunc.f32 v23  }
0x204: {  	v22 =	vadd.s32 v22, v50;
	v35 =	vtrunc.f32 v52;
	v24 =	vcvt.f32.s32 v24  }
0x205: {  	v29 =	vadd.s32 v14, v29;
	v14 =	vtrunc.f32 v25;
	v26 =	vcvt.f32.s32 v26  }
0x206: {  	[tilespmem:s26+$0x50] =	vst v21;
	v25 =	vcvt.f32.s32 v14;
	v35 =	vcvt.f32.s32 v35;
	v14 =	vmul.u32 $0xFFFFFFF6, v24  }
0x207: {  	[tilespmem:s26+$0x250] =	vst v22;
	v31 =	vmul.u32 $0xFFFFFFF6, v19;
	v23 =	vcvt.f32.s32 v23;
	v54 =	vmul.u32 $0xFFFFFFF6, v26  }
0x208: {  	[tilespmem:s28+$0x310] =	vst v25;
	v55 =	vcvt.s32.f32 v53;
	v56 =	vmul.u32 $0xFFFFFFF6, v35;
	v14 =	vadd.s32 v28, v14  }
0x209: {  	v20 =	vadd.s32 v20, v31;
	v25 =	vmul.u32 $0xFFFFFFF6, v25;
	v24 =	vadd.s32 v24, v54;
	[tilespmem:s28+$0x590] =	vst v14  }
0x20a: {  	v28 =	vmul.u32 $0xFFFFFFF6, v23;
	v23 =	vadd.s32 v23, v56;
	v57 =	vmul.f32 $9.999999740e-06, v55;
	[tilespmem:s28+$0x510] =	vst v24  }
0x20b: {  	v14 =	vcvt.f32.s32 v30;
	v30 =	vmul.f32 $1.000000050e-03, v55;
	[tilespmem:s28+$0x410] =	vst v23;
	v23 =	vadd.s32 v35, v25  }
0x20c: {  	v25 =	vmul.f32 $9.999999740e-05, v55;
	v24 =	vadd.s32 v26, v28;
	v28 =	vmul.f32 $1.000000010e-01, v55;
	[tilespmem:s28+$0x390] =	vst v23  }
0x20d: {  	v23 =	vmul.u32 $0xFFFFFFF6, v21;
	v22 =	vtrunc.f32 v57;
	[tilespmem:s28+$0x490] =	vst v24;
	v24 =	vmul.f32 $9.999999770e-03, v55  }
0x20e: {  	[tilespmem:s26+$0x2D0] =	vst v29;
	v27 =	vmul.u32 $0xFFFFFFF6, v18;
	v29 =	vtrunc.f32 v30;
	v21 =	vtrunc.f32 v28;
	v28 =	vld [tilespmem:s29+$0x20]  }
0x20f: {  	v25 =	vtrunc.f32 v25;
	v18 =	vadd.s32 v18, v23;
	v23 =	vcvt.f32.s32 v29  }
0x210: {  	[tilespmem:s26+$0x1D0] =	vst v20;
	v19 =	vadd.s32 v19, v27;
	v24 =	vtrunc.f32 v24;
	v21 =	vcvt.f32.s32 v21  }
0x211: {  	[tilespmem:s26+$0x150] =	vst v19;
	v19 =	vcvt.f32.s32 v22;
	v20 =	vcvt.f32.s32 v24  }
0x212: {  	v24 =	vcvt.f32.s32 v25;
	v25 =	vmul.u32 $0xFFFFFFF6, v23;
	v22 =	vmul.u32 $0xFFFFFFF6, v21  }
0x213: {  	[tilespmem:s26+$0xD0] =	vst v18;
	v30 =	vmul.u32 $0xFFFFFFF6, v19;
	v18 =	vmul.u32 $0xFFFFFFF6, v20;
	v27 =	vcvt.s32.f32 v28  }
0x214: {  	[tilespmem:s28+$0x10] =	vst v19;
	v29 =	vmul.u32 $0xFFFFFFF6, v24;
	v20 =	vadd.s32 v20, v25;
	v19 =	vadd.s32 v53, v22  }
0x215: {  	[tilespmem:s28+$0x190] =	vst v20;
	v18 =	vadd.s32 v21, v18;
	v21 =	vmul.f32 $1.000000010e-01, v27;
	v22 =	vmul.f32 $9.999999770e-03, v27  }
0x216: {  	v24 =	vadd.s32 v24, v30;
	[tilespmem:s28+$0x210] =	vst v18;
	v18 =	vmul.f32 $1.000000050e-03, v27;
	v25 =	vmul.f32 $9.999999740e-05, v27  }
0x217: {  	[tilespmem:s28+$0x90] =	vst v24;
	v20 =	vtrunc.f32 v21;
	v21 =	vmul.f32 $9.999999740e-06, v27  }
0x218: {  	[tilespmem:s28+$0x290] =	vst v19;
	v23 =	vadd.s32 v23, v29;
	v22 =	vtrunc.f32 v22;
	v18 =	vtrunc.f32 v18  }
0x219: {  	v19 =	vld [tilespmem:s22+$0xFFFFFFE0];
	[tilespmem:s28+$0x110] =	vst v23;
	v23 =	vtrunc.f32 v25;
	v20 =	vcvt.f32.s32 v20  }
0x21a: {  	v24 =	vld [tilespmem:s29+$0xFFFFFFA0];
	v22 =	vcvt.f32.s32 v22;
	v21 =	vtrunc.f32 v21  }
0x21b: {  	v25 =	vcvt.f32.s32 v18;
	v21 =	vcvt.f32.s32 v21;
	v27 =	vmul.u32 $0xFFFFFFF6, v20  }
0x21c: {  	v26 =	vtrunc.f32 v34;
	v23 =	vcvt.f32.s32 v23;
	v30 =	vmul.u32 $0xFFFFFFF6, v22  }
0x21d: {  	v18 =	vcvt.f32.s32 v26;
	v26 =	vadd.s32 v28, v27;
	v27 =	vmul.u32 $0xFFFFFFF6, v25;
	[tilespmem:s28+$0x320] =	vst v21  }
0x21e: {  	v29 =	vcvt.s32.f32 v19;
	v20 =	vadd.s32 v20, v30;
	[tilespmem:s28+$0x5A0] =	vst v26;
	v26 =	vmul.u32 $0xFFFFFFF6, v23  }
0x21f: {  	v30 =	vcvt.s32.f32 v24;
	v21 =	vmul.u32 $0xFFFFFFF6, v21;
	[tilespmem:s28+$0x520] =	vst v20;
	v20 =	vadd.s32 v22, v27  }
0x220: {  	v28 =	vmul.f32 $1.000000010e-01, v29;
	v22 =	vmul.f32 $9.999999770e-03, v29;
	[tilespmem:s28+$0x4A0] =	vst v20;
	v20 =	vadd.s32 v25, v26  }
0x221: {  	v25 =	vmul.f32 $1.000000010e-01, v30;
	v26 =	vmul.f32 $9.999999770e-03, v30;
	[tilespmem:s28+$0x420] =	vst v20;
	v20 =	vadd.s32 v23, v21  }
0x222: {  	v21 =	vmul.f32 $1.000000050e-03, v30;
	v23 =	vmul.f32 $9.999999740e-05, v30;
	[tilespmem:s28+$0x3A0] =	vst v20  }
0x223: {  	v20 =	vtrunc.f32 v25;
	v25 =	vmul.f32 $9.999999740e-06, v30;
	v30 =	vld [tilespmem:s29+$0x30]  }
0x224: {  	v26 =	vtrunc.f32 v26;
	v21 =	vtrunc.f32 v21  }
0x225: {  	v23 =	vtrunc.f32 v23;
	v20 =	vcvt.f32.s32 v20  }
0x226: {  	v26 =	vcvt.f32.s32 v26;
	v25 =	vtrunc.f32 v25  }
0x227: {  	v21 =	vcvt.f32.s32 v21;
	v23 =	vcvt.f32.s32 v23  }
0x228: {  	v25 =	vcvt.f32.s32 v25;
	v31 =	vmul.u32 $0xFFFFFFF6, v20;
	v58 =	vcvt.s32.f32 v30  }
0x229: {  	v59 =	vmul.u32 $0xFFFFFFF6, v26;
	v60 =	vmul.u32 $0xFFFFFFF6, v21;
	v61 =	vmul.u32 $0xFFFFFFF6, v23  }
0x22a: {  	v62 =	vmul.u32 $0xFFFFFFF6, v25;
	v63 =	vmul.f32 $1.000000010e-01, v58;
	v38 =	vmul.f32 $9.999999770e-03, v58  }
0x22b: {  	v24 =	vadd.s32 v24, v31;
	v31 =	vmul.f32 $1.000000050e-03, v58;
	v39 =	vmul.f32 $9.999999740e-05, v58  }
0x22c: {  	[tilespmem:s28+$0x20] =	vst v25;
	v20 =	vadd.s32 v20, v59;
	v32 =	vmul.f32 $9.999999740e-06, v58;
	v25 =	vtrunc.f32 v63  }
0x22d: {  	[tilespmem:s28+$0x2A0] =	vst v24;
	v24 =	vadd.s32 v26, v60;
	v26 =	vtrunc.f32 v38;
	v31 =	vtrunc.f32 v31  }
0x22e: {  	[tilespmem:s28+$0x220] =	vst v20;
	v20 =	vadd.s32 v21, v61;
	v21 =	vcvt.f32.s32 v25;
	v25 =	vtrunc.f32 v39  }
0x22f: {  	[tilespmem:s28+$0x1A0] =	vst v24;
	v23 =	vadd.s32 v23, v62;
	v24 =	vcvt.f32.s32 v26;
	v26 =	vtrunc.f32 v32  }
0x230: {  	[tilespmem:s28+$0x120] =	vst v20;
	v20 =	vcvt.f32.s32 v31;
	v26 =	vcvt.f32.s32 v26;
	v31 =	vmul.u32 $0xFFFFFFF6, v21  }
0x231: {  	v27 =	vmul.f32 $1.000000050e-03, v29;
	[tilespmem:s28+$0xA0] =	vst v23;
	v23 =	vcvt.f32.s32 v25;
	v25 =	vmul.u32 $0xFFFFFFF6, v24  }
0x232: {  	v28 =	vtrunc.f32 v28;
	[tilespmem:s28+$0x330] =	vst v26;
	v30 =	vadd.s32 v30, v31;
	v31 =	vmul.u32 $0xFFFFFFF6, v20  }
0x233: {  	v22 =	vtrunc.f32 v22;
	v40 =	vld [tilespmem:s29+$0xFFFFFFB0];
	v21 =	vadd.s32 v21, v25;
	v25 =	vmul.u32 $0xFFFFFFF6, v23;
	[tilespmem:s28+$0x5B0] =	vst v30  }
0x234: {  	v39 =	vmul.f32 $9.999999740e-05, v29;
	[tilespmem:s28+$0x530] =	vst v21;
	v21 =	vadd.s32 v24, v31;
	v24 =	vmul.u32 $0xFFFFFFF6, v26  }
0x235: {  	v22 =	vcvt.f32.s32 v22;
	v29 =	vmul.f32 $9.999999740e-06, v29;
	v20 =	vadd.s32 v20, v25;
	[tilespmem:s28+$0x4B0] =	vst v21  }
0x236: {  	v26 =	vtrunc.f32 v27;
	v27 =	vtrunc.f32 v39;
	[tilespmem:s28+$0x430] =	vst v20;
	v20 =	vadd.s32 v23, v24  }
0x237: {  	v25 =	vcvt.f32.s32 v28;
	v21 =	vtrunc.f32 v29;
	[tilespmem:s28+$0x3B0] =	vst v20  }
0x238: {  	v23 =	vcvt.s32.f32 v40;
	v20 =	vcvt.f32.s32 v26;
	v26 =	vld [tilespmem:s29+$0x40]  }
0x239: {  	v24 =	vcvt.f32.s32 v27;
	v21 =	vcvt.f32.s32 v21  }
0x23a: {  	v31 =	vmul.u32 $0xFFFFFFF6, v22;
	v27 =	vmul.f32 $1.000000010e-01, v23;
	v29 =	vmul.f32 $9.999999770e-03, v23  }
0x23b: {  	v28 =	vmul.u32 $0xFFFFFFF6, v25;
	v30 =	vmul.f32 $1.000000050e-03, v23;
	v41 =	vmul.f32 $9.999999740e-05, v23  }
0x23c: {  	v23 =	vmul.f32 $9.999999740e-06, v23;
	v43 =	vmul.u32 $0xFFFFFFF6, v24;
	v27 =	vtrunc.f32 v27  }
0x23d: {  	v45 =	vmul.u32 $0xFFFFFFF6, v21;
	v29 =	vtrunc.f32 v29;
	v44 =	vcvt.s32.f32 v26  }
0x23e: {  	v19 =	vadd.s32 v19, v28;
	v30 =	vtrunc.f32 v30;
	v32 =	vtrunc.f32 v41  }
0x23f: {  	[tilespmem:s26+$0x60] =	vst v21;
	v42 =	vmul.u32 $0xFFFFFFF6, v20;
	v21 =	vmul.f32 $1.000000010e-01, v44;
	v28 =	vmul.f32 $9.999999770e-03, v44  }
0x240: {  	[tilespmem:s26+$0x2E0] =	vst v19;
	v19 =	vadd.s32 v25, v31;
	v25 =	vmul.f32 $1.000000050e-03, v44;
	v31 =	vmul.f32 $9.999999740e-05, v44  }
0x241: {  	[tilespmem:s26+$0x260] =	vst v19;
	v19 =	vadd.s32 v22, v42;
	v22 =	vmul.f32 $9.999999740e-06, v44;
	v21 =	vtrunc.f32 v21  }
0x242: {  	[tilespmem:s26+$0x1E0] =	vst v19;
	v19 =	vadd.s32 v20, v43;
	v20 =	vtrunc.f32 v28;
	v25 =	vtrunc.f32 v25  }
0x243: {  	[tilespmem:s26+$0x160] =	vst v19;
	v19 =	vadd.s32 v24, v45;
	v24 =	vtrunc.f32 v31;
	v21 =	vcvt.f32.s32 v21  }
0x244: {  	[tilespmem:s26+$0xE0] =	vst v19;
	v19 =	vcvt.f32.s32 v20;
	v20 =	vtrunc.f32 v22  }
0x245: {  	v22 =	vld [tilespmem:s22+$0xFFFFFFF0];
	v25 =	vcvt.f32.s32 v25;
	v20 =	vcvt.f32.s32 v20;
	v28 =	vmul.u32 $0xFFFFFFF6, v21  }
0x246: {  	v23 =	vtrunc.f32 v23;
	v24 =	vcvt.f32.s32 v24;
	v31 =	vmul.u32 $0xFFFFFFF6, v19  }
0x247: {  	v27 =	vcvt.f32.s32 v27;
	[tilespmem:s28+$0x340] =	vst v20;
	v26 =	vadd.s32 v26, v28;
	v28 =	vmul.u32 $0xFFFFFFF6, v25  }
0x248: {  	v29 =	vcvt.f32.s32 v29;
	v21 =	vadd.s32 v21, v31;
	[tilespmem:s28+$0x5C0] =	vst v26;
	v26 =	vmul.u32 $0xFFFFFFF6, v24  }
0x249: {  	v23 =	vcvt.f32.s32 v23;
	v20 =	vmul.u32 $0xFFFFFFF6, v20;
	[tilespmem:s28+$0x540] =	vst v21;
	v19 =	vadd.s32 v19, v28  }
0x24a: {  	v31 =	vmul.u32 $0xFFFFFFF6, v27;
	[tilespmem:s28+$0x4C0] =	vst v19;
	v19 =	vadd.s32 v25, v26;
	v25 =	vcvt.s32.f32 v22  }
0x24b: {  	v30 =	vcvt.f32.s32 v30;
	v13 =	vmul.u32 $0xFFFFFFF6, v23;
	[tilespmem:s28+$0x440] =	vst v19;
	v19 =	vadd.s32 v24, v20  }
0x24c: {  	v21 =	vcvt.f32.s32 v32;
	v31 =	vadd.s32 v40, v31;
	[tilespmem:s28+$0x3C0] =	vst v19;
	v19 =	vmul.f32 $1.000000010e-01, v25  }
0x24d: {  	v26 =	vmul.u32 $0xFFFFFFF6, v30;
	v24 =	vmul.f32 $9.999999770e-03, v25;
	v46 =	vmul.f32 $1.000000050e-03, v25;
	v28 =	vld [tilespmem:s29+$0x50]  }
0x24e: {  	v20 =	vmul.u32 $0xFFFFFFF6, v29;
	v47 =	vmul.f32 $9.999999740e-05, v25;
	v25 =	vmul.f32 $9.999999740e-06, v25  }
0x24f: {  	v26 =	vadd.s32 v29, v26;
	v19 =	vtrunc.f32 v19;
	v24 =	vtrunc.f32 v24  }
0x250: {  	[tilespmem:s28+$0x30] =	vst v23;
	v20 =	vadd.s32 v27, v20;
	v27 =	vtrunc.f32 v46;
	v29 =	vtrunc.f32 v47  }
0x251: {  	[tilespmem:s28+$0x2B0] =	vst v31;
	v31 =	vmul.u32 $0xFFFFFFF6, v21;
	v25 =	vtrunc.f32 v25;
	v19 =	vcvt.f32.s32 v19  }
0x252: {  	v13 =	vadd.s32 v21, v13;
	[tilespmem:s28+$0x230] =	vst v20;
	v24 =	vcvt.f32.s32 v24;
	v20 =	vcvt.s32.f32 v28  }
0x253: {  	[tilespmem:s28+$0x1B0] =	vst v26;
	v26 =	vadd.s32 v30, v31;
	v27 =	vcvt.f32.s32 v27;
	v29 =	vcvt.f32.s32 v29  }
0x254: {  	v30 =	vmul.u32 $0xFFFFFFF6, v14;
	[tilespmem:s28+$0x130] =	vst v26;
	v21 =	vmul.f32 $1.000000010e-01, v20;
	v26 =	vmul.f32 $9.999999770e-03, v20  }
0x255: {  	[tilespmem:s28+$0xB0] =	vst v13;
	v13 =	vmul.f32 $1.000000050e-03, v20;
	v31 =	vmul.f32 $9.999999740e-05, v20  }
0x256: {  	v23 =	vadd.s32 v18, v30;
	v30 =	vld [tilespmem:s29+$0xFFFFFFC0];
	v20 =	vmul.f32 $9.999999740e-06, v20;
	v21 =	vtrunc.f32 v21  }
0x257: {  	v26 =	vtrunc.f32 v26;
	v49 =	vtrunc.f32 v13  }
0x258: {  	v13 =	vmul.u32 $0xFFFFFFF6, v18;
	v20 =	vtrunc.f32 v20;
	v18 =	vcvt.f32.s32 v21  }
0x259: {  	v21 =	vtrunc.f32 v31;
	v26 =	vcvt.f32.s32 v26  }
0x25a: {  	v33 =	vcvt.f32.s32 v49;
	v20 =	vcvt.f32.s32 v20;
	v50 =	vmul.u32 $0xFFFFFFF6, v18  }
0x25b: {  	v53 =	vcvt.s32.f32 v30;
	v21 =	vcvt.f32.s32 v21;
	v52 =	vmul.u32 $0xFFFFFFF6, v26  }
0x25c: {  	v51 =	vmul.u32 $0xFFFFFFF6, v24;
	v54 =	vmul.u32 $0xFFFFFFF6, v33;
	[tilespmem:s28+$0x350] =	vst v20;
	v28 =	vadd.s32 v28, v50  }
0x25d: {  	v55 =	vmul.f32 $1.000000010e-01, v53;
	v18 =	vadd.s32 v18, v52;
	[tilespmem:s28+$0x5D0] =	vst v28;
	v28 =	vmul.u32 $0xFFFFFFF6, v21  }
0x25e: {  	v56 =	vmul.f32 $1.000000050e-03, v53;
	v20 =	vmul.u32 $0xFFFFFFF6, v20;
	[tilespmem:s28+$0x550] =	vst v18;
	v18 =	vadd.s32 v26, v54  }
0x25f: {  	v31 =	vmul.u32 $0xFFFFFFF6, v19;
	v26 =	vmul.f32 $9.999999770e-03, v53;
	[tilespmem:s28+$0x4D0] =	vst v18;
	v18 =	vadd.s32 v33, v28  }
0x260: {  	v57 =	vtrunc.f32 v55;
	v28 =	vmul.f32 $9.999999740e-05, v53;
	[tilespmem:s28+$0x450] =	vst v18;
	v18 =	vadd.s32 v21, v20  }
0x261: {  	v26 =	vtrunc.f32 v26;
	v20 =	vmul.u32 $0xFFFFFFF6, v27;
	v21 =	vmul.f32 $9.999999740e-06, v53;
	[tilespmem:s28+$0x3D0] =	vst v18  }
0x262: {  	v18 =	vadd.s32 v22, v31;
	v22 =	vtrunc.f32 v56;
	v28 =	vtrunc.f32 v28;
	v31 =	vld [tilespmem:s29+$0x60]  }
0x263: {  	v58 =	vadd.s32 v19, v51;
	v19 =	vtrunc.f32 v21;
	v21 =	vcvt.f32.s32 v57  }
0x264: {  	v20 =	vadd.s32 v24, v20;
	v24 =	vcvt.f32.s32 v26;
	v22 =	vcvt.f32.s32 v22  }
0x265: {  	v26 =	vcvt.f32.s32 v28;
	v19 =	vcvt.f32.s32 v19;
	v28 =	vmul.u32 $0xFFFFFFF6, v21  }
0x266: {  	v25 =	vcvt.f32.s32 v25;
	v59 =	vmul.u32 $0xFFFFFFF6, v29;
	v60 =	vmul.u32 $0xFFFFFFF6, v24  }
0x267: {  	v61 =	vmul.u32 $0xFFFFFFF6, v22;
	[tilespmem:s28+$0x40] =	vst v19;
	v28 =	vadd.s32 v30, v28;
	v30 =	vcvt.s32.f32 v31  }
0x268: {  	v62 =	vmul.u32 $0xFFFFFFF6, v26;
	v19 =	vmul.u32 $0xFFFFFFF6, v19;
	v21 =	vadd.s32 v21, v60;
	[tilespmem:s28+$0x2C0] =	vst v28  }
0x269: {  	v24 =	vadd.s32 v24, v61;
	[tilespmem:s28+$0x240] =	vst v21;
	v21 =	vmul.f32 $1.000000010e-01, v30;
	v28 =	vmul.f32 $9.999999770e-03, v30  }
0x26a: {  	v22 =	vadd.s32 v22, v62;
	[tilespmem:s28+$0x1C0] =	vst v24;
	v24 =	vmul.f32 $1.000000050e-03, v30;
	v63 =	vmul.f32 $9.999999740e-05, v30  }
0x26b: {  	v19 =	vadd.s32 v26, v19;
	[tilespmem:s28+$0x140] =	vst v22;
	v22 =	vmul.f32 $9.999999740e-06, v30;
	v21 =	vtrunc.f32 v21  }
0x26c: {  	v26 =	vmul.u32 $0xFFFFFFF6, v25;
	[tilespmem:s28+$0xC0] =	vst v19;
	v28 =	vtrunc.f32 v28;
	v24 =	vtrunc.f32 v24  }
0x26d: {  	[tilespmem:s26+$0x370] =	vst v14;
	v27 =	vadd.s32 v27, v59;
	v19 =	vld [tilespmem:s29+$0xFFFFFFD0];
	v22 =	vtrunc.f32 v22;
	v14 =	vcvt.f32.s32 v21  }
0x26e: {  	[tilespmem:s26+$0x3F0] =	vst v23;
	v23 =	vadd.s32 v29, v26;
	v21 =	vtrunc.f32 v63;
	v26 =	vcvt.f32.s32 v28  }
0x26f: {  	[tilespmem:s26+$0x2F0] =	vst v18;
	v24 =	vcvt.f32.s32 v24;
	v18 =	vcvt.f32.s32 v22;
	v22 =	vmul.u32 $0xFFFFFFF6, v14  }
0x270: {  	[tilespmem:s26+$0x70] =	vst v25;
	v29 =	vcvt.f32.s32 v16;
	v21 =	vcvt.f32.s32 v21;
	v28 =	vmul.u32 $0xFFFFFFF6, v26  }
0x271: {  	v16 =	vcvt.f32.s32 v48;
	v30 =	vmul.u32 $0xFFFFFFF6, v24;
	[tilespmem:s28+$0x360] =	vst v18;
	v22 =	vadd.s32 v31, v22  }
0x272: {  	v31 =	vcvt.s32.f32 v19;
	v14 =	vadd.s32 v14, v28;
	[tilespmem:s28+$0x5E0] =	vst v22;
	v22 =	vmul.u32 $0xFFFFFFF6, v21  }
0x273: {  	[tilespmem:s28+$0x560] =	vst v14;
	v14 =	vadd.s32 v26, v30;
	v26 =	vmul.u32 $0xFFFFFFF6, v18;
	v18 =	vcvt.f32.s32 v17  }
0x274: {  	v17 =	vmul.f32 $1.000000010e-01, v31;
	v28 =	vmul.f32 $9.999999770e-03, v31;
	[tilespmem:s28+$0x4E0] =	vst v14;
	v14 =	vadd.s32 v24, v22  }
0x275: {  	v22 =	vmul.f32 $1.000000050e-03, v31;
	v24 =	vmul.f32 $9.999999740e-05, v31;
	[tilespmem:s28+$0x460] =	vst v14;
	v14 =	vadd.s32 v21, v26  }
0x276: {  	v30 =	vmul.u32 $0xFFFFFFF6, v16;
	v17 =	vtrunc.f32 v17;
	v21 =	vmul.f32 $9.999999740e-06, v31;
	[tilespmem:s28+$0x3E0] =	vst v14  }
0x277: {  	[tilespmem:s26+$0x1F0] =	vst v20;
	v20 =	vmul.u32 $0xFFFFFFF6, v18;
	v28 =	vtrunc.f32 v28;
	v22 =	vtrunc.f32 v22;
	v14 =	vld [tilespmem:s29+$0x70]  }
0x278: {  	[tilespmem:s26+$0xF0] =	vst v23;
	v26 =	vmul.u32 $0xFFFFFFF6, v29;
	v24 =	vtrunc.f32 v24;
	v23 =	vcvt.f32.s32 v17  }
0x279: {  	s0 =	smul.u32 $0xF000, s25;
	[tilespmem:s26+$0x270] =	vst v58;
	v25 =	vadd.s32 v29, v30;
	v17 =	vcvt.f32.s32 v28;
	v21 =	vtrunc.f32 v21  }
0x27a: {  	[tilespmem:s26+$0x170] =	vst v27;
	v26 =	vadd.s32 v15, v26;
	v22 =	vcvt.f32.s32 v22;
	v15 =	vcvt.f32.s32 v24  }
0x27b: {  	s0 =	sshra.s32 s0, $0x2;
	[tilespmem:s26+$0x570] =	vst v25;
	v24 =	vcvt.f32.s32 v21;
	v28 =	vmul.u32 $0xFFFFFFF6, v23;
	v27 =	vmul.u32 $0xFFFFFFF6, v17  }
0x27c: {  	s31 =	simm.s32 $0x2;
	s30 =	sadd.s32 $0xE400, s0;
	s0 =	sadd.s32 $0x100, s29;
	[tilespmem:s26+$0x5F0] =	vst v26;
	v26 =	vmul.u32 $0xFFFFFFF6, v22;
	v25 =	vmul.u32 $0xFFFFFFF6, v15;
	v21 =	vcvt.s32.f32 v14  }
.LBB2_7:
0x27d: {  	v29 =	vld [tilespmem:s0+$0x0];
	v19 =	vadd.s32 v19, v28;
	v23 =	vadd.s32 v23, v27;
	v27 =	vmul.u32 $0xFFFFFFF6, v24;
	[tilespmem:s28+$0x50] =	vst v24  }
0x27e: {  	v24 =	vld [tilespmem:s0+$0xFFFFFF80];
	[tilespmem:s28+$0x2D0] =	vst v19;
	v19 =	vadd.s32 v17, v26;
	v22 =	vadd.s32 v22, v25;
	v25 =	vmul.f32 $9.999999740e-06, v21  }
0x27f: {  	v17 =	vmul.f32 $1.000000010e-01, v21;
	[tilespmem:s28+$0x250] =	vst v23;
	v23 =	vadd.s32 v15, v27;
	v15 =	vmul.f32 $9.999999770e-03, v21  }
0x280: {  	v20 =	vadd.s32 v16, v20;
	[tilespmem:s28+$0x1D0] =	vst v19;
	v19 =	vmul.f32 $9.999999740e-05, v21;
	v25 =	vtrunc.f32 v25  }
0x281: {  	v13 =	vadd.s32 v18, v13;
	v16 =	vmul.f32 $1.000000050e-03, v21;
	[tilespmem:s28+$0x150] =	vst v22;
	v21 =	vcvt.f32.s32 v25  }
0x282: {  	v22 =	vcvt.s32.f32 v29;
	[tilespmem:s28+$0xD0] =	vst v23;
	v19 =	vtrunc.f32 v19  }
0x283: {  	v23 =	vcvt.s32.f32 v24;
	v18 =	vld [tilespmem:s29+$0xFFFFFFE0];
	v19 =	vcvt.f32.s32 v19;
	v25 =	vmul.u32 $0xFFFFFFF6, v21;
	[tilespmem:s26+$0x4F0] =	vst v20  }
0x284: {  	v20 =	vmul.f32 $1.000000010e-01, v22;
	v26 =	vmul.f32 $9.999999770e-03, v22;
	[tilespmem:s26+$0x470] =	vst v13;
	s26 =	smov.u32 s28  }
0x285: {  	v27 =	vmul.f32 $1.000000050e-03, v22;
	v28 =	vmul.f32 $9.999999740e-05, v22;
	v25 =	vadd.s32 v19, v25;
	[tilespmem:s28+$0x370] =	vst v21  }
0x286: {  	v21 =	vmul.f32 $9.999999740e-06, v22;
	v13 =	vmul.u32 $0xFFFFFFF6, v19;
	v20 =	vtrunc.f32 v20;
	[tilespmem:s28+$0x3F0] =	vst v25  }
0x287: {  	v19 =	vtrunc.f32 v26;
	v22 =	vtrunc.f32 v27  }
0x288: {  	v25 =	vtrunc.f32 v28;
	v20 =	vcvt.f32.s32 v20  }
0x289: {  	v19 =	vcvt.f32.s32 v19;
	v21 =	vtrunc.f32 v21  }
0x28a: {  	v22 =	vcvt.f32.s32 v22;
	v21 =	vcvt.f32.s32 v21;
	v26 =	vmul.u32 $0xFFFFFFF6, v20  }
0x28b: {  	v27 =	vmul.f32 $1.000000010e-01, v23;
	s28 =	sadd.s32 $0x600, s28;
	v25 =	vcvt.f32.s32 v25;
	v28 =	vmul.u32 $0xFFFFFFF6, v19  }
0x28c: {  	v30 =	vmul.f32 $9.999999770e-03, v23;
	v26 =	vadd.s32 v29, v26;
	v29 =	vmul.u32 $0xFFFFFFF6, v22;
	[tilespmem:s28+$0x300] =	vst v21  }
0x28d: {  	v31 =	vmul.f32 $1.000000050e-03, v23;
	v20 =	vadd.s32 v20, v28;
	[tilespmem:s28+$0x580] =	vst v26;
	v26 =	vmul.u32 $0xFFFFFFF6, v25  }
0x28e: {  	v28 =	vmul.f32 $9.999999740e-05, v23;
	v19 =	vadd.s32 v19, v29;
	[tilespmem:s28+$0x500] =	vst v20;
	v20 =	vmul.u32 $0xFFFFFFF6, v21  }
0x28f: {  	v23 =	vmul.f32 $9.999999740e-06, v23;
	v21 =	vtrunc.f32 v27;
	[tilespmem:s28+$0x480] =	vst v19;
	v19 =	vadd.s32 v22, v26  }
0x290: {  	v22 =	vtrunc.f32 v30;
	v26 =	vtrunc.f32 v31;
	[tilespmem:s28+$0x400] =	vst v19;
	v19 =	vadd.s32 v25, v20  }
0x291: {  	v23 =	vtrunc.f32 v23;
	v20 =	vtrunc.f32 v28;
	[tilespmem:s28+$0x380] =	vst v19  }
0x292: {  	v19 =	vcvt.f32.s32 v21;
	v21 =	vcvt.f32.s32 v22;
	v22 =	vld [tilespmem:s0+$0x10]  }
0x293: {  	v25 =	vcvt.f32.s32 v26;
	v20 =	vcvt.f32.s32 v20  }
0x294: {  	v23 =	vcvt.f32.s32 v23;
	v26 =	vmul.u32 $0xFFFFFFF6, v19;
	v27 =	vmul.u32 $0xFFFFFFF6, v21  }
0x295: {  	v30 =	vcvt.s32.f32 v18;
	v28 =	vmul.u32 $0xFFFFFFF6, v25;
	v29 =	vmul.u32 $0xFFFFFFF6, v20  }
0x296: {  	v24 =	vadd.s32 v24, v26;
	v19 =	vadd.s32 v19, v27;
	v26 =	vmul.u32 $0xFFFFFFF6, v23;
	[tilespmem:s28+$0x0] =	vst v23  }
0x297: {  	v21 =	vadd.s32 v21, v28;
	v23 =	vadd.s32 v25, v29;
	[tilespmem:s28+$0x280] =	vst v24;
	v24 =	vcvt.s32.f32 v22  }
0x298: {  	v25 =	vmul.f32 $9.999999770e-03, v30;
	[tilespmem:s28+$0x200] =	vst v19;
	v19 =	vadd.s32 v20, v26;
	v20 =	vmul.f32 $1.000000010e-01, v30  }
0x299: {  	[tilespmem:s28+$0x180] =	vst v21;
	v21 =	vmul.f32 $1.000000010e-01, v24;
	v26 =	vmul.f32 $9.999999770e-03, v24  }
0x29a: {  	v27 =	vmul.f32 $9.999999740e-05, v24;
	[tilespmem:s28+$0x100] =	vst v23;
	v23 =	vmul.f32 $1.000000050e-03, v24  }
0x29b: {  	[tilespmem:s28+$0x80] =	vst v19;
	v19 =	vtrunc.f32 v21;
	v21 =	vmul.f32 $9.999999740e-06, v24  }
0x29c: {  	v26 =	vtrunc.f32 v26;
	v24 =	vld [tilespmem:s0+$0xFFFFFF90];
	v23 =	vtrunc.f32 v23  }
0x29d: {  	v27 =	vtrunc.f32 v27;
	v19 =	vcvt.f32.s32 v19  }
0x29e: {  	v26 =	vcvt.f32.s32 v26;
	v21 =	vtrunc.f32 v21  }
0x29f: {  	v23 =	vcvt.f32.s32 v23;
	v21 =	vcvt.f32.s32 v21;
	v28 =	vmul.u32 $0xFFFFFFF6, v19  }
0x2a0: {  	s31 =	sadd.s32 $0x2, s31;
	v31 =	vmul.f32 $1.000000050e-03, v30;
	v27 =	vcvt.f32.s32 v27;
	v29 =	vmul.u32 $0xFFFFFFF6, v26  }
0x2a1: {  	p0 =	slt.u32 s31, $0x12;
	v22 =	vadd.s32 v22, v28;
	v28 =	vmul.u32 $0xFFFFFFF6, v23;
	v32 =	vcvt.s32.f32 v24;
	[tilespmem:s28+$0x310] =	vst v21  }
0x2a2: {  	v19 =	vadd.s32 v19, v29;
	v29 =	vmul.f32 $9.999999740e-05, v30;
	[tilespmem:s28+$0x590] =	vst v22;
	v22 =	vmul.u32 $0xFFFFFFF6, v27  }
0x2a3: {  	v21 =	vmul.u32 $0xFFFFFFF6, v21;
	v33 =	vmul.f32 $1.000000010e-01, v32;
	[tilespmem:s28+$0x510] =	vst v19;
	v19 =	vadd.s32 v26, v28  }
0x2a4: {  	v26 =	vmul.f32 $9.999999770e-03, v32;
	v28 =	vmul.f32 $1.000000050e-03, v32;
	[tilespmem:s28+$0x490] =	vst v19;
	v19 =	vadd.s32 v23, v22  }
0x2a5: {  	v22 =	vmul.f32 $9.999999740e-05, v32;
	v23 =	vmul.f32 $9.999999740e-06, v32;
	[tilespmem:s28+$0x410] =	vst v19;
	v19 =	vadd.s32 v27, v21  }
0x2a6: {  	v21 =	vtrunc.f32 v33;
	v26 =	vtrunc.f32 v26;
	[tilespmem:s28+$0x390] =	vst v19  }
0x2a7: {  	v19 =	vtrunc.f32 v28;
	v22 =	vtrunc.f32 v22;
	v27 =	vld [tilespmem:s0+$0x20]  }
0x2a8: {  	v21 =	vcvt.f32.s32 v21;
	v23 =	vtrunc.f32 v23  }
0x2a9: {  	v26 =	vcvt.f32.s32 v26;
	v19 =	vcvt.f32.s32 v19  }
0x2aa: {  	v22 =	vcvt.f32.s32 v22;
	v23 =	vcvt.f32.s32 v23;
	v28 =	vmul.u32 $0xFFFFFFF6, v21  }
0x2ab: {  	v30 =	vmul.f32 $9.999999740e-06, v30;
	v32 =	vmul.u32 $0xFFFFFFF6, v26;
	v33 =	vmul.u32 $0xFFFFFFF6, v19  }
0x2ac: {  	v34 =	vmul.u32 $0xFFFFFFF6, v22;
	v35 =	vmul.u32 $0xFFFFFFF6, v23;
	[tilespmem:s28+$0x10] =	vst v23;
	v23 =	vcvt.s32.f32 v27  }
0x2ad: {  	v24 =	vadd.s32 v24, v28;
	v21 =	vadd.s32 v21, v32;
	v26 =	vadd.s32 v26, v33  }
0x2ae: {  	v19 =	vadd.s32 v19, v34;
	[tilespmem:s28+$0x290] =	vst v24;
	v24 =	vmul.f32 $1.000000010e-01, v23;
	v28 =	vmul.f32 $9.999999770e-03, v23  }
0x2af: {  	v32 =	vmul.f32 $9.999999740e-05, v23;
	[tilespmem:s28+$0x210] =	vst v21;
	v21 =	vadd.s32 v22, v35;
	v22 =	vmul.f32 $1.000000050e-03, v23  }
0x2b0: {  	v23 =	vmul.f32 $9.999999740e-06, v23;
	[tilespmem:s28+$0x190] =	vst v26;
	v24 =	vtrunc.f32 v24  }
0x2b1: {  	[tilespmem:s28+$0x110] =	vst v19;
	v19 =	vtrunc.f32 v28;
	v22 =	vtrunc.f32 v22  }
0x2b2: {  	[tilespmem:s28+$0x90] =	vst v21;
	v21 =	vcvt.f32.s32 v24;
	v24 =	vtrunc.f32 v32  }
0x2b3: {  	v23 =	vtrunc.f32 v23;
	v19 =	vcvt.f32.s32 v19;
	v26 =	vld [tilespmem:s0+$0xFFFFFFA0]  }
0x2b4: {  	v22 =	vcvt.f32.s32 v22;
	v23 =	vcvt.f32.s32 v23;
	v28 =	vmul.u32 $0xFFFFFFF6, v21  }
0x2b5: {  	v20 =	vtrunc.f32 v20;
	v24 =	vcvt.f32.s32 v24;
	v32 =	vmul.u32 $0xFFFFFFF6, v19  }
0x2b6: {  	v25 =	vtrunc.f32 v25;
	v27 =	vadd.s32 v27, v28;
	v28 =	vmul.u32 $0xFFFFFFF6, v22;
	[tilespmem:s28+$0x320] =	vst v23  }
0x2b7: {  	v31 =	vtrunc.f32 v31;
	v21 =	vadd.s32 v21, v32;
	[tilespmem:s28+$0x5A0] =	vst v27;
	v27 =	vmul.u32 $0xFFFFFFF6, v24  }
0x2b8: {  	v32 =	vcvt.s32.f32 v26;
	[tilespmem:s28+$0x520] =	vst v21;
	v19 =	vadd.s32 v19, v28;
	v21 =	vmul.u32 $0xFFFFFFF6, v23  }
0x2b9: {  	v23 =	vtrunc.f32 v30;
	[tilespmem:s28+$0x4A0] =	vst v19;
	v19 =	vadd.s32 v22, v27;
	v22 =	vtrunc.f32 v29  }
0x2ba: {  	v27 =	vmul.f32 $1.000000010e-01, v32;
	v28 =	vmul.f32 $9.999999770e-03, v32;
	[tilespmem:s28+$0x420] =	vst v19;
	v19 =	vadd.s32 v24, v21  }
0x2bb: {  	v21 =	vmul.f32 $1.000000050e-03, v32;
	v24 =	vmul.f32 $9.999999740e-05, v32;
	[tilespmem:s28+$0x3A0] =	vst v19  }
0x2bc: {  	v19 =	vtrunc.f32 v27;
	v27 =	vmul.f32 $9.999999740e-06, v32;
	v29 =	vld [tilespmem:s0+$0x30]  }
0x2bd: {  	v28 =	vtrunc.f32 v28;
	v21 =	vtrunc.f32 v21  }
0x2be: {  	v24 =	vtrunc.f32 v24;
	v27 =	vtrunc.f32 v27  }
0x2bf: {  	v19 =	vcvt.f32.s32 v19;
	v28 =	vcvt.f32.s32 v28  }
0x2c0: {  	v21 =	vcvt.f32.s32 v21;
	v24 =	vcvt.f32.s32 v24  }
0x2c1: {  	v27 =	vcvt.f32.s32 v27;
	v30 =	vmul.u32 $0xFFFFFFF6, v19;
	v32 =	vcvt.s32.f32 v29  }
0x2c2: {  	v33 =	vmul.u32 $0xFFFFFFF6, v28;
	v34 =	vmul.u32 $0xFFFFFFF6, v21;
	v35 =	vmul.u32 $0xFFFFFFF6, v24  }
0x2c3: {  	v36 =	vmul.u32 $0xFFFFFFF6, v27;
	[tilespmem:s28+$0x20] =	vst v27;
	v27 =	vmul.f32 $1.000000010e-01, v32;
	v37 =	vmul.f32 $9.999999770e-03, v32  }
0x2c4: {  	v26 =	vadd.s32 v26, v30;
	v30 =	vmul.f32 $1.000000050e-03, v32;
	v38 =	vmul.f32 $9.999999740e-05, v32  }
0x2c5: {  	v19 =	vadd.s32 v19, v33;
	[tilespmem:s28+$0x2A0] =	vst v26;
	v26 =	vtrunc.f32 v27;
	v27 =	vmul.f32 $9.999999740e-06, v32  }
0x2c6: {  	v30 =	vtrunc.f32 v30;
	[tilespmem:s28+$0x220] =	vst v19;
	v19 =	vadd.s32 v28, v34;
	v28 =	vtrunc.f32 v37  }
0x2c7: {  	[tilespmem:s28+$0x1A0] =	vst v19;
	v19 =	vadd.s32 v21, v35;
	v21 =	vcvt.f32.s32 v26;
	v26 =	vtrunc.f32 v38  }
0x2c8: {  	v27 =	vtrunc.f32 v27;
	[tilespmem:s28+$0x120] =	vst v19;
	v19 =	vadd.s32 v24, v36;
	v24 =	vcvt.f32.s32 v28  }
0x2c9: {  	v27 =	vcvt.f32.s32 v27;
	[tilespmem:s28+$0xA0] =	vst v19;
	v19 =	vcvt.f32.s32 v30;
	v28 =	vmul.u32 $0xFFFFFFF6, v21  }
0x2ca: {  	v20 =	vcvt.f32.s32 v20;
	v26 =	vcvt.f32.s32 v26;
	v30 =	vld [tilespmem:s0+$0xFFFFFFB0];
	v32 =	vmul.u32 $0xFFFFFFF6, v24  }
0x2cb: {  	v25 =	vcvt.f32.s32 v25;
	v28 =	vadd.s32 v29, v28;
	v29 =	vmul.u32 $0xFFFFFFF6, v19;
	[tilespmem:s28+$0x330] =	vst v27  }
0x2cc: {  	v31 =	vcvt.f32.s32 v31;
	[tilespmem:s28+$0x5B0] =	vst v28;
	v21 =	vadd.s32 v21, v32;
	v28 =	vmul.u32 $0xFFFFFFF6, v26  }
0x2cd: {  	v22 =	vcvt.f32.s32 v22;
	[tilespmem:s28+$0x530] =	vst v21;
	v21 =	vadd.s32 v24, v29;
	v24 =	vmul.u32 $0xFFFFFFF6, v27  }
0x2ce: {  	[tilespmem:s28+$0x4B0] =	vst v21;
	v19 =	vadd.s32 v19, v28;
	v21 =	vcvt.f32.s32 v23;
	v23 =	vmul.u32 $0xFFFFFFF6, v20  }
0x2cf: {  	v27 =	vcvt.s32.f32 v30;
	[tilespmem:s28+$0x430] =	vst v19;
	v19 =	vadd.s32 v26, v24;
	v24 =	vmul.u32 $0xFFFFFFF6, v25  }
0x2d0: {  	v26 =	vmul.u32 $0xFFFFFFF6, v22;
	[tilespmem:s28+$0x3B0] =	vst v19;
	v19 =	vmul.u32 $0xFFFFFFF6, v31;
	v28 =	vmul.u32 $0xFFFFFFF6, v21  }
0x2d1: {  	v18 =	vadd.s32 v18, v23;
	v29 =	vmul.f32 $1.000000010e-01, v27;
	v32 =	vmul.f32 $9.999999770e-03, v27;
	v33 =	vld [tilespmem:s0+$0x40];
	[tilespmem:s26+$0x60] =	vst v21  }
0x2d2: {  	v21 =	vmul.f32 $1.000000050e-03, v27;
	v23 =	vmul.f32 $9.999999740e-05, v27;
	[tilespmem:s26+$0x2E0] =	vst v18;
	v18 =	vadd.s32 v20, v24  }
0x2d3: {  	v24 =	vmul.f32 $9.999999740e-06, v27;
	v20 =	vtrunc.f32 v29;
	[tilespmem:s26+$0x260] =	vst v18;
	v18 =	vadd.s32 v25, v19  }
0x2d4: {  	v19 =	vtrunc.f32 v32;
	v21 =	vtrunc.f32 v21;
	[tilespmem:s26+$0x1E0] =	vst v18;
	v18 =	vadd.s32 v31, v26  }
0x2d5: {  	v23 =	vtrunc.f32 v23;
	v24 =	vtrunc.f32 v24;
	[tilespmem:s26+$0x160] =	vst v18;
	v18 =	vadd.s32 v22, v28  }
0x2d6: {  	v20 =	vcvt.f32.s32 v20;
	v22 =	vcvt.s32.f32 v33;
	[tilespmem:s26+$0xE0] =	vst v18  }
0x2d7: {  	v18 =	vcvt.f32.s32 v19;
	v19 =	vcvt.f32.s32 v21;
	v21 =	vld [tilespmem:s29+$0xFFFFFFF0];
	s29 =	smov.u32 s0  }
0x2d8: {  	v25 =	vmul.u32 $0xFFFFFFF6, v20;
	v26 =	vmul.f32 $1.000000010e-01, v22;
	v27 =	vmul.f32 $9.999999770e-03, v22  }
0x2d9: {  	v28 =	vmul.u32 $0xFFFFFFF6, v18;
	v29 =	vmul.f32 $1.000000050e-03, v22;
	v31 =	vmul.f32 $9.999999740e-05, v22  }
0x2da: {  	v32 =	vmul.u32 $0xFFFFFFF6, v19;
	v22 =	vmul.f32 $9.999999740e-06, v22;
	v26 =	vtrunc.f32 v26  }
0x2db: {  	v25 =	vadd.s32 v30, v25;
	v27 =	vtrunc.f32 v27;
	v29 =	vtrunc.f32 v29  }
0x2dc: {  	v20 =	vadd.s32 v20, v28;
	[tilespmem:s28+$0x2B0] =	vst v25;
	v25 =	vcvt.f32.s32 v26;
	v26 =	vtrunc.f32 v31  }
0x2dd: {  	v18 =	vadd.s32 v18, v32;
	v22 =	vtrunc.f32 v22;
	[tilespmem:s28+$0x230] =	vst v20;
	v20 =	vcvt.f32.s32 v27  }
0x2de: {  	v22 =	vcvt.f32.s32 v22;
	[tilespmem:s28+$0x1B0] =	vst v18;
	v18 =	vcvt.f32.s32 v29;
	v27 =	vmul.u32 $0xFFFFFFF6, v25  }
0x2df: {  	v23 =	vcvt.f32.s32 v23;
	v26 =	vcvt.f32.s32 v26;
	v28 =	vmul.u32 $0xFFFFFFF6, v20  }
0x2e0: {  	v24 =	vcvt.f32.s32 v24;
	v27 =	vadd.s32 v33, v27;
	v29 =	vmul.u32 $0xFFFFFFF6, v18;
	[tilespmem:s28+$0x340] =	vst v22  }
0x2e1: {  	v30 =	vmul.u32 $0xFFFFFFF6, v23;
	[tilespmem:s28+$0x5C0] =	vst v27;
	v25 =	vadd.s32 v25, v28;
	v27 =	vmul.u32 $0xFFFFFFF6, v26  }
0x2e2: {  	v22 =	vmul.u32 $0xFFFFFFF6, v22;
	v28 =	vmul.u32 $0xFFFFFFF6, v24;
	[tilespmem:s28+$0x540] =	vst v25;
	v20 =	vadd.s32 v20, v29  }
0x2e3: {  	v19 =	vadd.s32 v19, v30;
	[tilespmem:s28+$0x4C0] =	vst v20;
	v18 =	vadd.s32 v18, v27;
	v20 =	vcvt.s32.f32 v21  }
0x2e4: {  	v17 =	vtrunc.f32 v17;
	v23 =	vadd.s32 v23, v28;
	[tilespmem:s28+$0x440] =	vst v18;
	v18 =	vadd.s32 v26, v22  }
0x2e5: {  	[tilespmem:s28+$0x3C0] =	vst v18;
	v18 =	vmul.f32 $1.000000010e-01, v20;
	v22 =	vmul.f32 $9.999999770e-03, v20  }
0x2e6: {  	v25 =	vmul.f32 $1.000000050e-03, v20;
	v26 =	vmul.f32 $9.999999740e-05, v20;
	[tilespmem:s28+$0x130] =	vst v19;
	v19 =	vld [tilespmem:s0+$0x50]  }
0x2e7: {  	[tilespmem:s28+$0xB0] =	vst v23;
	v23 =	vtrunc.f32 v18;
	v18 =	vmul.f32 $9.999999740e-06, v20  }
0x2e8: {  	v20 =	vtrunc.f32 v22;
	v22 =	vtrunc.f32 v25;
	[tilespmem:s28+$0x30] =	vst v24  }
0x2e9: {  	v25 =	vtrunc.f32 v26;
	v24 =	vld [tilespmem:s0+$0xFFFFFFC0];
	v26 =	vtrunc.f32 v18  }
0x2ea: {  	v18 =	vtrunc.f32 v15;
	v15 =	vtrunc.f32 v16  }
0x2eb: {  	v23 =	vcvt.f32.s32 v23;
	v16 =	vcvt.s32.f32 v19  }
0x2ec: {  	v20 =	vcvt.f32.s32 v20;
	v22 =	vcvt.f32.s32 v22  }
0x2ed: {  	v29 =	vmul.u32 $0xFFFFFFF6, v23;
	v27 =	vmul.f32 $1.000000010e-01, v16;
	v28 =	vmul.f32 $9.999999770e-03, v16  }
0x2ee: {  	v32 =	vmul.u32 $0xFFFFFFF6, v20;
	v30 =	vmul.f32 $1.000000050e-03, v16;
	v31 =	vmul.f32 $9.999999740e-05, v16  }
0x2ef: {  	v33 =	vmul.u32 $0xFFFFFFF6, v22;
	v16 =	vmul.f32 $9.999999740e-06, v16;
	v27 =	vtrunc.f32 v27  }
0x2f0: {  	v21 =	vadd.s32 v21, v29;
	v28 =	vtrunc.f32 v28;
	v30 =	vtrunc.f32 v30  }
0x2f1: {  	v29 =	vtrunc.f32 v31;
	v27 =	vcvt.f32.s32 v27;
	[tilespmem:s26+$0x2F0] =	vst v21;
	v21 =	vadd.s32 v23, v32  }
0x2f2: {  	v20 =	vadd.s32 v20, v33;
	v16 =	vtrunc.f32 v16;
	v23 =	vcvt.f32.s32 v28;
	[tilespmem:s26+$0x270] =	vst v21  }
0x2f3: {  	v16 =	vcvt.f32.s32 v16;
	v21 =	vcvt.f32.s32 v30;
	v28 =	vmul.u32 $0xFFFFFFF6, v27;
	[tilespmem:s26+$0x1F0] =	vst v20  }
0x2f4: {  	v29 =	vcvt.f32.s32 v29;
	v20 =	vcvt.s32.f32 v24;
	v30 =	vmul.u32 $0xFFFFFFF6, v23  }
0x2f5: {  	v25 =	vcvt.f32.s32 v25;
	v19 =	vadd.s32 v19, v28;
	v28 =	vmul.u32 $0xFFFFFFF6, v21;
	[tilespmem:s28+$0x350] =	vst v16  }
0x2f6: {  	v31 =	vmul.f32 $1.000000010e-01, v20;
	[tilespmem:s28+$0x5D0] =	vst v19;
	v19 =	vadd.s32 v27, v30;
	v27 =	vmul.u32 $0xFFFFFFF6, v29  }
0x2f7: {  	v16 =	vmul.u32 $0xFFFFFFF6, v16;
	v30 =	vmul.f32 $9.999999770e-03, v20;
	[tilespmem:s28+$0x550] =	vst v19;
	v19 =	vadd.s32 v23, v28  }
0x2f8: {  	v23 =	vmul.f32 $1.000000050e-03, v20;
	v28 =	vmul.f32 $9.999999740e-05, v20;
	[tilespmem:s28+$0x4D0] =	vst v19;
	v19 =	vadd.s32 v21, v27  }
0x2f9: {  	v20 =	vmul.f32 $9.999999740e-06, v20;
	v16 =	vadd.s32 v29, v16;
	v21 =	vtrunc.f32 v31;
	[tilespmem:s28+$0x450] =	vst v19  }
0x2fa: {  	v19 =	vtrunc.f32 v30;
	v23 =	vtrunc.f32 v23;
	[tilespmem:s28+$0x3D0] =	vst v16;
	v16 =	vmul.u32 $0xFFFFFFF6, v25  }
0x2fb: {  	v27 =	vtrunc.f32 v28;
	v20 =	vtrunc.f32 v20;
	v28 =	vld [tilespmem:s0+$0x60]  }
0x2fc: {  	v21 =	vcvt.f32.s32 v21;
	v19 =	vcvt.f32.s32 v19;
	v16 =	vadd.s32 v22, v16  }
0x2fd: {  	v22 =	vcvt.f32.s32 v23;
	v23 =	vcvt.f32.s32 v27;
	[tilespmem:s26+$0x170] =	vst v16  }
0x2fe: {  	v27 =	vmul.u32 $0xFFFFFFF6, v19;
	v16 =	vcvt.f32.s32 v20;
	v20 =	vmul.u32 $0xFFFFFFF6, v21  }
0x2ff: {  	v26 =	vcvt.f32.s32 v26;
	v29 =	vmul.u32 $0xFFFFFFF6, v22;
	v30 =	vmul.u32 $0xFFFFFFF6, v23  }
0x300: {  	v20 =	vadd.s32 v24, v20;
	v24 =	vmul.u32 $0xFFFFFFF6, v16;
	[tilespmem:s28+$0x40] =	vst v16;
	v16 =	vcvt.s32.f32 v28  }
0x301: {  	v19 =	vadd.s32 v19, v29;
	[tilespmem:s28+$0x2C0] =	vst v20;
	v20 =	vadd.s32 v21, v27;
	v21 =	vadd.s32 v22, v30  }
0x302: {  	[tilespmem:s28+$0x240] =	vst v20;
	v20 =	vadd.s32 v23, v24;
	v22 =	vmul.f32 $1.000000010e-01, v16;
	v23 =	vmul.f32 $9.999999770e-03, v16  }
0x303: {  	v27 =	vmul.u32 $0xFFFFFFF6, v26;
	v24 =	vmul.f32 $9.999999740e-05, v16;
	[tilespmem:s28+$0x1C0] =	vst v19;
	v19 =	vmul.f32 $1.000000050e-03, v16  }
0x304: {  	v16 =	vmul.f32 $9.999999740e-06, v16;
	[tilespmem:s28+$0x140] =	vst v21;
	v21 =	vtrunc.f32 v22  }
0x305: {  	[tilespmem:s28+$0xC0] =	vst v20;
	v20 =	vtrunc.f32 v23;
	v22 =	vtrunc.f32 v19;
	v23 =	vadd.s32 v25, v27  }
0x306: {  	v24 =	vtrunc.f32 v24;
	v21 =	vcvt.f32.s32 v21;
	v19 =	vld [tilespmem:s0+$0xFFFFFFD0];
	[tilespmem:s26+$0xF0] =	vst v23  }
0x307: {  	v16 =	vtrunc.f32 v16;
	v20 =	vcvt.f32.s32 v20;
	[tilespmem:s26+$0x70] =	vst v26  }
0x308: {  	v22 =	vcvt.f32.s32 v22;
	v23 =	vcvt.f32.s32 v16;
	v16 =	vmul.u32 $0xFFFFFFF6, v21  }
0x309: {  	v24 =	vcvt.f32.s32 v24;
	v26 =	vcvt.f32.s32 v17;
	v25 =	vmul.u32 $0xFFFFFFF6, v20  }
0x30a: {  	v27 =	vmul.u32 $0xFFFFFFF6, v22;
	v17 =	vadd.s32 v28, v16;
	v16 =	vcvt.f32.s32 v18;
	[tilespmem:s28+$0x360] =	vst v23  }
0x30b: {  	v28 =	vcvt.s32.f32 v19;
	[tilespmem:s28+$0x5E0] =	vst v17;
	v17 =	vadd.s32 v21, v25;
	v21 =	vmul.u32 $0xFFFFFFF6, v24  }
0x30c: {  	v18 =	vcvt.f32.s32 v15;
	[tilespmem:s28+$0x560] =	vst v17;
	v17 =	vadd.s32 v20, v27;
	v20 =	vmul.u32 $0xFFFFFFF6, v23  }
0x30d: {  	v15 =	vmul.f32 $1.000000010e-01, v28;
	v23 =	vmul.f32 $9.999999770e-03, v28;
	[tilespmem:s28+$0x4E0] =	vst v17;
	v17 =	vadd.s32 v22, v21  }
0x30e: {  	v21 =	vmul.f32 $1.000000050e-03, v28;
	v22 =	vmul.f32 $9.999999740e-05, v28;
	[tilespmem:s28+$0x460] =	vst v17;
	v17 =	vadd.s32 v24, v20  }
0x30f: {  	v20 =	vmul.f32 $9.999999740e-06, v28;
	v24 =	vmul.u32 $0xFFFFFFF6, v26;
	v15 =	vtrunc.f32 v15;
	[tilespmem:s28+$0x3E0] =	vst v17  }
0x310: {  	v25 =	vmul.u32 $0xFFFFFFF6, v16;
	v17 =	vtrunc.f32 v23;
	v21 =	vtrunc.f32 v21;
	v29 =	vld [tilespmem:s0+$0x70]  }
.Ltmp1:
0x311: {  	v27 =	vtrunc.f32 v22;
	v28 =	vtrunc.f32 v20;
	v20 =	vmul.u32 $0xFFFFFFF6, v18;
	(pc) =	sbr.rel @p0 .LBB2_7-.Ltmp1, $4  }
0x312: {  	v23 =	vcvt.f32.s32 v15;
	v17 =	vcvt.f32.s32 v17;
	v14 =	vadd.s32 v14, v24  }
0x313: {  	v30 =	vadd.s32 v26, v25;
	v22 =	vcvt.f32.s32 v21;
	v15 =	vcvt.f32.s32 v27;
	[tilespmem:s26+$0x5F0] =	vst v14  }
0x314: {  	v24 =	vcvt.f32.s32 v28;
	v28 =	vmul.u32 $0xFFFFFFF6, v23;
	v27 =	vmul.u32 $0xFFFFFFF6, v17;
	[tilespmem:s26+$0x570] =	vst v30  }
0x315: {  	s0 =	sadd.s32 $0x100, s0;
	v26 =	vmul.u32 $0xFFFFFFF6, v22;
	v25 =	vmul.u32 $0xFFFFFFF6, v15;
	v21 =	vcvt.s32.f32 v29;
	v14 =	vmovc v29  }
0x316: {  	v19 =	vadd.s32 v19, v28;
	[tilespmem:s28+$0x50] =	vst v24  }
0x317: {  	v23 =	vadd.s32 v23, v27;
	[tilespmem:s28+$0x2D0] =	vst v19  }
0x318: {  	v29 =	vmul.u32 $0xFFFFFFF6, v24;
	v17 =	vadd.s32 v17, v26;
	[tilespmem:s28+$0x250] =	vst v23  }
0x319: {  	v22 =	vadd.s32 v22, v25;
	[tilespmem:s28+$0x1D0] =	vst v17  }
0x31a: {  	v15 =	vadd.s32 v15, v29;
	[tilespmem:s28+$0x150] =	vst v22  }
0x31b: {  	[tilespmem:s28+$0xD0] =	vst v15  }
0x31c: {  	v15 =	vld [tilespmem:s29+$0xFFFFFFE0];
	_ =	sdelay $0x4  }
0x31d: {  	v30 =	vcvt.s32.f32 v15;
	_ =	sdelay $0x1  }
0x31e: {  	v31 =	vmul.f32 $1.000000010e-01, v30;
	v32 =	vmul.f32 $9.999999770e-03, v30  }
0x31f: {  	v33 =	vmul.f32 $1.000000050e-03, v30;
	v34 =	vmul.f32 $9.999999740e-05, v30  }
0x320: {  	v17 =	vmul.f32 $9.999999740e-06, v30;
	v19 =	vtrunc.f32 v31  }
0x321: {  	v22 =	vtrunc.f32 v32;
	v23 =	vtrunc.f32 v33  }
0x322: {  	v24 =	vtrunc.f32 v34;
	v19 =	vcvt.f32.s32 v19  }
0x323: {  	v17 =	vtrunc.f32 v17;
	v22 =	vcvt.f32.s32 v22  }
0x324: {  	v23 =	vcvt.f32.s32 v23;
	v17 =	vcvt.f32.s32 v17;
	v35 =	vmul.u32 $0xFFFFFFF6, v19  }
0x325: {  	v24 =	vcvt.f32.s32 v24;
	v36 =	vmul.u32 $0xFFFFFFF6, v22  }
0x326: {  	v37 =	vmul.u32 $0xFFFFFFF6, v23;
	[tilespmem:s28+$0x60] =	vst v17;
	v15 =	vadd.s32 v15, v35  }
0x327: {  	v38 =	vmul.u32 $0xFFFFFFF6, v24;
	[tilespmem:s28+$0x2E0] =	vst v15;
	v15 =	vadd.s32 v19, v36  }
0x328: {  	v17 =	vmul.u32 $0xFFFFFFF6, v17;
	[tilespmem:s28+$0x260] =	vst v15;
	v15 =	vadd.s32 v22, v37  }
0x329: {  	[tilespmem:s28+$0x1E0] =	vst v15;
	v15 =	vadd.s32 v23, v38  }
0x32a: {  	[tilespmem:s28+$0x160] =	vst v15;
	v15 =	vadd.s32 v24, v17  }
0x32b: {  	[tilespmem:s28+$0xE0] =	vst v15  }
0x32c: {  	v15 =	vld [tilespmem:s29+$0xFFFFFFF0];
	_ =	sdelay $0x2  }
0x32d: {  	v39 =	vmul.f32 $9.999999740e-06, v21;
	v40 =	vmul.f32 $1.000000010e-01, v21  }
0x32e: {  	v41 =	vmul.f32 $9.999999770e-03, v21;
	v42 =	vmul.f32 $9.999999740e-05, v21  }
0x32f: {  	v19 =	vtrunc.f32 v40;
	v44 =	vcvt.s32.f32 v15  }
0x330: {  	v58 =	vcvt.f32.s32 v19;
	v17 =	vtrunc.f32 v39  }
0x331: {  	v17 =	vcvt.f32.s32 v17;
	v45 =	vmul.f32 $1.000000010e-01, v44  }
0x332: {  	v16 =	vadd.s32 v16, v20;
	v46 =	vmul.f32 $9.999999770e-03, v44;
	v47 =	vmul.f32 $1.000000050e-03, v44  }
0x333: {  	v61 =	vmul.u32 $0xFFFFFFF6, v58;
	v48 =	vmul.f32 $9.999999740e-05, v44;
	v24 =	vmul.f32 $9.999999740e-06, v44  }
0x334: {  	v13 =	vadd.s32 v18, v13;
	v25 =	vtrunc.f32 v45;
	v50 =	vtrunc.f32 v46  }
0x335: {  	v14 =	vadd.s32 v14, v61;
	v53 =	vtrunc.f32 v24;
	v25 =	vcvt.f32.s32 v25  }
0x336: {  	v49 =	vmul.u32 $0xFFFFFFF6, v17;
	[tilespmem:s28+$0x370] =	vst v17;
	v20 =	vtrunc.f32 v47;
	v17 =	vcvt.f32.s32 v53  }
0x337: {  	[tilespmem:s26+$0x470] =	vst v13;
	v13 =	vtrunc.f32 v48;
	v18 =	vcvt.f32.s32 v50;
	v52 =	vmul.u32 $0xFFFFFFF6, v25  }
0x338: {  	[tilespmem:s26+$0x4F0] =	vst v16;
	v20 =	vcvt.f32.s32 v20;
	v13 =	vcvt.f32.s32 v13;
	v57 =	vmul.u32 $0xFFFFFFF6, v17  }
0x339: {  	v43 =	vmul.f32 $1.000000050e-03, v21;
	[tilespmem:s28+$0x5F0] =	vst v14;
	v54 =	vmul.u32 $0xFFFFFFF6, v18;
	v15 =	vadd.s32 v15, v52  }
0x33a: {  	v55 =	vmul.u32 $0xFFFFFFF6, v20;
	v56 =	vmul.u32 $0xFFFFFFF6, v13;
	v13 =	vadd.s32 v13, v57;
	[tilespmem:s28+$0x2F0] =	vst v15  }
0x33b: {  	v22 =	vtrunc.f32 v41;
	v23 =	vtrunc.f32 v42;
	v15 =	vadd.s32 v25, v54;
	[tilespmem:s28+$0xF0] =	vst v13  }
0x33c: {  	v60 =	vcvt.f32.s32 v22;
	v23 =	vcvt.f32.s32 v23;
	[tilespmem:s28+$0x270] =	vst v15;
	v15 =	vadd.s32 v18, v55  }
0x33d: {  	v59 =	vtrunc.f32 v43;
	[tilespmem:s28+$0x1F0] =	vst v15;
	v15 =	vadd.s32 v20, v56  }
0x33e: {  	s0 =	smul.u32 $0x1E0000, s21;
	s21 =	sadd.s32 $0x1, s21;
	v51 =	vadd.s32 v23, v49;
	v13 =	vmul.u32 $0xFFFFFFF6, v60;
	[tilespmem:s28+$0x170] =	vst v15;
	v15 =	vcvt.f32.s32 v59  }
0x33f: {  	p0 =	seq.s32 s21, $0xA;
	v63 =	vmul.u32 $0xFFFFFFF6, v23;
	[tilespmem:s28+$0x3F0] =	vst v51  }
.Ltmp2:
0x340: {  	[tilespmem:s28+$0x70] =	vst v17;
	v13 =	vadd.s32 v58, v13;
	v62 =	vmul.u32 $0xFFFFFFF6, v15;
	(pc) =	sbr.rel @!p0 .LBB2_6-.Ltmp2, $4  }
0x341: {  	s0 =	sadd.s32 s20, s0;
	[tilespmem:s28+$0x570] =	vst v13;
	v14 =	vadd.s32 v15, v63  }
0x342: {  	s25 =	sadd.s32 $0x1, s25;
	s22 =	sadd.s32 $0xA00, s22;
	s0 =	sshrl.u32 s0, $0x3;
	[tilespmem:s28+$0x470] =	vst v14;
	v13 =	vadd.s32 v60, v62  }
0x343: {  	s24 =	sadd.s32 $0x3C00, s24;
	s23 =	sadd.s32 $0x1, s23;
	s0 =	sadd.s32 s2, s0;
	[tilespmem:s28+$0x4F0] =	vst v13  }
0x344: {  	[hbm4b:s0+s10] =	stream.strided.scatter [tilespmem:s30], [sflag:s25], $0x3C00, s11, s10, $0x38;
	[tilespmem:$0x19800] =	vst v63  }
0x345: {  	p0 =	seq.s32 s18, $0x4  }
.Ltmp3:
0x346: {  	_ = 	snop;
	(pc) =	sbr.rel @!p0 .LBB2_3-.Ltmp3, $2  }
0x347: {  	_ =	sdelay $0x2  }
0x348: {  	s16 =	sadd.s32 $0x25800, s16;
	s17 =	sadd.s32 $0xA, s17  }
0x349: {  	_ =	swait.ge [sflag:s12], $0x3C00  }
0x34a: {  	[sflag:s12] =	ssyncset.done $0x0  }
0x34b: {  	s15 =	sadd.s32 $0x1, s15;
	[sflag:s12] =	ssyncadd.s32 $0xFFFFC400  }
0x34c: {  	p0 =	sne.s32 s15, s7;
	_ =	swait.ge [sflag:s13], $0x3C00  }
.Ltmp4:
0x34d: {  	[sflag:s13] =	ssyncset.done $0x0;
	(pc) =	sbr.rel @p0 .LBB2_1-.Ltmp4, $4  }
0x34e: {  	[sflag:s13] =	ssyncadd.s32 $0xFFFFC400  }
0x34f: {  	_ =	swait.ge [sflag:s14], $0x3C00  }
0x350: {  	[sflag:s14] =	ssyncset.done $0x0  }
0x351: {  	[sflag:s14] =	ssyncadd.s32 $0xFFFFC400  }
0x352: {  	_ =	sfence.sel $0x180000  }
0x353: {  	[bflag:$0x0] =	sbarrier.arrive $0xFFFF  }
0x354: {  	_ =	strace $0x90000047  }
0x355: {  	[bflag:$0x2] =	sbarrier.arrive $0xFFFF  }
0x356: {  	p0 =	sne.s32 s1, $0x0;
	s0 =	rddreg [dreg:$0x2]  }
0x357: {  	s0 =	sadd.s32 @!p0 $0x100000, s0  }
0x358: {  	[sflag:s0] =	ssyncadd.tile.s32 @!p0 $0x1;
	_ =	shalt  }
.Lfunc_end2:
_tile_overlayer_lowered:
.L_overlay_start_2:
0x359: {  	(tag) =	ssettag $0x2  }
0x35a: {  	s0 =	rddreg [dreg:$0x0];
	s2 =	stileid.u32  }
0x35b: {  	s1 =	rddreg [dreg:$0x1];
	p0 =	sne.s32 s2, $0x0  }
0x35c: {  	s3 =	rddreg [dreg:$0x2];
	[bflag:$0x3] =	sbarrier.arrive $0xFFFF;
	s2 =	simm.s32 @!p0 $0x1C05  }
0x35d: {  	[timem:s3], [sflag:s2] =	dma.local @!p0 [hbm:s0], s1  }
0x35e: {  	s0 =	simm.s32 @!p0 $0x5  }
0x35f: {  	_ =	swait.ge @!p0 [sflag:s0], s1  }
0x360: {  	s1 =	ssub.s32 @!p0 $0x0, s1;
	[sflag:s0] =	ssyncset.done @!p0 $0x0  }
0x361: {  	[sflag:s0] =	ssyncadd.s32 @!p0 s1  }
0x362: {  	[bflag:$0x3] =	sbarrier.arrive $0xFFFF  }
0x363: {  	_ =	shalt  }

</sc_bundles>
